<compile_context>
chip_gen: v7x
topology: tpu7x:2x2x1
jax: 0.10.2.dev20260603
libtpu: 0.0.44.dev20260713+nightly
codegen_flags: <defaults>
</compile_context>

<pallas_src>
import functools

import jax
import jax.numpy as jnp
from jax import lax
from jax.experimental import pallas as pl
from jax.experimental.pallas import tpu as pltpu
from jax.experimental.pallas import tpu_sc as plsc

N_BINS = 2048
HIDDEN = 64
BATCH = 16384
FIELDS = 100

NC = 2
NS = 16
NW = NC * NS
LANES = 16

TPB = 128
NT0 = BATCH // TPB
T0_PER_W = NT0 // NW
H8 = HIDDEN // 8

_mesh = plsc.VectorSubcoreMesh(core_axis_name="c", subcore_axis_name="s")


@functools.partial(
    pl.kernel,
    mesh=_mesh,
    out_type=jax.ShapeDtypeStruct((FIELDS, H8, NT0, 8, TPB), jnp.float32),
    scratch_types=[
        pltpu.VMEM((N_BINS,), jnp.float32),
        pltpu.VMEM((FIELDS, TPB), jnp.float32),
        pltpu.VMEM((FIELDS, TPB), jnp.int32),
        pltpu.VMEM((2, TPB, HIDDEN), jnp.float32),
        pltpu.VMEM((TPB * (HIDDEN + 1),), jnp.float32),
        pltpu.VMEM((2, H8, 1, 8, TPB), jnp.float32),
        pltpu.SemaphoreType.DMA,
        pltpu.SemaphoreType.DMA,
        pltpu.SemaphoreType.DMA,
        pltpu.SemaphoreType.DMA,
    ],
    compiler_params=pltpu.CompilerParams(
        needs_layout_passes=False, use_tc_tiling_on_sc=False,
        disable_bounds_checks=True),
)
def _emb_kernel(xT_hbm, bounds_hbm, table_hbm, out_hbm,
                bounds_v, x_v, idx_v, rows_v, skew_v, tile_v,
                gsem0, gsem1, osem0, osem1):
    wid = lax.axis_index("s") * NC + lax.axis_index("c")
    pltpu.sync_copy(bounds_hbm, bounds_v)
    iota = lax.iota(jnp.int32, LANES)
    SKW = HIDDEN + 1
    iota_skw = iota * SKW

    def compute_idx(f):
        for v in range(TPB // LANES):
            xv = x_v[f, pl.ds(v * LANES, LANES)]
            k = jnp.clip((xv * jnp.float32(2046.0)).astype(jnp.int32),
                         1, N_BINS - 3)
            b0 = plsc.load_gather(bounds_v, [k - 1])
            b1 = plsc.load_gather(bounds_v, [k])
            b2 = plsc.load_gather(bounds_v, [k + 1])
            one = jnp.int32(1)
            zero = jnp.int32(0)
            idx = ((k - 1)
                   + jnp.where(b0 < xv, one, zero)
                   + jnp.where(b1 < xv, one, zero)
                   + jnp.where(b2 < xv, one, zero))
            idx_v[f, pl.ds(v * LANES, LANES)] = idx

    def t0_body(ti, carry):
        t0 = wid * T0_PER_W + ti
        pltpu.sync_copy(xT_hbm.at[:, pl.ds(t0 * TPB, TPB)], x_v)
        plsc.parallel_loop(0, FIELDS, 1, unroll=2)(compute_idx)

        gsems = (gsem0, gsem1)
        osems = (osem0, osem1)

        def gather(f, slot):
            pltpu.async_copy(table_hbm.at[idx_v.at[f]],
                             rows_v.at[slot], gsems[slot])

        def wait_gather(slot):
            pltpu.make_async_copy(table_hbm.at[pl.ds(0, TPB)],
                                  rows_v.at[slot], gsems[slot]).wait()

        def wait_owrite(slot):
            pltpu.make_async_copy(out_hbm.at[0, :, pl.ds(0, 1)],
                                  tile_v.at[slot], osems[slot]).wait()

        def transpose(slot):
            rv = rows_v.at[slot]
            tv = tile_v.at[slot]

            @plsc.parallel_loop(0, TPB, 1, unroll=4)
            def repack(l):
                for k in range(HIDDEN // LANES):
                    v = rv[l, pl.ds(k * LANES, LANES)]
                    plsc.store_scatter(
                        skew_v, [iota + (l * SKW + k * LANES)], v)

            @plsc.parallel_loop(0, HIDDEN, 1, unroll=2)
            def tbody(h):
                t2 = h // 8
                s = h % 8
                for L in range(TPB // LANES):
                    tv[t2, 0, s, pl.ds(L * LANES, LANES)] = (
                        plsc.load_gather(
                            skew_v, [iota_skw + (L * LANES * SKW + h)]))

        def owrite(f, slot):
            pltpu.async_copy(tile_v.at[slot],
                             out_hbm.at[f, :, pl.ds(t0, 1)], osems[slot])

        gather(0, 0)

        def f_body(f2, carry):
            f = f2 * 2
            gather(f + 1, 1)
            wait_gather(0)
            transpose(0)

            @pl.when(f2 > 0)
            def _():
                wait_owrite(0)
            owrite(f, 0)

            @pl.when(f2 < FIELDS // 2 - 1)
            def _():
                gather(f + 2, 0)
            wait_gather(1)
            transpose(1)

            @pl.when(f2 > 0)
            def _():
                wait_owrite(1)
            owrite(f + 1, 1)
            return carry

        lax.fori_loop(0, FIELDS // 2, f_body, 0)
        wait_owrite(0)
        wait_owrite(1)
        return carry

    lax.fori_loop(0, T0_PER_W, t0_body, 0)


def kernel(x, table):
    bounds = jnp.linspace(0.0, 1.0, N_BINS - 1, dtype=jnp.float32)
    bounds = jnp.concatenate([bounds, jnp.ones((1,), jnp.float32)])
    out = _emb_kernel(jnp.transpose(x), bounds, table)
    return out.transpose((2, 4, 0, 1, 3)).reshape(BATCH, FIELDS, HIDDEN)

# --- scband reference (transcript-rebuilt; emitter-appended) ---
"""Pipeline reference for scband-quantization-embedding-7842610283162 (READ-ONLY COPY).

The authoritative reference and input builder live on the scoring server;
editing this copy changes nothing except your own understanding.
"""

import jax, jax.numpy as jnp
import numpy as np

N_BINS = 2048
HIDDEN = 64
MIN_VAL = 0.0
MAX_VAL = 1.0
BATCH = 16384
FIELDS = 100


def setup_inputs(seed: int = 0) -> dict:
    key = jax.random.key(seed)
    k1, k2 = jax.random.split(key)
    # values to be quantized, uniform in [min_val, max_val)
    x = jax.random.uniform(k1, (BATCH, FIELDS), dtype=jnp.float32, minval=MIN_VAL, maxval=MAX_VAL)
    # learned embedding table: nn.Embedding(n_bins, hidden), default init N(0,1)
    table = jax.random.normal(k2, (N_BINS, HIDDEN), dtype=jnp.float32)
    return {"x": x, "table": table}


def reference(x, table):
    # quantization_type == 'linear': bounds = linspace(min_val, max_val, n_bins - 1)
    bounds = jnp.linspace(MIN_VAL, MAX_VAL, N_BINS - 1, dtype=jnp.float32)
    # torch.bucketize(x, bounds) with right=False (default):
    # returns i such that bounds[i-1] < x <= bounds[i]  -> searchsorted side='left'
    idx = jnp.searchsorted(bounds, x, side='left')
    # embedding lookup: gather rows of the table
    return jnp.take(table, idx, axis=0)

if __name__ == "__main__":
    import jax
    _d = setup_inputs()
    print(jax.jit(kernel)(*tuple(_d.values())))

</pallas_src>

<mosaic_0001>
#map = affine_map<(d0, d1) -> (0, 0)>
#map1 = affine_map<(d0, d1) -> (0)>
#map2 = affine_map<(d0, d1) -> (0, 0, 0, 0, 0)>
module attributes {stable_mosaic.version = 14 : i64} {
  func.func @_emb_kernel(%arg0: i32, %arg1: i32, %arg2: memref<100x16384xf32, #tpu.memory_space<hbm>>, %arg3: memref<2048xf32, #tpu.memory_space<hbm>>, %arg4: memref<2048x64xf32, #tpu.memory_space<hbm>>, %arg5: memref<100x8x128x8x128xf32, #tpu.memory_space<hbm>>, %arg6: memref<2048xf32, #tpu.memory_space<vmem>>, %arg7: memref<100x128xf32, #tpu.memory_space<vmem>>, %arg8: memref<100x128xi32, #tpu.memory_space<vmem>>, %arg9: memref<2x128x64xf32, #tpu.memory_space<vmem>>, %arg10: memref<8320xf32, #tpu.memory_space<vmem>>, %arg11: memref<2x8x1x8x128xf32, #tpu.memory_space<vmem>>, %arg12: memref<!tpu.dma_semaphore, #tpu.memory_space<semaphore_mem>>, %arg13: memref<!tpu.dma_semaphore, #tpu.memory_space<semaphore_mem>>, %arg14: memref<!tpu.dma_semaphore, #tpu.memory_space<semaphore_mem>>, %arg15: memref<!tpu.dma_semaphore, #tpu.memory_space<semaphore_mem>>) attributes {dimension_semantics = [#tpu.dimension_semantics<core_parallel>, #tpu.dimension_semantics<subcore_parallel>], iteration_bounds = array<i64: 2, 16>, scalar_prefetch = 0 : i64, scratch_operands = 10 : i64, tpu.core_type = #tpu.core_type<sc_vector_subcore>, window_params = [{transform_indices = #map}, {transform_indices = #map1}, {transform_indices = #map}, {transform_indices = #map2}]} {
    %mul3A = arith.constant 2 : i32
    %mul3A_0 = arith.muli %arg1, %mul3A : i32
    %add3A = arith.addi %mul3A_0, %arg0 : i32
    "tpu.region"() ({
      %run_scoped3A = tpu.sem_alloc : memref<!tpu.dma_semaphore, #tpu.memory_space<semaphore_mem>>
      tpu.enqueue_dma source(%arg3 : memref<2048xf32, #tpu.memory_space<hbm>>) target(%arg6 : memref<2048xf32, #tpu.memory_space<vmem>>) target_semaphore(%run_scoped3A : memref<!tpu.dma_semaphore, #tpu.memory_space<semaphore_mem>>)
      tpu.wait_dma2 semaphore(%run_scoped3A : memref<!tpu.dma_semaphore, #tpu.memory_space<semaphore_mem>>) src(%arg3 : memref<2048xf32, #tpu.memory_space<hbm>>) dst(%arg6 : memref<2048xf32, #tpu.memory_space<vmem>>)
      tpu.yield
    }) : () -> ()
    %iota3A = tpu.iota {dimensions = array<i32: 0>} : vector<16xi32>
    %mul3A_1 = arith.constant 65 : i32
    %mul3A_2 = vector.broadcast %mul3A_1 : i32 to vector<16xi32>
    %mul3A_3 = arith.muli %iota3A, %mul3A_2 : vector<16xi32>
    %scan3A = arith.constant 0 : i32
    %scan3A_4 = arith.constant 0 : i32
    %scan3A_5 = arith.constant 4 : i32
    %scan3A_6 = arith.addi %scan3A_4, %scan3A_5 : i32
    %scan3A_7 = arith.constant 1 : i32
    scf.for %scan3A_9 = %scan3A_4 to %scan3A_6 step %scan3A_7  : i32 {
      %mul3A_10 = arith.constant 4 : i32
      %mul3A_11 = arith.muli %add3A, %mul3A_10 : i32
      %add3A_12 = arith.addi %mul3A_11, %scan3A_9 : i32
      %mul3A_13 = arith.constant 128 : i32
      %mul3A_14 = arith.muli %add3A_12, %mul3A_13 : i32
      "tpu.region"() ({
        %run_scoped3A = tpu.sem_alloc : memref<!tpu.dma_semaphore, #tpu.memory_space<semaphore_mem>>
        %dma_start3A_85 = arith.constant 0 : i32
        %dma_start3A_86 = tpu.memref_slice %arg2[%dma_start3A_85, %mul3A_14] : memref<100x16384xf32, #tpu.memory_space<hbm>> -> memref<100x128xf32, #tpu.memory_space<hbm>>
        %dma_start3A_87 = arith.constant 0 : i32
        %dma_start3A_88 = tpu.memref_slice %arg2[%dma_start3A_87, %mul3A_14] : memref<100x16384xf32, #tpu.memory_space<hbm>> -> memref<100x128xf32, #tpu.memory_space<hbm>>
        tpu.enqueue_dma source(%dma_start3A_88 : memref<100x128xf32, #tpu.memory_space<hbm>>) target(%arg7 : memref<100x128xf32, #tpu.memory_space<vmem>>) target_semaphore(%run_scoped3A : memref<!tpu.dma_semaphore, #tpu.memory_space<semaphore_mem>>)
        %dma_wait3A_89 = arith.constant 0 : i32
        %dma_wait3A_90 = tpu.memref_slice %arg2[%dma_wait3A_89, %mul3A_14] : memref<100x16384xf32, #tpu.memory_space<hbm>> -> memref<100x128xf32, #tpu.memory_space<hbm>>
        %dma_wait3A_91 = arith.constant 0 : i32
        %dma_wait3A_92 = tpu.memref_slice %arg2[%dma_wait3A_91, %mul3A_14] : memref<100x16384xf32, #tpu.memory_space<hbm>> -> memref<100x128xf32, #tpu.memory_space<hbm>>
        tpu.wait_dma2 semaphore(%run_scoped3A : memref<!tpu.dma_semaphore, #tpu.memory_space<semaphore_mem>>) src(%dma_wait3A_92 : memref<100x128xf32, #tpu.memory_space<hbm>>) dst(%arg7 : memref<100x128xf32, #tpu.memory_space<vmem>>)
        tpu.yield
      }) : () -> ()
      %parallel_loop3A = arith.constant 0 : i32
      %parallel_loop3A_15 = arith.constant 100 : i32
      %parallel_loop3A_16 = arith.constant 1 : i32
      scf.for %parallel_loop3A_85 = %parallel_loop3A to %parallel_loop3A_15 step %parallel_loop3A_16  : i32 {
        %parallel_loop3A_86 = arith.index_cast %parallel_loop3A_85 : i32 to index
        %parallel_loop3A_87 = arith.constant 0 : index
        %parallel_loop3A_88 = tpu.vector_load %arg7[%parallel_loop3A_86, %parallel_loop3A_87] {strides = array<i32>} : memref<100x128xf32, #tpu.memory_space<vmem>>, vector<16xf32>,
        %parallel_loop3A_89 = arith.constant 2.046000e+03 : f32
        %parallel_loop3A_90 = vector.broadcast %parallel_loop3A_89 : f32 to vector<16xf32>
        %parallel_loop3A_91 = arith.mulf %parallel_loop3A_88, %parallel_loop3A_90 : vector<16xf32>
        %parallel_loop3A_92 = arith.fptosi %parallel_loop3A_91 : vector<16xf32> to vector<16xi32>
        %parallel_loop3A_93 = arith.constant 1 : i32
        %parallel_loop3A_94 = arith.constant 2045 : i32
        %parallel_loop3A_95 = vector.broadcast %parallel_loop3A_93 : i32 to vector<16xi32>
        %parallel_loop3A_96 = arith.maxsi %parallel_loop3A_95, %parallel_loop3A_92 : vector<16xi32>
        %parallel_loop3A_97 = vector.broadcast %parallel_loop3A_94 : i32 to vector<16xi32>
        %parallel_loop3A_98 = arith.minsi %parallel_loop3A_97, %parallel_loop3A_96 : vector<16xi32>
        %parallel_loop3A_99 = arith.constant 1 : i32
        %parallel_loop3A_100 = vector.broadcast %parallel_loop3A_99 : i32 to vector<16xi32>
        %parallel_loop3A_101 = arith.subi %parallel_loop3A_98, %parallel_loop3A_100 : vector<16xi32>
        %parallel_loop3A_102 = tpu.vector_load_idx %arg6[%parallel_loop3A_101] : memref<2048xf32, #tpu.memory_space<vmem>>[vector<16xi32>], vector<16xf32>,
        %parallel_loop3A_103 = tpu.vector_load_idx %arg6[%parallel_loop3A_98] : memref<2048xf32, #tpu.memory_space<vmem>>[vector<16xi32>], vector<16xf32>,
        %parallel_loop3A_104 = arith.constant 1 : i32
        %parallel_loop3A_105 = vector.broadcast %parallel_loop3A_104 : i32 to vector<16xi32>
        %parallel_loop3A_106 = arith.addi %parallel_loop3A_98, %parallel_loop3A_105 : vector<16xi32>
        %parallel_loop3A_107 = tpu.vector_load_idx %arg6[%parallel_loop3A_106] : memref<2048xf32, #tpu.memory_space<vmem>>[vector<16xi32>], vector<16xf32>,
        %parallel_loop3A_108 = arith.constant 1 : i32
        %parallel_loop3A_109 = vector.broadcast %parallel_loop3A_108 : i32 to vector<16xi32>
        %parallel_loop3A_110 = arith.subi %parallel_loop3A_98, %parallel_loop3A_109 : vector<16xi32>
        %parallel_loop3A_111 = arith.cmpf olt, %parallel_loop3A_102, %parallel_loop3A_88 : vector<16xf32>
        %parallel_loop3A_112 = arith.constant 1 : i32
        %parallel_loop3A_113 = arith.constant 0 : i32
        %parallel_loop3A_114 = vector.broadcast %parallel_loop3A_112 : i32 to vector<16xi32>
        %parallel_loop3A_115 = vector.broadcast %parallel_loop3A_113 : i32 to vector<16xi32>
        %parallel_loop3A_116 = arith.select %parallel_loop3A_111, %parallel_loop3A_114, %parallel_loop3A_115 : vector<16xi1>, vector<16xi32>
        %parallel_loop3A_117 = arith.addi %parallel_loop3A_110, %parallel_loop3A_116 : vector<16xi32>
        %parallel_loop3A_118 = arith.cmpf olt, %parallel_loop3A_103, %parallel_loop3A_88 : vector<16xf32>
        %parallel_loop3A_119 = arith.constant 1 : i32
        %parallel_loop3A_120 = arith.constant 0 : i32
        %parallel_loop3A_121 = vector.broadcast %parallel_loop3A_119 : i32 to vector<16xi32>
        %parallel_loop3A_122 = vector.broadcast %parallel_loop3A_120 : i32 to vector<16xi32>
        %parallel_loop3A_123 = arith.select %parallel_loop3A_118, %parallel_loop3A_121, %parallel_loop3A_122 : vector<16xi1>, vector<16xi32>
        %parallel_loop3A_124 = arith.addi %parallel_loop3A_117, %parallel_loop3A_123 : vector<16xi32>
        %parallel_loop3A_125 = arith.cmpf olt, %parallel_loop3A_107, %parallel_loop3A_88 : vector<16xf32>
        %parallel_loop3A_126 = arith.constant 1 : i32
        %parallel_loop3A_127 = arith.constant 0 : i32
        %parallel_loop3A_128 = vector.broadcast %parallel_loop3A_126 : i32 to vector<16xi32>
        %parallel_loop3A_129 = vector.broadcast %parallel_loop3A_127 : i32 to vector<16xi32>
        %parallel_loop3A_130 = arith.select %parallel_loop3A_125, %parallel_loop3A_128, %parallel_loop3A_129 : vector<16xi1>, vector<16xi32>
        %parallel_loop3A_131 = arith.addi %parallel_loop3A_124, %parallel_loop3A_130 : vector<16xi32>
        %parallel_loop3A_132 = arith.index_cast %parallel_loop3A_85 : i32 to index
        %parallel_loop3A_133 = arith.constant 0 : index
        %parallel_loop3A_134 = tpu.vector_load %arg8[%parallel_loop3A_132, %parallel_loop3A_133] {strides = array<i32>} : memref<100x128xi32, #tpu.memory_space<vmem>>, vector<16xi32>,
        tpu.vector_store %arg8[%parallel_loop3A_132, %parallel_loop3A_133], %parallel_loop3A_131 {strides = array<i32>} : memref<100x128xi32, #tpu.memory_space<vmem>>, vector<16xi32>,
        %parallel_loop3A_135 = arith.index_cast %parallel_loop3A_85 : i32 to index
        %parallel_loop3A_136 = arith.constant 16 : index
        %parallel_loop3A_137 = tpu.vector_load %arg7[%parallel_loop3A_135, %parallel_loop3A_136] {strides = array<i32>} : memref<100x128xf32, #tpu.memory_space<vmem>>, vector<16xf32>,
        %parallel_loop3A_138 = arith.constant 2.046000e+03 : f32
        %parallel_loop3A_139 = vector.broadcast %parallel_loop3A_138 : f32 to vector<16xf32>
        %parallel_loop3A_140 = arith.mulf %parallel_loop3A_137, %parallel_loop3A_139 : vector<16xf32>
        %parallel_loop3A_141 = arith.fptosi %parallel_loop3A_140 : vector<16xf32> to vector<16xi32>
        %parallel_loop3A_142 = arith.constant 1 : i32
        %parallel_loop3A_143 = arith.constant 2045 : i32
        %parallel_loop3A_144 = vector.broadcast %parallel_loop3A_142 : i32 to vector<16xi32>
        %parallel_loop3A_145 = arith.maxsi %parallel_loop3A_144, %parallel_loop3A_141 : vector<16xi32>
        %parallel_loop3A_146 = vector.broadcast %parallel_loop3A_143 : i32 to vector<16xi32>
        %parallel_loop3A_147 = arith.minsi %parallel_loop3A_146, %parallel_loop3A_145 : vector<16xi32>
        %parallel_loop3A_148 = arith.constant 1 : i32
        %parallel_loop3A_149 = vector.broadcast %parallel_loop3A_148 : i32 to vector<16xi32>
        %parallel_loop3A_150 = arith.subi %parallel_loop3A_147, %parallel_loop3A_149 : vector<16xi32>
        %parallel_loop3A_151 = tpu.vector_load_idx %arg6[%parallel_loop3A_150] : memref<2048xf32, #tpu.memory_space<vmem>>[vector<16xi32>], vector<16xf32>,
        %parallel_loop3A_152 = tpu.vector_load_idx %arg6[%parallel_loop3A_147] : memref<2048xf32, #tpu.memory_space<vmem>>[vector<16xi32>], vector<16xf32>,
        %parallel_loop3A_153 = arith.constant 1 : i32
        %parallel_loop3A_154 = vector.broadcast %parallel_loop3A_153 : i32 to vector<16xi32>
        %parallel_loop3A_155 = arith.addi %parallel_loop3A_147, %parallel_loop3A_154 : vector<16xi32>
        %parallel_loop3A_156 = tpu.vector_load_idx %arg6[%parallel_loop3A_155] : memref<2048xf32, #tpu.memory_space<vmem>>[vector<16xi32>], vector<16xf32>,
        %parallel_loop3A_157 = arith.constant 1 : i32
        %parallel_loop3A_158 = vector.broadcast %parallel_loop3A_157 : i32 to vector<16xi32>
        %parallel_loop3A_159 = arith.subi %parallel_loop3A_147, %parallel_loop3A_158 : vector<16xi32>
        %parallel_loop3A_160 = arith.cmpf olt, %parallel_loop3A_151, %parallel_loop3A_137 : vector<16xf32>
        %parallel_loop3A_161 = arith.constant 1 : i32
        %parallel_loop3A_162 = arith.constant 0 : i32
        %parallel_loop3A_163 = vector.broadcast %parallel_loop3A_161 : i32 to vector<16xi32>
        %parallel_loop3A_164 = vector.broadcast %parallel_loop3A_162 : i32 to vector<16xi32>
        %parallel_loop3A_165 = arith.select %parallel_loop3A_160, %parallel_loop3A_163, %parallel_loop3A_164 : vector<16xi1>, vector<16xi32>
        %parallel_loop3A_166 = arith.addi %parallel_loop3A_159, %parallel_loop3A_165 : vector<16xi32>
        %parallel_loop3A_167 = arith.cmpf olt, %parallel_loop3A_152, %parallel_loop3A_137 : vector<16xf32>
        %parallel_loop3A_168 = arith.constant 1 : i32
        %parallel_loop3A_169 = arith.constant 0 : i32
        %parallel_loop3A_170 = vector.broadcast %parallel_loop3A_168 : i32 to vector<16xi32>
        %parallel_loop3A_171 = vector.broadcast %parallel_loop3A_169 : i32 to vector<16xi32>
        %parallel_loop3A_172 = arith.select %parallel_loop3A_167, %parallel_loop3A_170, %parallel_loop3A_171 : vector<16xi1>, vector<16xi32>
        %parallel_loop3A_173 = arith.addi %parallel_loop3A_166, %parallel_loop3A_172 : vector<16xi32>
        %parallel_loop3A_174 = arith.cmpf olt, %parallel_loop3A_156, %parallel_loop3A_137 : vector<16xf32>
        %parallel_loop3A_175 = arith.constant 1 : i32
        %parallel_loop3A_176 = arith.constant 0 : i32
        %parallel_loop3A_177 = vector.broadcast %parallel_loop3A_175 : i32 to vector<16xi32>
        %parallel_loop3A_178 = vector.broadcast %parallel_loop3A_176 : i32 to vector<16xi32>
        %parallel_loop3A_179 = arith.select %parallel_loop3A_174, %parallel_loop3A_177, %parallel_loop3A_178 : vector<16xi1>, vector<16xi32>
        %parallel_loop3A_180 = arith.addi %parallel_loop3A_173, %parallel_loop3A_179 : vector<16xi32>
        %parallel_loop3A_181 = arith.index_cast %parallel_loop3A_85 : i32 to index
        %parallel_loop3A_182 = arith.constant 16 : index
        %parallel_loop3A_183 = tpu.vector_load %arg8[%parallel_loop3A_181, %parallel_loop3A_182] {strides = array<i32>} : memref<100x128xi32, #tpu.memory_space<vmem>>, vector<16xi32>,
        tpu.vector_store %arg8[%parallel_loop3A_181, %parallel_loop3A_182], %parallel_loop3A_180 {strides = array<i32>} : memref<100x128xi32, #tpu.memory_space<vmem>>, vector<16xi32>,
        %parallel_loop3A_184 = arith.index_cast %parallel_loop3A_85 : i32 to index
        %parallel_loop3A_185 = arith.constant 32 : index
        %parallel_loop3A_186 = tpu.vector_load %arg7[%parallel_loop3A_184, %parallel_loop3A_185] {strides = array<i32>} : memref<100x128xf32, #tpu.memory_space<vmem>>, vector<16xf32>,
        %parallel_loop3A_187 = arith.constant 2.046000e+03 : f32
        %parallel_loop3A_188 = vector.broadcast %parallel_loop3A_187 : f32 to vector<16xf32>
        %parallel_loop3A_189 = arith.mulf %parallel_loop3A_186, %parallel_loop3A_188 : vector<16xf32>
        %parallel_loop3A_190 = arith.fptosi %parallel_loop3A_189 : vector<16xf32> to vector<16xi32>
        %parallel_loop3A_191 = arith.constant 1 : i32
        %parallel_loop3A_192 = arith.constant 2045 : i32
        %parallel_loop3A_193 = vector.broadcast %parallel_loop3A_191 : i32 to vector<16xi32>
        %parallel_loop3A_194 = arith.maxsi %parallel_loop3A_193, %parallel_loop3A_190 : vector<16xi32>
        %parallel_loop3A_195 = vector.broadcast %parallel_loop3A_192 : i32 to vector<16xi32>
        %parallel_loop3A_196 = arith.minsi %parallel_loop3A_195, %parallel_loop3A_194 : vector<16xi32>
        %parallel_loop3A_197 = arith.constant 1 : i32
        %parallel_loop3A_198 = vector.broadcast %parallel_loop3A_197 : i32 to vector<16xi32>
        %parallel_loop3A_199 = arith.subi %parallel_loop3A_196, %parallel_loop3A_198 : vector<16xi32>
        %parallel_loop3A_200 = tpu.vector_load_idx %arg6[%parallel_loop3A_199] : memref<2048xf32, #tpu.memory_space<vmem>>[vector<16xi32>], vector<16xf32>,
        %parallel_loop3A_201 = tpu.vector_load_idx %arg6[%parallel_loop3A_196] : memref<2048xf32, #tpu.memory_space<vmem>>[vector<16xi32>], vector<16xf32>,
        %parallel_loop3A_202 = arith.constant 1 : i32
        %parallel_loop3A_203 = vector.broadcast %parallel_loop3A_202 : i32 to vector<16xi32>
        %parallel_loop3A_204 = arith.addi %parallel_loop3A_196, %parallel_loop3A_203 : vector<16xi32>
        %parallel_loop3A_205 = tpu.vector_load_idx %arg6[%parallel_loop3A_204] : memref<2048xf32, #tpu.memory_space<vmem>>[vector<16xi32>], vector<16xf32>,
        %parallel_loop3A_206 = arith.constant 1 : i32
        %parallel_loop3A_207 = vector.broadcast %parallel_loop3A_206 : i32 to vector<16xi32>
        %parallel_loop3A_208 = arith.subi %parallel_loop3A_196, %parallel_loop3A_207 : vector<16xi32>
        %parallel_loop3A_209 = arith.cmpf olt, %parallel_loop3A_200, %parallel_loop3A_186 : vector<16xf32>
        %parallel_loop3A_210 = arith.constant 1 : i32
        %parallel_loop3A_211 = arith.constant 0 : i32
        %parallel_loop3A_212 = vector.broadcast %parallel_loop3A_210 : i32 to vector<16xi32>
        %parallel_loop3A_213 = vector.broadcast %parallel_loop3A_211 : i32 to vector<16xi32>
        %parallel_loop3A_214 = arith.select %parallel_loop3A_209, %parallel_loop3A_212, %parallel_loop3A_213 : vector<16xi1>, vector<16xi32>
        %parallel_loop3A_215 = arith.addi %parallel_loop3A_208, %parallel_loop3A_214 : vector<16xi32>
        %parallel_loop3A_216 = arith.cmpf olt, %parallel_loop3A_201, %parallel_loop3A_186 : vector<16xf32>
        %parallel_loop3A_217 = arith.constant 1 : i32
        %parallel_loop3A_218 = arith.constant 0 : i32
        %parallel_loop3A_219 = vector.broadcast %parallel_loop3A_217 : i32 to vector<16xi32>
        %parallel_loop3A_220 = vector.broadcast %parallel_loop3A_218 : i32 to vector<16xi32>
        %parallel_loop3A_221 = arith.select %parallel_loop3A_216, %parallel_loop3A_219, %parallel_loop3A_220 : vector<16xi1>, vector<16xi32>
        %parallel_loop3A_222 = arith.addi %parallel_loop3A_215, %parallel_loop3A_221 : vector<16xi32>
        %parallel_loop3A_223 = arith.cmpf olt, %parallel_loop3A_205, %parallel_loop3A_186 : vector<16xf32>
        %parallel_loop3A_224 = arith.constant 1 : i32
        %parallel_loop3A_225 = arith.constant 0 : i32
        %parallel_loop3A_226 = vector.broadcast %parallel_loop3A_224 : i32 to vector<16xi32>
        %parallel_loop3A_227 = vector.broadcast %parallel_loop3A_225 : i32 to vector<16xi32>
        %parallel_loop3A_228 = arith.select %parallel_loop3A_223, %parallel_loop3A_226, %parallel_loop3A_227 : vector<16xi1>, vector<16xi32>
        %parallel_loop3A_229 = arith.addi %parallel_loop3A_222, %parallel_loop3A_228 : vector<16xi32>
        %parallel_loop3A_230 = arith.index_cast %parallel_loop3A_85 : i32 to index
        %parallel_loop3A_231 = arith.constant 32 : index
        %parallel_loop3A_232 = tpu.vector_load %arg8[%parallel_loop3A_230, %parallel_loop3A_231] {strides = array<i32>} : memref<100x128xi32, #tpu.memory_space<vmem>>, vector<16xi32>,
        tpu.vector_store %arg8[%parallel_loop3A_230, %parallel_loop3A_231], %parallel_loop3A_229 {strides = array<i32>} : memref<100x128xi32, #tpu.memory_space<vmem>>, vector<16xi32>,
        %parallel_loop3A_233 = arith.index_cast %parallel_loop3A_85 : i32 to index
        %parallel_loop3A_234 = arith.constant 48 : index
        %parallel_loop3A_235 = tpu.vector_load %arg7[%parallel_loop3A_233, %parallel_loop3A_234] {strides = array<i32>} : memref<100x128xf32, #tpu.memory_space<vmem>>, vector<16xf32>,
        %parallel_loop3A_236 = arith.constant 2.046000e+03 : f32
        %parallel_loop3A_237 = vector.broadcast %parallel_loop3A_236 : f32 to vector<16xf32>
        %parallel_loop3A_238 = arith.mulf %parallel_loop3A_235, %parallel_loop3A_237 : vector<16xf32>
        %parallel_loop3A_239 = arith.fptosi %parallel_loop3A_238 : vector<16xf32> to vector<16xi32>
        %parallel_loop3A_240 = arith.constant 1 : i32
        %parallel_loop3A_241 = arith.constant 2045 : i32
        %parallel_loop3A_242 = vector.broadcast %parallel_loop3A_240 : i32 to vector<16xi32>
        %parallel_loop3A_243 = arith.maxsi %parallel_loop3A_242, %parallel_loop3A_239 : vector<16xi32>
        %parallel_loop3A_244 = vector.broadcast %parallel_loop3A_241 : i32 to vector<16xi32>
        %parallel_loop3A_245 = arith.minsi %parallel_loop3A_244, %parallel_loop3A_243 : vector<16xi32>
        %parallel_loop3A_246 = arith.constant 1 : i32
        %parallel_loop3A_247 = vector.broadcast %parallel_loop3A_246 : i32 to vector<16xi32>
        %parallel_loop3A_248 = arith.subi %parallel_loop3A_245, %parallel_loop3A_247 : vector<16xi32>
        %parallel_loop3A_249 = tpu.vector_load_idx %arg6[%parallel_loop3A_248] : memref<2048xf32, #tpu.memory_space<vmem>>[vector<16xi32>], vector<16xf32>,
        %parallel_loop3A_250 = tpu.vector_load_idx %arg6[%parallel_loop3A_245] : memref<2048xf32, #tpu.memory_space<vmem>>[vector<16xi32>], vector<16xf32>,
        %parallel_loop3A_251 = arith.constant 1 : i32
        %parallel_loop3A_252 = vector.broadcast %parallel_loop3A_251 : i32 to vector<16xi32>
        %parallel_loop3A_253 = arith.addi %parallel_loop3A_245, %parallel_loop3A_252 : vector<16xi32>
        %parallel_loop3A_254 = tpu.vector_load_idx %arg6[%parallel_loop3A_253] : memref<2048xf32, #tpu.memory_space<vmem>>[vector<16xi32>], vector<16xf32>,
        %parallel_loop3A_255 = arith.constant 1 : i32
        %parallel_loop3A_256 = vector.broadcast %parallel_loop3A_255 : i32 to vector<16xi32>
        %parallel_loop3A_257 = arith.subi %parallel_loop3A_245, %parallel_loop3A_256 : vector<16xi32>
        %parallel_loop3A_258 = arith.cmpf olt, %parallel_loop3A_249, %parallel_loop3A_235 : vector<16xf32>
        %parallel_loop3A_259 = arith.constant 1 : i32
        %parallel_loop3A_260 = arith.constant 0 : i32
        %parallel_loop3A_261 = vector.broadcast %parallel_loop3A_259 : i32 to vector<16xi32>
        %parallel_loop3A_262 = vector.broadcast %parallel_loop3A_260 : i32 to vector<16xi32>
        %parallel_loop3A_263 = arith.select %parallel_loop3A_258, %parallel_loop3A_261, %parallel_loop3A_262 : vector<16xi1>, vector<16xi32>
        %parallel_loop3A_264 = arith.addi %parallel_loop3A_257, %parallel_loop3A_263 : vector<16xi32>
        %parallel_loop3A_265 = arith.cmpf olt, %parallel_loop3A_250, %parallel_loop3A_235 : vector<16xf32>
        %parallel_loop3A_266 = arith.constant 1 : i32
        %parallel_loop3A_267 = arith.constant 0 : i32
        %parallel_loop3A_268 = vector.broadcast %parallel_loop3A_266 : i32 to vector<16xi32>
        %parallel_loop3A_269 = vector.broadcast %parallel_loop3A_267 : i32 to vector<16xi32>
        %parallel_loop3A_270 = arith.select %parallel_loop3A_265, %parallel_loop3A_268, %parallel_loop3A_269 : vector<16xi1>, vector<16xi32>
        %parallel_loop3A_271 = arith.addi %parallel_loop3A_264, %parallel_loop3A_270 : vector<16xi32>
        %parallel_loop3A_272 = arith.cmpf olt, %parallel_loop3A_254, %parallel_loop3A_235 : vector<16xf32>
        %parallel_loop3A_273 = arith.constant 1 : i32
        %parallel_loop3A_274 = arith.constant 0 : i32
        %parallel_loop3A_275 = vector.broadcast %parallel_loop3A_273 : i32 to vector<16xi32>
        %parallel_loop3A_276 = vector.broadcast %parallel_loop3A_274 : i32 to vector<16xi32>
        %parallel_loop3A_277 = arith.select %parallel_loop3A_272, %parallel_loop3A_275, %parallel_loop3A_276 : vector<16xi1>, vector<16xi32>
        %parallel_loop3A_278 = arith.addi %parallel_loop3A_271, %parallel_loop3A_277 : vector<16xi32>
        %parallel_loop3A_279 = arith.index_cast %parallel_loop3A_85 : i32 to index
        %parallel_loop3A_280 = arith.constant 48 : index
        %parallel_loop3A_281 = tpu.vector_load %arg8[%parallel_loop3A_279, %parallel_loop3A_280] {strides = array<i32>} : memref<100x128xi32, #tpu.memory_space<vmem>>, vector<16xi32>,
        tpu.vector_store %arg8[%parallel_loop3A_279, %parallel_loop3A_280], %parallel_loop3A_278 {strides = array<i32>} : memref<100x128xi32, #tpu.memory_space<vmem>>, vector<16xi32>,
        %parallel_loop3A_282 = arith.index_cast %parallel_loop3A_85 : i32 to index
        %parallel_loop3A_283 = arith.constant 64 : index
        %parallel_loop3A_284 = tpu.vector_load %arg7[%parallel_loop3A_282, %parallel_loop3A_283] {strides = array<i32>} : memref<100x128xf32, #tpu.memory_space<vmem>>, vector<16xf32>,
        %parallel_loop3A_285 = arith.constant 2.046000e+03 : f32
        %parallel_loop3A_286 = vector.broadcast %parallel_loop3A_285 : f32 to vector<16xf32>
        %parallel_loop3A_287 = arith.mulf %parallel_loop3A_284, %parallel_loop3A_286 : vector<16xf32>
        %parallel_loop3A_288 = arith.fptosi %parallel_loop3A_287 : vector<16xf32> to vector<16xi32>
        %parallel_loop3A_289 = arith.constant 1 : i32
        %parallel_loop3A_290 = arith.constant 2045 : i32
        %parallel_loop3A_291 = vector.broadcast %parallel_loop3A_289 : i32 to vector<16xi32>
        %parallel_loop3A_292 = arith.maxsi %parallel_loop3A_291, %parallel_loop3A_288 : vector<16xi32>
        %parallel_loop3A_293 = vector.broadcast %parallel_loop3A_290 : i32 to vector<16xi32>
        %parallel_loop3A_294 = arith.minsi %parallel_loop3A_293, %parallel_loop3A_292 : vector<16xi32>
        %parallel_loop3A_295 = arith.constant 1 : i32
        %parallel_loop3A_296 = vector.broadcast %parallel_loop3A_295 : i32 to vector<16xi32>
        %parallel_loop3A_297 = arith.subi %parallel_loop3A_294, %parallel_loop3A_296 : vector<16xi32>
        %parallel_loop3A_298 = tpu.vector_load_idx %arg6[%parallel_loop3A_297] : memref<2048xf32, #tpu.memory_space<vmem>>[vector<16xi32>], vector<16xf32>,
        %parallel_loop3A_299 = tpu.vector_load_idx %arg6[%parallel_loop3A_294] : memref<2048xf32, #tpu.memory_space<vmem>>[vector<16xi32>], vector<16xf32>,
        %parallel_loop3A_300 = arith.constant 1 : i32
        %parallel_loop3A_301 = vector.broadcast %parallel_loop3A_300 : i32 to vector<16xi32>
        %parallel_loop3A_302 = arith.addi %parallel_loop3A_294, %parallel_loop3A_301 : vector<16xi32>
        %parallel_loop3A_303 = tpu.vector_load_idx %arg6[%parallel_loop3A_302] : memref<2048xf32, #tpu.memory_space<vmem>>[vector<16xi32>], vector<16xf32>,
        %parallel_loop3A_304 = arith.constant 1 : i32
        %parallel_loop3A_305 = vector.broadcast %parallel_loop3A_304 : i32 to vector<16xi32>
        %parallel_loop3A_306 = arith.subi %parallel_loop3A_294, %parallel_loop3A_305 : vector<16xi32>
        %parallel_loop3A_307 = arith.cmpf olt, %parallel_loop3A_298, %parallel_loop3A_284 : vector<16xf32>
        %parallel_loop3A_308 = arith.constant 1 : i32
        %parallel_loop3A_309 = arith.constant 0 : i32
        %parallel_loop3A_310 = vector.broadcast %parallel_loop3A_308 : i32 to vector<16xi32>
        %parallel_loop3A_311 = vector.broadcast %parallel_loop3A_309 : i32 to vector<16xi32>
        %parallel_loop3A_312 = arith.select %parallel_loop3A_307, %parallel_loop3A_310, %parallel_loop3A_311 : vector<16xi1>, vector<16xi32>
        %parallel_loop3A_313 = arith.addi %parallel_loop3A_306, %parallel_loop3A_312 : vector<16xi32>
        %parallel_loop3A_314 = arith.cmpf olt, %parallel_loop3A_299, %parallel_loop3A_284 : vector<16xf32>
        %parallel_loop3A_315 = arith.constant 1 : i32
        %parallel_loop3A_316 = arith.constant 0 : i32
        %parallel_loop3A_317 = vector.broadcast %parallel_loop3A_315 : i32 to vector<16xi32>
        %parallel_loop3A_318 = vector.broadcast %parallel_loop3A_316 : i32 to vector<16xi32>
        %parallel_loop3A_319 = arith.select %parallel_loop3A_314, %parallel_loop3A_317, %parallel_loop3A_318 : vector<16xi1>, vector<16xi32>
        %parallel_loop3A_320 = arith.addi %parallel_loop3A_313, %parallel_loop3A_319 : vector<16xi32>
        %parallel_loop3A_321 = arith.cmpf olt, %parallel_loop3A_303, %parallel_loop3A_284 : vector<16xf32>
        %parallel_loop3A_322 = arith.constant 1 : i32
        %parallel_loop3A_323 = arith.constant 0 : i32
        %parallel_loop3A_324 = vector.broadcast %parallel_loop3A_322 : i32 to vector<16xi32>
        %parallel_loop3A_325 = vector.broadcast %parallel_loop3A_323 : i32 to vector<16xi32>
        %parallel_loop3A_326 = arith.select %parallel_loop3A_321, %parallel_loop3A_324, %parallel_loop3A_325 : vector<16xi1>, vector<16xi32>
        %parallel_loop3A_327 = arith.addi %parallel_loop3A_320, %parallel_loop3A_326 : vector<16xi32>
        %parallel_loop3A_328 = arith.index_cast %parallel_loop3A_85 : i32 to index
        %parallel_loop3A_329 = arith.constant 64 : index
        %parallel_loop3A_330 = tpu.vector_load %arg8[%parallel_loop3A_328, %parallel_loop3A_329] {strides = array<i32>} : memref<100x128xi32, #tpu.memory_space<vmem>>, vector<16xi32>,
        tpu.vector_store %arg8[%parallel_loop3A_328, %parallel_loop3A_329], %parallel_loop3A_327 {strides = array<i32>} : memref<100x128xi32, #tpu.memory_space<vmem>>, vector<16xi32>,
        %parallel_loop3A_331 = arith.index_cast %parallel_loop3A_85 : i32 to index
        %parallel_loop3A_332 = arith.constant 80 : index
        %parallel_loop3A_333 = tpu.vector_load %arg7[%parallel_loop3A_331, %parallel_loop3A_332] {strides = array<i32>} : memref<100x128xf32, #tpu.memory_space<vmem>>, vector<16xf32>,
        %parallel_loop3A_334 = arith.constant 2.046000e+03 : f32
        %parallel_loop3A_335 = vector.broadcast %parallel_loop3A_334 : f32 to vector<16xf32>
        %parallel_loop3A_336 = arith.mulf %parallel_loop3A_333, %parallel_loop3A_335 : vector<16xf32>
        %parallel_loop3A_337 = arith.fptosi %parallel_loop3A_336 : vector<16xf32> to vector<16xi32>
        %parallel_loop3A_338 = arith.constant 1 : i32
        %parallel_loop3A_339 = arith.constant 2045 : i32
        %parallel_loop3A_340 = vector.broadcast %parallel_loop3A_338 : i32 to vector<16xi32>
        %parallel_loop3A_341 = arith.maxsi %parallel_loop3A_340, %parallel_loop3A_337 : vector<16xi32>
        %parallel_loop3A_342 = vector.broadcast %parallel_loop3A_339 : i32 to vector<16xi32>
        %parallel_loop3A_343 = arith.minsi %parallel_loop3A_342, %parallel_loop3A_341 : vector<16xi32>
        %parallel_loop3A_344 = arith.constant 1 : i32
        %parallel_loop3A_345 = vector.broadcast %parallel_loop3A_344 : i32 to vector<16xi32>
        %parallel_loop3A_346 = arith.subi %parallel_loop3A_343, %parallel_loop3A_345 : vector<16xi32>
        %parallel_loop3A_347 = tpu.vector_load_idx %arg6[%parallel_loop3A_346] : memref<2048xf32, #tpu.memory_space<vmem>>[vector<16xi32>], vector<16xf32>,
        %parallel_loop3A_348 = tpu.vector_load_idx %arg6[%parallel_loop3A_343] : memref<2048xf32, #tpu.memory_space<vmem>>[vector<16xi32>], vector<16xf32>,
        %parallel_loop3A_349 = arith.constant 1 : i32
        %parallel_loop3A_350 = vector.broadcast %parallel_loop3A_349 : i32 to vector<16xi32>
        %parallel_loop3A_351 = arith.addi %parallel_loop3A_343, %parallel_loop3A_350 : vector<16xi32>
        %parallel_loop3A_352 = tpu.vector_load_idx %arg6[%parallel_loop3A_351] : memref<2048xf32, #tpu.memory_space<vmem>>[vector<16xi32>], vector<16xf32>,
        %parallel_loop3A_353 = arith.constant 1 : i32
        %parallel_loop3A_354 = vector.broadcast %parallel_loop3A_353 : i32 to vector<16xi32>
        %parallel_loop3A_355 = arith.subi %parallel_loop3A_343, %parallel_loop3A_354 : vector<16xi32>
        %parallel_loop3A_356 = arith.cmpf olt, %parallel_loop3A_347, %parallel_loop3A_333 : vector<16xf32>
        %parallel_loop3A_357 = arith.constant 1 : i32
        %parallel_loop3A_358 = arith.constant 0 : i32
        %parallel_loop3A_359 = vector.broadcast %parallel_loop3A_357 : i32 to vector<16xi32>
        %parallel_loop3A_360 = vector.broadcast %parallel_loop3A_358 : i32 to vector<16xi32>
        %parallel_loop3A_361 = arith.select %parallel_loop3A_356, %parallel_loop3A_359, %parallel_loop3A_360 : vector<16xi1>, vector<16xi32>
        %parallel_loop3A_362 = arith.addi %parallel_loop3A_355, %parallel_loop3A_361 : vector<16xi32>
        %parallel_loop3A_363 = arith.cmpf olt, %parallel_loop3A_348, %parallel_loop3A_333 : vector<16xf32>
        %parallel_loop3A_364 = arith.constant 1 : i32
        %parallel_loop3A_365 = arith.constant 0 : i32
        %parallel_loop3A_366 = vector.broadcast %parallel_loop3A_364 : i32 to vector<16xi32>
        %parallel_loop3A_367 = vector.broadcast %parallel_loop3A_365 : i32 to vector<16xi32>
        %parallel_loop3A_368 = arith.select %parallel_loop3A_363, %parallel_loop3A_366, %parallel_loop3A_367 : vector<16xi1>, vector<16xi32>
        %parallel_loop3A_369 = arith.addi %parallel_loop3A_362, %parallel_loop3A_368 : vector<16xi32>
        %parallel_loop3A_370 = arith.cmpf olt, %parallel_loop3A_352, %parallel_loop3A_333 : vector<16xf32>
        %parallel_loop3A_371 = arith.constant 1 : i32
        %parallel_loop3A_372 = arith.constant 0 : i32
        %parallel_loop3A_373 = vector.broadcast %parallel_loop3A_371 : i32 to vector<16xi32>
        %parallel_loop3A_374 = vector.broadcast %parallel_loop3A_372 : i32 to vector<16xi32>
        %parallel_loop3A_375 = arith.select %parallel_loop3A_370, %parallel_loop3A_373, %parallel_loop3A_374 : vector<16xi1>, vector<16xi32>
        %parallel_loop3A_376 = arith.addi %parallel_loop3A_369, %parallel_loop3A_375 : vector<16xi32>
        %parallel_loop3A_377 = arith.index_cast %parallel_loop3A_85 : i32 to index
        %parallel_loop3A_378 = arith.constant 80 : index
        %parallel_loop3A_379 = tpu.vector_load %arg8[%parallel_loop3A_377, %parallel_loop3A_378] {strides = array<i32>} : memref<100x128xi32, #tpu.memory_space<vmem>>, vector<16xi32>,
        tpu.vector_store %arg8[%parallel_loop3A_377, %parallel_loop3A_378], %parallel_loop3A_376 {strides = array<i32>} : memref<100x128xi32, #tpu.memory_space<vmem>>, vector<16xi32>,
        %parallel_loop3A_380 = arith.index_cast %parallel_loop3A_85 : i32 to index
        %parallel_loop3A_381 = arith.constant 96 : index
        %parallel_loop3A_382 = tpu.vector_load %arg7[%parallel_loop3A_380, %parallel_loop3A_381] {strides = array<i32>} : memref<100x128xf32, #tpu.memory_space<vmem>>, vector<16xf32>,
        %parallel_loop3A_383 = arith.constant 2.046000e+03 : f32
        %parallel_loop3A_384 = vector.broadcast %parallel_loop3A_383 : f32 to vector<16xf32>
        %parallel_loop3A_385 = arith.mulf %parallel_loop3A_382, %parallel_loop3A_384 : vector<16xf32>
        %parallel_loop3A_386 = arith.fptosi %parallel_loop3A_385 : vector<16xf32> to vector<16xi32>
        %parallel_loop3A_387 = arith.constant 1 : i32
        %parallel_loop3A_388 = arith.constant 2045 : i32
        %parallel_loop3A_389 = vector.broadcast %parallel_loop3A_387 : i32 to vector<16xi32>
        %parallel_loop3A_390 = arith.maxsi %parallel_loop3A_389, %parallel_loop3A_386 : vector<16xi32>
        %parallel_loop3A_391 = vector.broadcast %parallel_loop3A_388 : i32 to vector<16xi32>
        %parallel_loop3A_392 = arith.minsi %parallel_loop3A_391, %parallel_loop3A_390 : vector<16xi32>
        %parallel_loop3A_393 = arith.constant 1 : i32
        %parallel_loop3A_394 = vector.broadcast %parallel_loop3A_393 : i32 to vector<16xi32>
        %parallel_loop3A_395 = arith.subi %parallel_loop3A_392, %parallel_loop3A_394 : vector<16xi32>
        %parallel_loop3A_396 = tpu.vector_load_idx %arg6[%parallel_loop3A_395] : memref<2048xf32, #tpu.memory_space<vmem>>[vector<16xi32>], vector<16xf32>,
        %parallel_loop3A_397 = tpu.vector_load_idx %arg6[%parallel_loop3A_392] : memref<2048xf32, #tpu.memory_space<vmem>>[vector<16xi32>], vector<16xf32>,
        %parallel_loop3A_398 = arith.constant 1 : i32
        %parallel_loop3A_399 = vector.broadcast %parallel_loop3A_398 : i32 to vector<16xi32>
        %parallel_loop3A_400 = arith.addi %parallel_loop3A_392, %parallel_loop3A_399 : vector<16xi32>
        %parallel_loop3A_401 = tpu.vector_load_idx %arg6[%parallel_loop3A_400] : memref<2048xf32, #tpu.memory_space<vmem>>[vector<16xi32>], vector<16xf32>,
        %parallel_loop3A_402 = arith.constant 1 : i32
        %parallel_loop3A_403 = vector.broadcast %parallel_loop3A_402 : i32 to vector<16xi32>
        %parallel_loop3A_404 = arith.subi %parallel_loop3A_392, %parallel_loop3A_403 : vector<16xi32>
        %parallel_loop3A_405 = arith.cmpf olt, %parallel_loop3A_396, %parallel_loop3A_382 : vector<16xf32>
        %parallel_loop3A_406 = arith.constant 1 : i32
        %parallel_loop3A_407 = arith.constant 0 : i32
        %parallel_loop3A_408 = vector.broadcast %parallel_loop3A_406 : i32 to vector<16xi32>
        %parallel_loop3A_409 = vector.broadcast %parallel_loop3A_407 : i32 to vector<16xi32>
        %parallel_loop3A_410 = arith.select %parallel_loop3A_405, %parallel_loop3A_408, %parallel_loop3A_409 : vector<16xi1>, vector<16xi32>
        %parallel_loop3A_411 = arith.addi %parallel_loop3A_404, %parallel_loop3A_410 : vector<16xi32>
        %parallel_loop3A_412 = arith.cmpf olt, %parallel_loop3A_397, %parallel_loop3A_382 : vector<16xf32>
        %parallel_loop3A_413 = arith.constant 1 : i32
        %parallel_loop3A_414 = arith.constant 0 : i32
        %parallel_loop3A_415 = vector.broadcast %parallel_loop3A_413 : i32 to vector<16xi32>
        %parallel_loop3A_416 = vector.broadcast %parallel_loop3A_414 : i32 to vector<16xi32>
        %parallel_loop3A_417 = arith.select %parallel_loop3A_412, %parallel_loop3A_415, %parallel_loop3A_416 : vector<16xi1>, vector<16xi32>
        %parallel_loop3A_418 = arith.addi %parallel_loop3A_411, %parallel_loop3A_417 : vector<16xi32>
        %parallel_loop3A_419 = arith.cmpf olt, %parallel_loop3A_401, %parallel_loop3A_382 : vector<16xf32>
        %parallel_loop3A_420 = arith.constant 1 : i32
        %parallel_loop3A_421 = arith.constant 0 : i32
        %parallel_loop3A_422 = vector.broadcast %parallel_loop3A_420 : i32 to vector<16xi32>
        %parallel_loop3A_423 = vector.broadcast %parallel_loop3A_421 : i32 to vector<16xi32>
        %parallel_loop3A_424 = arith.select %parallel_loop3A_419, %parallel_loop3A_422, %parallel_loop3A_423 : vector<16xi1>, vector<16xi32>
        %parallel_loop3A_425 = arith.addi %parallel_loop3A_418, %parallel_loop3A_424 : vector<16xi32>
        %parallel_loop3A_426 = arith.index_cast %parallel_loop3A_85 : i32 to index
        %parallel_loop3A_427 = arith.constant 96 : index
        %parallel_loop3A_428 = tpu.vector_load %arg8[%parallel_loop3A_426, %parallel_loop3A_427] {strides = array<i32>} : memref<100x128xi32, #tpu.memory_space<vmem>>, vector<16xi32>,
        tpu.vector_store %arg8[%parallel_loop3A_426, %parallel_loop3A_427], %parallel_loop3A_425 {strides = array<i32>} : memref<100x128xi32, #tpu.memory_space<vmem>>, vector<16xi32>,
        %parallel_loop3A_429 = arith.index_cast %parallel_loop3A_85 : i32 to index
        %parallel_loop3A_430 = arith.constant 112 : index
        %parallel_loop3A_431 = tpu.vector_load %arg7[%parallel_loop3A_429, %parallel_loop3A_430] {strides = array<i32>} : memref<100x128xf32, #tpu.memory_space<vmem>>, vector<16xf32>,
        %parallel_loop3A_432 = arith.constant 2.046000e+03 : f32
        %parallel_loop3A_433 = vector.broadcast %parallel_loop3A_432 : f32 to vector<16xf32>
        %parallel_loop3A_434 = arith.mulf %parallel_loop3A_431, %parallel_loop3A_433 : vector<16xf32>
        %parallel_loop3A_435 = arith.fptosi %parallel_loop3A_434 : vector<16xf32> to vector<16xi32>
        %parallel_loop3A_436 = arith.constant 1 : i32
        %parallel_loop3A_437 = arith.constant 2045 : i32
        %parallel_loop3A_438 = vector.broadcast %parallel_loop3A_436 : i32 to vector<16xi32>
        %parallel_loop3A_439 = arith.maxsi %parallel_loop3A_438, %parallel_loop3A_435 : vector<16xi32>
        %parallel_loop3A_440 = vector.broadcast %parallel_loop3A_437 : i32 to vector<16xi32>
        %parallel_loop3A_441 = arith.minsi %parallel_loop3A_440, %parallel_loop3A_439 : vector<16xi32>
        %parallel_loop3A_442 = arith.constant 1 : i32
        %parallel_loop3A_443 = vector.broadcast %parallel_loop3A_442 : i32 to vector<16xi32>
        %parallel_loop3A_444 = arith.subi %parallel_loop3A_441, %parallel_loop3A_443 : vector<16xi32>
        %parallel_loop3A_445 = tpu.vector_load_idx %arg6[%parallel_loop3A_444] : memref<2048xf32, #tpu.memory_space<vmem>>[vector<16xi32>], vector<16xf32>,
        %parallel_loop3A_446 = tpu.vector_load_idx %arg6[%parallel_loop3A_441] : memref<2048xf32, #tpu.memory_space<vmem>>[vector<16xi32>], vector<16xf32>,
        %parallel_loop3A_447 = arith.constant 1 : i32
        %parallel_loop3A_448 = vector.broadcast %parallel_loop3A_447 : i32 to vector<16xi32>
        %parallel_loop3A_449 = arith.addi %parallel_loop3A_441, %parallel_loop3A_448 : vector<16xi32>
        %parallel_loop3A_450 = tpu.vector_load_idx %arg6[%parallel_loop3A_449] : memref<2048xf32, #tpu.memory_space<vmem>>[vector<16xi32>], vector<16xf32>,
        %parallel_loop3A_451 = arith.constant 1 : i32
        %parallel_loop3A_452 = vector.broadcast %parallel_loop3A_451 : i32 to vector<16xi32>
        %parallel_loop3A_453 = arith.subi %parallel_loop3A_441, %parallel_loop3A_452 : vector<16xi32>
        %parallel_loop3A_454 = arith.cmpf olt, %parallel_loop3A_445, %parallel_loop3A_431 : vector<16xf32>
        %parallel_loop3A_455 = arith.constant 1 : i32
        %parallel_loop3A_456 = arith.constant 0 : i32
        %parallel_loop3A_457 = vector.broadcast %parallel_loop3A_455 : i32 to vector<16xi32>
        %parallel_loop3A_458 = vector.broadcast %parallel_loop3A_456 : i32 to vector<16xi32>
        %parallel_loop3A_459 = arith.select %parallel_loop3A_454, %parallel_loop3A_457, %parallel_loop3A_458 : vector<16xi1>, vector<16xi32>
        %parallel_loop3A_460 = arith.addi %parallel_loop3A_453, %parallel_loop3A_459 : vector<16xi32>
        %parallel_loop3A_461 = arith.cmpf olt, %parallel_loop3A_446, %parallel_loop3A_431 : vector<16xf32>
        %parallel_loop3A_462 = arith.constant 1 : i32
        %parallel_loop3A_463 = arith.constant 0 : i32
        %parallel_loop3A_464 = vector.broadcast %parallel_loop3A_462 : i32 to vector<16xi32>
        %parallel_loop3A_465 = vector.broadcast %parallel_loop3A_463 : i32 to vector<16xi32>
        %parallel_loop3A_466 = arith.select %parallel_loop3A_461, %parallel_loop3A_464, %parallel_loop3A_465 : vector<16xi1>, vector<16xi32>
        %parallel_loop3A_467 = arith.addi %parallel_loop3A_460, %parallel_loop3A_466 : vector<16xi32>
        %parallel_loop3A_468 = arith.cmpf olt, %parallel_loop3A_450, %parallel_loop3A_431 : vector<16xf32>
        %parallel_loop3A_469 = arith.constant 1 : i32
        %parallel_loop3A_470 = arith.constant 0 : i32
        %parallel_loop3A_471 = vector.broadcast %parallel_loop3A_469 : i32 to vector<16xi32>
        %parallel_loop3A_472 = vector.broadcast %parallel_loop3A_470 : i32 to vector<16xi32>
        %parallel_loop3A_473 = arith.select %parallel_loop3A_468, %parallel_loop3A_471, %parallel_loop3A_472 : vector<16xi1>, vector<16xi32>
        %parallel_loop3A_474 = arith.addi %parallel_loop3A_467, %parallel_loop3A_473 : vector<16xi32>
        %parallel_loop3A_475 = arith.index_cast %parallel_loop3A_85 : i32 to index
        %parallel_loop3A_476 = arith.constant 112 : index
        %parallel_loop3A_477 = tpu.vector_load %arg8[%parallel_loop3A_475, %parallel_loop3A_476] {strides = array<i32>} : memref<100x128xi32, #tpu.memory_space<vmem>>, vector<16xi32>,
        tpu.vector_store %arg8[%parallel_loop3A_475, %parallel_loop3A_476], %parallel_loop3A_474 {strides = array<i32>} : memref<100x128xi32, #tpu.memory_space<vmem>>, vector<16xi32>,
      } {sc.loop_unroll_factor = 2 : i64, sc.parallel_access}
      %dma_start3A = arith.constant 0 : i32
      %dma_start3A_17 = arith.constant 0 : i32
      %dma_start3A_18 = arith.constant 0 : i32
      %dma_start3A_19 = arith.constant 0 : i32
      %dma_start3A_20 = tpu.memref_slice %arg9[%dma_start3A_17, %dma_start3A_18, %dma_start3A_19] : memref<2x128x64xf32, #tpu.memory_space<vmem>> -> memref<1x128x64xf32, #tpu.memory_space<vmem>>
      %dma_start3A_21 = tpu.memref_squeeze %dma_start3A_20 : memref<1x128x64xf32, #tpu.memory_space<vmem>> -> memref<128x64xf32, #tpu.memory_space<vmem>>
      %dma_start3A_22 = arith.constant 0 : i32
      %dma_start3A_23 = tpu.memref_slice %arg8[%dma_start3A, %dma_start3A_22] : memref<100x128xi32, #tpu.memory_space<vmem>> -> memref<1x128xi32, #tpu.memory_space<vmem>>
      %dma_start3A_24 = tpu.memref_squeeze %dma_start3A_23 : memref<1x128xi32, #tpu.memory_space<vmem>> -> memref<128xi32, #tpu.memory_space<vmem>>
      %dma_start3A_25 = arith.constant 0 : i32
      %dma_start3A_26 = arith.constant 0 : i32
      %dma_start3A_27 = tpu.memref_slice %arg4[%dma_start3A_25, %dma_start3A_26] : memref<2048x64xf32, #tpu.memory_space<hbm>> -> memref<2048x64xf32, #tpu.memory_space<hbm>>
      tpu.enqueue_indirect_dma source(%dma_start3A_27 : memref<2048x64xf32, #tpu.memory_space<hbm>>) target(%dma_start3A_21 : memref<128x64xf32, #tpu.memory_space<vmem>>) offsets(%dma_start3A_24 : memref<128xi32, #tpu.memory_space<vmem>>) semaphore(%arg12 : memref<!tpu.dma_semaphore, #tpu.memory_space<semaphore_mem>>)
      %scan3A_28 = arith.constant 0 : i32
      %scan3A_29 = arith.constant 0 : i32
      %scan3A_30 = arith.constant 50 : i32
      %scan3A_31 = arith.addi %scan3A_29, %scan3A_30 : i32
      %scan3A_32 = arith.constant 1 : i32
      scf.for %scan3A_85 = %scan3A_29 to %scan3A_31 step %scan3A_32  : i32 {
        %mul3A_86 = arith.constant 2 : i32
        %mul3A_87 = arith.muli %scan3A_85, %mul3A_86 : i32
        %add3A_88 = arith.constant 1 : i32
        %add3A_89 = arith.addi %mul3A_87, %add3A_88 : i32
        %dma_start3A_90 = arith.constant 1 : i32
        %dma_start3A_91 = arith.constant 0 : i32
        %dma_start3A_92 = arith.constant 0 : i32
        %dma_start3A_93 = tpu.memref_slice %arg9[%dma_start3A_90, %dma_start3A_91, %dma_start3A_92] : memref<2x128x64xf32, #tpu.memory_space<vmem>> -> memref<1x128x64xf32, #tpu.memory_space<vmem>>
        %dma_start3A_94 = tpu.memref_squeeze %dma_start3A_93 : memref<1x128x64xf32, #tpu.memory_space<vmem>> -> memref<128x64xf32, #tpu.memory_space<vmem>>
        %dma_start3A_95 = arith.constant 0 : i32
        %dma_start3A_96 = tpu.memref_slice %arg8[%add3A_89, %dma_start3A_95] : memref<100x128xi32, #tpu.memory_space<vmem>> -> memref<1x128xi32, #tpu.memory_space<vmem>>
        %dma_start3A_97 = tpu.memref_squeeze %dma_start3A_96 : memref<1x128xi32, #tpu.memory_space<vmem>> -> memref<128xi32, #tpu.memory_space<vmem>>
        %dma_start3A_98 = arith.constant 0 : i32
        %dma_start3A_99 = arith.constant 0 : i32
        %dma_start3A_100 = tpu.memref_slice %arg4[%dma_start3A_98, %dma_start3A_99] : memref<2048x64xf32, #tpu.memory_space<hbm>> -> memref<2048x64xf32, #tpu.memory_space<hbm>>
        tpu.enqueue_indirect_dma source(%dma_start3A_100 : memref<2048x64xf32, #tpu.memory_space<hbm>>) target(%dma_start3A_94 : memref<128x64xf32, #tpu.memory_space<vmem>>) offsets(%dma_start3A_97 : memref<128xi32, #tpu.memory_space<vmem>>) semaphore(%arg13 : memref<!tpu.dma_semaphore, #tpu.memory_space<semaphore_mem>>)
        %dma_wait3A_101 = arith.constant 0 : i32
        %dma_wait3A_102 = arith.constant 0 : i32
        %dma_wait3A_103 = arith.constant 0 : i32
        %dma_wait3A_104 = tpu.memref_slice %arg9[%dma_wait3A_101, %dma_wait3A_102, %dma_wait3A_103] : memref<2x128x64xf32, #tpu.memory_space<vmem>> -> memref<1x128x64xf32, #tpu.memory_space<vmem>>
        %dma_wait3A_105 = tpu.memref_squeeze %dma_wait3A_104 : memref<1x128x64xf32, #tpu.memory_space<vmem>> -> memref<128x64xf32, #tpu.memory_space<vmem>>
        %dma_wait3A_106 = arith.constant 0 : i32
        %dma_wait3A_107 = arith.constant 0 : i32
        %dma_wait3A_108 = tpu.memref_slice %arg4[%dma_wait3A_106, %dma_wait3A_107] : memref<2048x64xf32, #tpu.memory_space<hbm>> -> memref<128x64xf32, #tpu.memory_space<hbm>>
        %dma_wait3A_109 = arith.constant 0 : i32
        %dma_wait3A_110 = arith.constant 0 : i32
        %dma_wait3A_111 = tpu.memref_slice %arg9[%dma_wait3A_101, %dma_wait3A_109, %dma_wait3A_110] : memref<2x128x64xf32, #tpu.memory_space<vmem>> -> memref<1x128x64xf32, #tpu.memory_space<vmem>>
        %dma_wait3A_112 = tpu.memref_squeeze %dma_wait3A_111 : memref<1x128x64xf32, #tpu.memory_space<vmem>> -> memref<128x64xf32, #tpu.memory_space<vmem>>
        %dma_wait3A_113 = arith.constant 0 : i32
        %dma_wait3A_114 = arith.constant 0 : i32
        %dma_wait3A_115 = tpu.memref_slice %arg4[%dma_wait3A_113, %dma_wait3A_114] : memref<2048x64xf32, #tpu.memory_space<hbm>> -> memref<128x64xf32, #tpu.memory_space<hbm>>
        tpu.wait_dma2 semaphore(%arg12 : memref<!tpu.dma_semaphore, #tpu.memory_space<semaphore_mem>>) src(%dma_wait3A_115 : memref<128x64xf32, #tpu.memory_space<hbm>>) dst(%dma_wait3A_112 : memref<128x64xf32, #tpu.memory_space<vmem>>)
        %parallel_loop3A_116 = arith.constant 0 : i32
        %parallel_loop3A_117 = arith.constant 128 : i32
        %parallel_loop3A_118 = arith.constant 1 : i32
        %parallel_loop3A_119 = arith.constant 0 : i32
        scf.for %parallel_loop3A_206 = %parallel_loop3A_116 to %parallel_loop3A_117 step %parallel_loop3A_118  : i32 {
          %parallel_loop3A_207 = arith.constant 0 : i32
          %parallel_loop3A_208 = arith.constant 0 : i32
          %parallel_loop3A_209 = tpu.memref_slice %arg9[%parallel_loop3A_119, %parallel_loop3A_207, %parallel_loop3A_208] : memref<2x128x64xf32, #tpu.memory_space<vmem>> -> memref<1x128x64xf32, #tpu.memory_space<vmem>>
          %parallel_loop3A_210 = tpu.memref_squeeze %parallel_loop3A_209 : memref<1x128x64xf32, #tpu.memory_space<vmem>> -> memref<128x64xf32, #tpu.memory_space<vmem>>
          %parallel_loop3A_211 = arith.index_cast %parallel_loop3A_206 : i32 to index
          %parallel_loop3A_212 = arith.constant 0 : index
          %parallel_loop3A_213 = tpu.vector_load %parallel_loop3A_210[%parallel_loop3A_211, %parallel_loop3A_212] {strides = array<i32>} : memref<128x64xf32, #tpu.memory_space<vmem>>, vector<16xf32>,
          %parallel_loop3A_214 = arith.constant 65 : i32
          %parallel_loop3A_215 = arith.muli %parallel_loop3A_206, %parallel_loop3A_214 : i32
          %parallel_loop3A_216 = arith.constant 0 : i32
          %parallel_loop3A_217 = arith.addi %parallel_loop3A_215, %parallel_loop3A_216 : i32
          %parallel_loop3A_218 = vector.broadcast %parallel_loop3A_217 : i32 to vector<16xi32>
          %parallel_loop3A_219 = arith.addi %iota3A, %parallel_loop3A_218 : vector<16xi32>
          tpu.vector_store_idx %arg10[%parallel_loop3A_219], %parallel_loop3A_213 : memref<8320xf32, #tpu.memory_space<vmem>>[vector<16xi32>], vector<16xf32>,
          %parallel_loop3A_220 = arith.constant 0 : i32
          %parallel_loop3A_221 = arith.constant 0 : i32
          %parallel_loop3A_222 = tpu.memref_slice %arg9[%parallel_loop3A_119, %parallel_loop3A_220, %parallel_loop3A_221] : memref<2x128x64xf32, #tpu.memory_space<vmem>> -> memref<1x128x64xf32, #tpu.memory_space<vmem>>
          %parallel_loop3A_223 = tpu.memref_squeeze %parallel_loop3A_222 : memref<1x128x64xf32, #tpu.memory_space<vmem>> -> memref<128x64xf32, #tpu.memory_space<vmem>>
          %parallel_loop3A_224 = arith.index_cast %parallel_loop3A_206 : i32 to index
          %parallel_loop3A_225 = arith.constant 16 : index
          %parallel_loop3A_226 = tpu.vector_load %parallel_loop3A_223[%parallel_loop3A_224, %parallel_loop3A_225] {strides = array<i32>} : memref<128x64xf32, #tpu.memory_space<vmem>>, vector<16xf32>,
          %parallel_loop3A_227 = arith.constant 65 : i32
          %parallel_loop3A_228 = arith.muli %parallel_loop3A_206, %parallel_loop3A_227 : i32
          %parallel_loop3A_229 = arith.constant 16 : i32
          %parallel_loop3A_230 = arith.addi %parallel_loop3A_228, %parallel_loop3A_229 : i32
          %parallel_loop3A_231 = vector.broadcast %parallel_loop3A_230 : i32 to vector<16xi32>
          %parallel_loop3A_232 = arith.addi %iota3A, %parallel_loop3A_231 : vector<16xi32>
          tpu.vector_store_idx %arg10[%parallel_loop3A_232], %parallel_loop3A_226 : memref<8320xf32, #tpu.memory_space<vmem>>[vector<16xi32>], vector<16xf32>,
          %parallel_loop3A_233 = arith.constant 0 : i32
          %parallel_loop3A_234 = arith.constant 0 : i32
          %parallel_loop3A_235 = tpu.memref_slice %arg9[%parallel_loop3A_119, %parallel_loop3A_233, %parallel_loop3A_234] : memref<2x128x64xf32, #tpu.memory_space<vmem>> -> memref<1x128x64xf32, #tpu.memory_space<vmem>>
          %parallel_loop3A_236 = tpu.memref_squeeze %parallel_loop3A_235 : memref<1x128x64xf32, #tpu.memory_space<vmem>> -> memref<128x64xf32, #tpu.memory_space<vmem>>
          %parallel_loop3A_237 = arith.index_cast %parallel_loop3A_206 : i32 to index
          %parallel_loop3A_238 = arith.constant 32 : index
          %parallel_loop3A_239 = tpu.vector_load %parallel_loop3A_236[%parallel_loop3A_237, %parallel_loop3A_238] {strides = array<i32>} : memref<128x64xf32, #tpu.memory_space<vmem>>, vector<16xf32>,
          %parallel_loop3A_240 = arith.constant 65 : i32
          %parallel_loop3A_241 = arith.muli %parallel_loop3A_206, %parallel_loop3A_240 : i32
          %parallel_loop3A_242 = arith.constant 32 : i32
          %parallel_loop3A_243 = arith.addi %parallel_loop3A_241, %parallel_loop3A_242 : i32
          %parallel_loop3A_244 = vector.broadcast %parallel_loop3A_243 : i32 to vector<16xi32>
          %parallel_loop3A_245 = arith.addi %iota3A, %parallel_loop3A_244 : vector<16xi32>
          tpu.vector_store_idx %arg10[%parallel_loop3A_245], %parallel_loop3A_239 : memref<8320xf32, #tpu.memory_space<vmem>>[vector<16xi32>], vector<16xf32>,
          %parallel_loop3A_246 = arith.constant 0 : i32
          %parallel_loop3A_247 = arith.constant 0 : i32
          %parallel_loop3A_248 = tpu.memref_slice %arg9[%parallel_loop3A_119, %parallel_loop3A_246, %parallel_loop3A_247] : memref<2x128x64xf32, #tpu.memory_space<vmem>> -> memref<1x128x64xf32, #tpu.memory_space<vmem>>
          %parallel_loop3A_249 = tpu.memref_squeeze %parallel_loop3A_248 : memref<1x128x64xf32, #tpu.memory_space<vmem>> -> memref<128x64xf32, #tpu.memory_space<vmem>>
          %parallel_loop3A_250 = arith.index_cast %parallel_loop3A_206 : i32 to index
          %parallel_loop3A_251 = arith.constant 48 : index
          %parallel_loop3A_252 = tpu.vector_load %parallel_loop3A_249[%parallel_loop3A_250, %parallel_loop3A_251] {strides = array<i32>} : memref<128x64xf32, #tpu.memory_space<vmem>>, vector<16xf32>,
          %parallel_loop3A_253 = arith.constant 65 : i32
          %parallel_loop3A_254 = arith.muli %parallel_loop3A_206, %parallel_loop3A_253 : i32
          %parallel_loop3A_255 = arith.constant 48 : i32
          %parallel_loop3A_256 = arith.addi %parallel_loop3A_254, %parallel_loop3A_255 : i32
          %parallel_loop3A_257 = vector.broadcast %parallel_loop3A_256 : i32 to vector<16xi32>
          %parallel_loop3A_258 = arith.addi %iota3A, %parallel_loop3A_257 : vector<16xi32>
          tpu.vector_store_idx %arg10[%parallel_loop3A_258], %parallel_loop3A_252 : memref<8320xf32, #tpu.memory_space<vmem>>[vector<16xi32>], vector<16xf32>,
        } {sc.loop_unroll_factor = 4 : i64, sc.parallel_access}
        %parallel_loop3A_120 = arith.constant 0 : i32
        %parallel_loop3A_121 = arith.constant 64 : i32
        %parallel_loop3A_122 = arith.constant 1 : i32
        %parallel_loop3A_123 = arith.constant 0 : i32
        scf.for %parallel_loop3A_206 = %parallel_loop3A_120 to %parallel_loop3A_121 step %parallel_loop3A_122  : i32 {
          %parallel_loop3A_207 = arith.constant 8 : i32
          %parallel_loop3A_208 = arith.divsi %parallel_loop3A_206, %parallel_loop3A_207 : i32
          %parallel_loop3A_209 = arith.constant 0 : i32
          %parallel_loop3A_210 = arith.cmpi sgt, %parallel_loop3A_206, %parallel_loop3A_209 : i32
          %parallel_loop3A_211 = arith.extui %parallel_loop3A_210 : i1 to i32
          %parallel_loop3A_212 = arith.constant 0 : i32
          %parallel_loop3A_213 = arith.cmpi slt, %parallel_loop3A_206, %parallel_loop3A_212 : i32
          %parallel_loop3A_214 = arith.extui %parallel_loop3A_213 : i1 to i32
          %parallel_loop3A_215 = arith.subi %parallel_loop3A_211, %parallel_loop3A_214 : i32
          %parallel_loop3A_216 = arith.constant 0 : i32
          %parallel_loop3A_217 = arith.cmpi sgt, %parallel_loop3A_207, %parallel_loop3A_216 : i32
          %parallel_loop3A_218 = arith.extui %parallel_loop3A_217 : i1 to i32
          %parallel_loop3A_219 = arith.constant 0 : i32
          %parallel_loop3A_220 = arith.cmpi slt, %parallel_loop3A_207, %parallel_loop3A_219 : i32
          %parallel_loop3A_221 = arith.extui %parallel_loop3A_220 : i1 to i32
          %parallel_loop3A_222 = arith.subi %parallel_loop3A_218, %parallel_loop3A_221 : i32
          %parallel_loop3A_223 = arith.cmpi ne, %parallel_loop3A_215, %parallel_loop3A_222 : i32
          %parallel_loop3A_224 = arith.remsi %parallel_loop3A_206, %parallel_loop3A_207 : i32
          %parallel_loop3A_225 = arith.constant 0 : i32
          %parallel_loop3A_226 = arith.cmpi ne, %parallel_loop3A_224, %parallel_loop3A_225 : i32
          %parallel_loop3A_227 = arith.andi %parallel_loop3A_223, %parallel_loop3A_226 : i1
          %parallel_loop3A_228 = arith.constant 1 : i32
          %parallel_loop3A_229 = arith.subi %parallel_loop3A_208, %parallel_loop3A_228 : i32
          %parallel_loop3A_230 = arith.select %parallel_loop3A_227, %parallel_loop3A_229, %parallel_loop3A_208 : i32
          %parallel_loop3A_231 = arith.constant 8 : i32
          %parallel_loop3A_232 = arith.constant 0 : i32
          %parallel_loop3A_233 = arith.cmpi eq, %parallel_loop3A_231, %parallel_loop3A_232 : i32
          %parallel_loop3A_234 = arith.constant 1 : i32
          %parallel_loop3A_235 = arith.select %parallel_loop3A_233, %parallel_loop3A_234, %parallel_loop3A_231 : i32
          %parallel_loop3A_236 = arith.remsi %parallel_loop3A_206, %parallel_loop3A_235 : i32
          %parallel_loop3A_237 = arith.constant 0 : i32
          %parallel_loop3A_238 = arith.cmpi ne, %parallel_loop3A_236, %parallel_loop3A_237 : i32
          %parallel_loop3A_239 = arith.constant 0 : i32
          %parallel_loop3A_240 = arith.cmpi slt, %parallel_loop3A_236, %parallel_loop3A_239 : i32
          %parallel_loop3A_241 = arith.constant 0 : i32
          %parallel_loop3A_242 = arith.cmpi slt, %parallel_loop3A_235, %parallel_loop3A_241 : i32
          %parallel_loop3A_243 = arith.xori %parallel_loop3A_240, %parallel_loop3A_242 : i1
          %parallel_loop3A_244 = arith.andi %parallel_loop3A_243, %parallel_loop3A_238 : i1
          %parallel_loop3A_245 = arith.addi %parallel_loop3A_236, %parallel_loop3A_235 : i32
          %parallel_loop3A_246 = arith.select %parallel_loop3A_244, %parallel_loop3A_245, %parallel_loop3A_236 : i32
          %parallel_loop3A_247 = arith.constant 0 : i32
          %parallel_loop3A_248 = arith.addi %parallel_loop3A_247, %parallel_loop3A_206 : i32
          %parallel_loop3A_249 = vector.broadcast %parallel_loop3A_248 : i32 to vector<16xi32>
          %parallel_loop3A_250 = arith.addi %mul3A_3, %parallel_loop3A_249 : vector<16xi32>
          %parallel_loop3A_251 = tpu.vector_load_idx %arg10[%parallel_loop3A_250] : memref<8320xf32, #tpu.memory_space<vmem>>[vector<16xi32>], vector<16xf32>,
          %parallel_loop3A_252 = arith.constant 0 : i32
          %parallel_loop3A_253 = arith.constant 0 : i32
          %parallel_loop3A_254 = arith.constant 0 : i32
          %parallel_loop3A_255 = arith.constant 0 : i32
          %parallel_loop3A_256 = arith.constant 0 : i32
          %parallel_loop3A_257 = tpu.memref_slice %arg11[%parallel_loop3A_123, %parallel_loop3A_253, %parallel_loop3A_254, %parallel_loop3A_255, %parallel_loop3A_256] : memref<2x8x1x8x128xf32, #tpu.memory_space<vmem>> -> memref<1x8x1x8x128xf32, #tpu.memory_space<vmem>>
          %parallel_loop3A_258 = tpu.memref_squeeze %parallel_loop3A_257 : memref<1x8x1x8x128xf32, #tpu.memory_space<vmem>> -> memref<8x1x8x128xf32, #tpu.memory_space<vmem>>
          %parallel_loop3A_259 = arith.index_cast %parallel_loop3A_230 : i32 to index
          %parallel_loop3A_260 = arith.index_cast %parallel_loop3A_252 : i32 to index
          %parallel_loop3A_261 = arith.index_cast %parallel_loop3A_246 : i32 to index
          %parallel_loop3A_262 = arith.constant 0 : index
          %parallel_loop3A_263 = tpu.vector_load %parallel_loop3A_258[%parallel_loop3A_259, %parallel_loop3A_260, %parallel_loop3A_261, %parallel_loop3A_262] {strides = array<i32>} : memref<8x1x8x128xf32, #tpu.memory_space<vmem>>, vector<16xf32>,
          tpu.vector_store %parallel_loop3A_258[%parallel_loop3A_259, %parallel_loop3A_260, %parallel_loop3A_261, %parallel_loop3A_262], %parallel_loop3A_251 {strides = array<i32>} : memref<8x1x8x128xf32, #tpu.memory_space<vmem>>, vector<16xf32>,
          %parallel_loop3A_264 = arith.constant 1040 : i32
          %parallel_loop3A_265 = arith.addi %parallel_loop3A_264, %parallel_loop3A_206 : i32
          %parallel_loop3A_266 = vector.broadcast %parallel_loop3A_265 : i32 to vector<16xi32>
          %parallel_loop3A_267 = arith.addi %mul3A_3, %parallel_loop3A_266 : vector<16xi32>
          %parallel_loop3A_268 = tpu.vector_load_idx %arg10[%parallel_loop3A_267] : memref<8320xf32, #tpu.memory_space<vmem>>[vector<16xi32>], vector<16xf32>,
          %parallel_loop3A_269 = arith.constant 0 : i32
          %parallel_loop3A_270 = arith.constant 0 : i32
          %parallel_loop3A_271 = arith.constant 0 : i32
          %parallel_loop3A_272 = arith.constant 0 : i32
          %parallel_loop3A_273 = arith.constant 0 : i32
          %parallel_loop3A_274 = tpu.memref_slice %arg11[%parallel_loop3A_123, %parallel_loop3A_270, %parallel_loop3A_271, %parallel_loop3A_272, %parallel_loop3A_273] : memref<2x8x1x8x128xf32, #tpu.memory_space<vmem>> -> memref<1x8x1x8x128xf32, #tpu.memory_space<vmem>>
          %parallel_loop3A_275 = tpu.memref_squeeze %parallel_loop3A_274 : memref<1x8x1x8x128xf32, #tpu.memory_space<vmem>> -> memref<8x1x8x128xf32, #tpu.memory_space<vmem>>
          %parallel_loop3A_276 = arith.index_cast %parallel_loop3A_230 : i32 to index
          %parallel_loop3A_277 = arith.index_cast %parallel_loop3A_269 : i32 to index
          %parallel_loop3A_278 = arith.index_cast %parallel_loop3A_246 : i32 to index
          %parallel_loop3A_279 = arith.constant 16 : index
          %parallel_loop3A_280 = tpu.vector_load %parallel_loop3A_275[%parallel_loop3A_276, %parallel_loop3A_277, %parallel_loop3A_278, %parallel_loop3A_279] {strides = array<i32>} : memref<8x1x8x128xf32, #tpu.memory_space<vmem>>, vector<16xf32>,
          tpu.vector_store %parallel_loop3A_275[%parallel_loop3A_276, %parallel_loop3A_277, %parallel_loop3A_278, %parallel_loop3A_279], %parallel_loop3A_268 {strides = array<i32>} : memref<8x1x8x128xf32, #tpu.memory_space<vmem>>, vector<16xf32>,
          %parallel_loop3A_281 = arith.constant 2080 : i32
          %parallel_loop3A_282 = arith.addi %parallel_loop3A_281, %parallel_loop3A_206 : i32
          %parallel_loop3A_283 = vector.broadcast %parallel_loop3A_282 : i32 to vector<16xi32>
          %parallel_loop3A_284 = arith.addi %mul3A_3, %parallel_loop3A_283 : vector<16xi32>
          %parallel_loop3A_285 = tpu.vector_load_idx %arg10[%parallel_loop3A_284] : memref<8320xf32, #tpu.memory_space<vmem>>[vector<16xi32>], vector<16xf32>,
          %parallel_loop3A_286 = arith.constant 0 : i32
          %parallel_loop3A_287 = arith.constant 0 : i32
          %parallel_loop3A_288 = arith.constant 0 : i32
          %parallel_loop3A_289 = arith.constant 0 : i32
          %parallel_loop3A_290 = arith.constant 0 : i32
          %parallel_loop3A_291 = tpu.memref_slice %arg11[%parallel_loop3A_123, %parallel_loop3A_287, %parallel_loop3A_288, %parallel_loop3A_289, %parallel_loop3A_290] : memref<2x8x1x8x128xf32, #tpu.memory_space<vmem>> -> memref<1x8x1x8x128xf32, #tpu.memory_space<vmem>>
          %parallel_loop3A_292 = tpu.memref_squeeze %parallel_loop3A_291 : memref<1x8x1x8x128xf32, #tpu.memory_space<vmem>> -> memref<8x1x8x128xf32, #tpu.memory_space<vmem>>
          %parallel_loop3A_293 = arith.index_cast %parallel_loop3A_230 : i32 to index
          %parallel_loop3A_294 = arith.index_cast %parallel_loop3A_286 : i32 to index
          %parallel_loop3A_295 = arith.index_cast %parallel_loop3A_246 : i32 to index
          %parallel_loop3A_296 = arith.constant 32 : index
          %parallel_loop3A_297 = tpu.vector_load %parallel_loop3A_292[%parallel_loop3A_293, %parallel_loop3A_294, %parallel_loop3A_295, %parallel_loop3A_296] {strides = array<i32>} : memref<8x1x8x128xf32, #tpu.memory_space<vmem>>, vector<16xf32>,
          tpu.vector_store %parallel_loop3A_292[%parallel_loop3A_293, %parallel_loop3A_294, %parallel_loop3A_295, %parallel_loop3A_296], %parallel_loop3A_285 {strides = array<i32>} : memref<8x1x8x128xf32, #tpu.memory_space<vmem>>, vector<16xf32>,
          %parallel_loop3A_298 = arith.constant 3120 : i32
          %parallel_loop3A_299 = arith.addi %parallel_loop3A_298, %parallel_loop3A_206 : i32
          %parallel_loop3A_300 = vector.broadcast %parallel_loop3A_299 : i32 to vector<16xi32>
          %parallel_loop3A_301 = arith.addi %mul3A_3, %parallel_loop3A_300 : vector<16xi32>
          %parallel_loop3A_302 = tpu.vector_load_idx %arg10[%parallel_loop3A_301] : memref<8320xf32, #tpu.memory_space<vmem>>[vector<16xi32>], vector<16xf32>,
          %parallel_loop3A_303 = arith.constant 0 : i32
          %parallel_loop3A_304 = arith.constant 0 : i32
          %parallel_loop3A_305 = arith.constant 0 : i32
          %parallel_loop3A_306 = arith.constant 0 : i32
          %parallel_loop3A_307 = arith.constant 0 : i32
          %parallel_loop3A_308 = tpu.memref_slice %arg11[%parallel_loop3A_123, %parallel_loop3A_304, %parallel_loop3A_305, %parallel_loop3A_306, %parallel_loop3A_307] : memref<2x8x1x8x128xf32, #tpu.memory_space<vmem>> -> memref<1x8x1x8x128xf32, #tpu.memory_space<vmem>>
          %parallel_loop3A_309 = tpu.memref_squeeze %parallel_loop3A_308 : memref<1x8x1x8x128xf32, #tpu.memory_space<vmem>> -> memref<8x1x8x128xf32, #tpu.memory_space<vmem>>
          %parallel_loop3A_310 = arith.index_cast %parallel_loop3A_230 : i32 to index
          %parallel_loop3A_311 = arith.index_cast %parallel_loop3A_303 : i32 to index
          %parallel_loop3A_312 = arith.index_cast %parallel_loop3A_246 : i32 to index
          %parallel_loop3A_313 = arith.constant 48 : index
          %parallel_loop3A_314 = tpu.vector_load %parallel_loop3A_309[%parallel_loop3A_310, %parallel_loop3A_311, %parallel_loop3A_312, %parallel_loop3A_313] {strides = array<i32>} : memref<8x1x8x128xf32, #tpu.memory_space<vmem>>, vector<16xf32>,
          tpu.vector_store %parallel_loop3A_309[%parallel_loop3A_310, %parallel_loop3A_311, %parallel_loop3A_312, %parallel_loop3A_313], %parallel_loop3A_302 {strides = array<i32>} : memref<8x1x8x128xf32, #tpu.memory_space<vmem>>, vector<16xf32>,
          %parallel_loop3A_315 = arith.constant 4160 : i32
          %parallel_loop3A_316 = arith.addi %parallel_loop3A_315, %parallel_loop3A_206 : i32
          %parallel_loop3A_317 = vector.broadcast %parallel_loop3A_316 : i32 to vector<16xi32>
          %parallel_loop3A_318 = arith.addi %mul3A_3, %parallel_loop3A_317 : vector<16xi32>
          %parallel_loop3A_319 = tpu.vector_load_idx %arg10[%parallel_loop3A_318] : memref<8320xf32, #tpu.memory_space<vmem>>[vector<16xi32>], vector<16xf32>,
          %parallel_loop3A_320 = arith.constant 0 : i32
          %parallel_loop3A_321 = arith.constant 0 : i32
          %parallel_loop3A_322 = arith.constant 0 : i32
          %parallel_loop3A_323 = arith.constant 0 : i32
          %parallel_loop3A_324 = arith.constant 0 : i32
          %parallel_loop3A_325 = tpu.memref_slice %arg11[%parallel_loop3A_123, %parallel_loop3A_321, %parallel_loop3A_322, %parallel_loop3A_323, %parallel_loop3A_324] : memref<2x8x1x8x128xf32, #tpu.memory_space<vmem>> -> memref<1x8x1x8x128xf32, #tpu.memory_space<vmem>>
          %parallel_loop3A_326 = tpu.memref_squeeze %parallel_loop3A_325 : memref<1x8x1x8x128xf32, #tpu.memory_space<vmem>> -> memref<8x1x8x128xf32, #tpu.memory_space<vmem>>
          %parallel_loop3A_327 = arith.index_cast %parallel_loop3A_230 : i32 to index
          %parallel_loop3A_328 = arith.index_cast %parallel_loop3A_320 : i32 to index
          %parallel_loop3A_329 = arith.index_cast %parallel_loop3A_246 : i32 to index
          %parallel_loop3A_330 = arith.constant 64 : index
          %parallel_loop3A_331 = tpu.vector_load %parallel_loop3A_326[%parallel_loop3A_327, %parallel_loop3A_328, %parallel_loop3A_329, %parallel_loop3A_330] {strides = array<i32>} : memref<8x1x8x128xf32, #tpu.memory_space<vmem>>, vector<16xf32>,
          tpu.vector_store %parallel_loop3A_326[%parallel_loop3A_327, %parallel_loop3A_328, %parallel_loop3A_329, %parallel_loop3A_330], %parallel_loop3A_319 {strides = array<i32>} : memref<8x1x8x128xf32, #tpu.memory_space<vmem>>, vector<16xf32>,
          %parallel_loop3A_332 = arith.constant 5200 : i32
          %parallel_loop3A_333 = arith.addi %parallel_loop3A_332, %parallel_loop3A_206 : i32
          %parallel_loop3A_334 = vector.broadcast %parallel_loop3A_333 : i32 to vector<16xi32>
          %parallel_loop3A_335 = arith.addi %mul3A_3, %parallel_loop3A_334 : vector<16xi32>
          %parallel_loop3A_336 = tpu.vector_load_idx %arg10[%parallel_loop3A_335] : memref<8320xf32, #tpu.memory_space<vmem>>[vector<16xi32>], vector<16xf32>,
          %parallel_loop3A_337 = arith.constant 0 : i32
          %parallel_loop3A_338 = arith.constant 0 : i32
          %parallel_loop3A_339 = arith.constant 0 : i32
          %parallel_loop3A_340 = arith.constant 0 : i32
          %parallel_loop3A_341 = arith.constant 0 : i32
          %parallel_loop3A_342 = tpu.memref_slice %arg11[%parallel_loop3A_123, %parallel_loop3A_338, %parallel_loop3A_339, %parallel_loop3A_340, %parallel_loop3A_341] : memref<2x8x1x8x128xf32, #tpu.memory_space<vmem>> -> memref<1x8x1x8x128xf32, #tpu.memory_space<vmem>>
          %parallel_loop3A_343 = tpu.memref_squeeze %parallel_loop3A_342 : memref<1x8x1x8x128xf32, #tpu.memory_space<vmem>> -> memref<8x1x8x128xf32, #tpu.memory_space<vmem>>
          %parallel_loop3A_344 = arith.index_cast %parallel_loop3A_230 : i32 to index
          %parallel_loop3A_345 = arith.index_cast %parallel_loop3A_337 : i32 to index
          %parallel_loop3A_346 = arith.index_cast %parallel_loop3A_246 : i32 to index
          %parallel_loop3A_347 = arith.constant 80 : index
          %parallel_loop3A_348 = tpu.vector_load %parallel_loop3A_343[%parallel_loop3A_344, %parallel_loop3A_345, %parallel_loop3A_346, %parallel_loop3A_347] {strides = array<i32>} : memref<8x1x8x128xf32, #tpu.memory_space<vmem>>, vector<16xf32>,
          tpu.vector_store %parallel_loop3A_343[%parallel_loop3A_344, %parallel_loop3A_345, %parallel_loop3A_346, %parallel_loop3A_347], %parallel_loop3A_336 {strides = array<i32>} : memref<8x1x8x128xf32, #tpu.memory_space<vmem>>, vector<16xf32>,
          %parallel_loop3A_349 = arith.constant 6240 : i32
          %parallel_loop3A_350 = arith.addi %parallel_loop3A_349, %parallel_loop3A_206 : i32
          %parallel_loop3A_351 = vector.broadcast %parallel_loop3A_350 : i32 to vector<16xi32>
          %parallel_loop3A_352 = arith.addi %mul3A_3, %parallel_loop3A_351 : vector<16xi32>
          %parallel_loop3A_353 = tpu.vector_load_idx %arg10[%parallel_loop3A_352] : memref<8320xf32, #tpu.memory_space<vmem>>[vector<16xi32>], vector<16xf32>,
          %parallel_loop3A_354 = arith.constant 0 : i32
          %parallel_loop3A_355 = arith.constant 0 : i32
          %parallel_loop3A_356 = arith.constant 0 : i32
          %parallel_loop3A_357 = arith.constant 0 : i32
          %parallel_loop3A_358 = arith.constant 0 : i32
          %parallel_loop3A_359 = tpu.memref_slice %arg11[%parallel_loop3A_123, %parallel_loop3A_355, %parallel_loop3A_356, %parallel_loop3A_357, %parallel_loop3A_358] : memref<2x8x1x8x128xf32, #tpu.memory_space<vmem>> -> memref<1x8x1x8x128xf32, #tpu.memory_space<vmem>>
          %parallel_loop3A_360 = tpu.memref_squeeze %parallel_loop3A_359 : memref<1x8x1x8x128xf32, #tpu.memory_space<vmem>> -> memref<8x1x8x128xf32, #tpu.memory_space<vmem>>
          %parallel_loop3A_361 = arith.index_cast %parallel_loop3A_230 : i32 to index
          %parallel_loop3A_362 = arith.index_cast %parallel_loop3A_354 : i32 to index
          %parallel_loop3A_363 = arith.index_cast %parallel_loop3A_246 : i32 to index
          %parallel_loop3A_364 = arith.constant 96 : index
          %parallel_loop3A_365 = tpu.vector_load %parallel_loop3A_360[%parallel_loop3A_361, %parallel_loop3A_362, %parallel_loop3A_363, %parallel_loop3A_364] {strides = array<i32>} : memref<8x1x8x128xf32, #tpu.memory_space<vmem>>, vector<16xf32>,
          tpu.vector_store %parallel_loop3A_360[%parallel_loop3A_361, %parallel_loop3A_362, %parallel_loop3A_363, %parallel_loop3A_364], %parallel_loop3A_353 {strides = array<i32>} : memref<8x1x8x128xf32, #tpu.memory_space<vmem>>, vector<16xf32>,
          %parallel_loop3A_366 = arith.constant 7280 : i32
          %parallel_loop3A_367 = arith.addi %parallel_loop3A_366, %parallel_loop3A_206 : i32
          %parallel_loop3A_368 = vector.broadcast %parallel_loop3A_367 : i32 to vector<16xi32>
          %parallel_loop3A_369 = arith.addi %mul3A_3, %parallel_loop3A_368 : vector<16xi32>
          %parallel_loop3A_370 = tpu.vector_load_idx %arg10[%parallel_loop3A_369] : memref<8320xf32, #tpu.memory_space<vmem>>[vector<16xi32>], vector<16xf32>,
          %parallel_loop3A_371 = arith.constant 0 : i32
          %parallel_loop3A_372 = arith.constant 0 : i32
          %parallel_loop3A_373 = arith.constant 0 : i32
          %parallel_loop3A_374 = arith.constant 0 : i32
          %parallel_loop3A_375 = arith.constant 0 : i32
          %parallel_loop3A_376 = tpu.memref_slice %arg11[%parallel_loop3A_123, %parallel_loop3A_372, %parallel_loop3A_373, %parallel_loop3A_374, %parallel_loop3A_375] : memref<2x8x1x8x128xf32, #tpu.memory_space<vmem>> -> memref<1x8x1x8x128xf32, #tpu.memory_space<vmem>>
          %parallel_loop3A_377 = tpu.memref_squeeze %parallel_loop3A_376 : memref<1x8x1x8x128xf32, #tpu.memory_space<vmem>> -> memref<8x1x8x128xf32, #tpu.memory_space<vmem>>
          %parallel_loop3A_378 = arith.index_cast %parallel_loop3A_230 : i32 to index
          %parallel_loop3A_379 = arith.index_cast %parallel_loop3A_371 : i32 to index
          %parallel_loop3A_380 = arith.index_cast %parallel_loop3A_246 : i32 to index
          %parallel_loop3A_381 = arith.constant 112 : index
          %parallel_loop3A_382 = tpu.vector_load %parallel_loop3A_377[%parallel_loop3A_378, %parallel_loop3A_379, %parallel_loop3A_380, %parallel_loop3A_381] {strides = array<i32>} : memref<8x1x8x128xf32, #tpu.memory_space<vmem>>, vector<16xf32>,
          tpu.vector_store %parallel_loop3A_377[%parallel_loop3A_378, %parallel_loop3A_379, %parallel_loop3A_380, %parallel_loop3A_381], %parallel_loop3A_370 {strides = array<i32>} : memref<8x1x8x128xf32, #tpu.memory_space<vmem>>, vector<16xf32>,
        } {sc.loop_unroll_factor = 2 : i64, sc.parallel_access}
        %gt3A = arith.constant 0 : i32
        %gt3A_124 = arith.cmpi sgt, %scan3A_85, %gt3A : i32
        %convert_element_type3A = arith.extui %gt3A_124 : i1 to i32
        %cond3A = arith.constant 0 : i32
        %cond3A_125 = arith.cmpi ne, %convert_element_type3A, %cond3A : i32
        scf.if %cond3A_125 {
          %dma_wait3A_206 = arith.constant 0 : i32
          %dma_wait3A_207 = arith.constant 0 : i32
          %dma_wait3A_208 = arith.constant 0 : i32
          %dma_wait3A_209 = arith.constant 0 : i32
          %dma_wait3A_210 = arith.constant 0 : i32
          %dma_wait3A_211 = arith.constant 0 : i32
          %dma_wait3A_212 = tpu.memref_slice %arg11[%dma_wait3A_207, %dma_wait3A_208, %dma_wait3A_209, %dma_wait3A_210, %dma_wait3A_211] : memref<2x8x1x8x128xf32, #tpu.memory_space<vmem>> -> memref<1x8x1x8x128xf32, #tpu.memory_space<vmem>>
          %dma_wait3A_213 = tpu.memref_squeeze %dma_wait3A_212 : memref<1x8x1x8x128xf32, #tpu.memory_space<vmem>> -> memref<8x1x8x128xf32, #tpu.memory_space<vmem>>
          %dma_wait3A_214 = arith.constant 0 : i32
          %dma_wait3A_215 = arith.constant 0 : i32
          %dma_wait3A_216 = arith.constant 0 : i32
          %dma_wait3A_217 = arith.constant 0 : i32
          %dma_wait3A_218 = tpu.memref_slice %arg5[%dma_wait3A_206, %dma_wait3A_214, %dma_wait3A_215, %dma_wait3A_216, %dma_wait3A_217] : memref<100x8x128x8x128xf32, #tpu.memory_space<hbm>> -> memref<1x8x1x8x128xf32, #tpu.memory_space<hbm>>
          %dma_wait3A_219 = tpu.memref_squeeze %dma_wait3A_218 : memref<1x8x1x8x128xf32, #tpu.memory_space<hbm>> -> memref<8x1x8x128xf32, #tpu.memory_space<hbm>>
          %dma_wait3A_220 = arith.constant 0 : i32
          %dma_wait3A_221 = arith.constant 0 : i32
          %dma_wait3A_222 = arith.constant 0 : i32
          %dma_wait3A_223 = arith.constant 0 : i32
          %dma_wait3A_224 = tpu.memref_slice %arg11[%dma_wait3A_207, %dma_wait3A_220, %dma_wait3A_221, %dma_wait3A_222, %dma_wait3A_223] : memref<2x8x1x8x128xf32, #tpu.memory_space<vmem>> -> memref<1x8x1x8x128xf32, #tpu.memory_space<vmem>>
          %dma_wait3A_225 = tpu.memref_squeeze %dma_wait3A_224 : memref<1x8x1x8x128xf32, #tpu.memory_space<vmem>> -> memref<8x1x8x128xf32, #tpu.memory_space<vmem>>
          %dma_wait3A_226 = arith.constant 0 : i32
          %dma_wait3A_227 = arith.constant 0 : i32
          %dma_wait3A_228 = arith.constant 0 : i32
          %dma_wait3A_229 = arith.constant 0 : i32
          %dma_wait3A_230 = tpu.memref_slice %arg5[%dma_wait3A_206, %dma_wait3A_226, %dma_wait3A_227, %dma_wait3A_228, %dma_wait3A_229] : memref<100x8x128x8x128xf32, #tpu.memory_space<hbm>> -> memref<1x8x1x8x128xf32, #tpu.memory_space<hbm>>
          %dma_wait3A_231 = tpu.memref_squeeze %dma_wait3A_230 : memref<1x8x1x8x128xf32, #tpu.memory_space<hbm>> -> memref<8x1x8x128xf32, #tpu.memory_space<hbm>>
          tpu.wait_dma2 semaphore(%arg14 : memref<!tpu.dma_semaphore, #tpu.memory_space<semaphore_mem>>) src(%dma_wait3A_231 : memref<8x1x8x128xf32, #tpu.memory_space<hbm>>) dst(%dma_wait3A_225 : memref<8x1x8x128xf32, #tpu.memory_space<vmem>>)
        } else {
        }
        %dma_start3A_126 = arith.constant 0 : i32
        %dma_start3A_127 = arith.constant 0 : i32
        %dma_start3A_128 = arith.constant 0 : i32
        %dma_start3A_129 = arith.constant 0 : i32
        %dma_start3A_130 = arith.constant 0 : i32
        %dma_start3A_131 = tpu.memref_slice %arg11[%dma_start3A_126, %dma_start3A_127, %dma_start3A_128, %dma_start3A_129, %dma_start3A_130] : memref<2x8x1x8x128xf32, #tpu.memory_space<vmem>> -> memref<1x8x1x8x128xf32, #tpu.memory_space<vmem>>
        %dma_start3A_132 = tpu.memref_squeeze %dma_start3A_131 : memref<1x8x1x8x128xf32, #tpu.memory_space<vmem>> -> memref<8x1x8x128xf32, #tpu.memory_space<vmem>>
        %dma_start3A_133 = arith.constant 0 : i32
        %dma_start3A_134 = arith.constant 0 : i32
        %dma_start3A_135 = arith.constant 0 : i32
        %dma_start3A_136 = tpu.memref_slice %arg5[%mul3A_87, %dma_start3A_133, %add3A_12, %dma_start3A_134, %dma_start3A_135] : memref<100x8x128x8x128xf32, #tpu.memory_space<hbm>> -> memref<1x8x1x8x128xf32, #tpu.memory_space<hbm>>
        %dma_start3A_137 = tpu.memref_squeeze %dma_start3A_136 : memref<1x8x1x8x128xf32, #tpu.memory_space<hbm>> -> memref<8x1x8x128xf32, #tpu.memory_space<hbm>>
        %dma_start3A_138 = arith.constant 0 : i32
        %dma_start3A_139 = arith.constant 0 : i32
        %dma_start3A_140 = arith.constant 0 : i32
        %dma_start3A_141 = tpu.memref_slice %arg5[%mul3A_87, %dma_start3A_138, %add3A_12, %dma_start3A_139, %dma_start3A_140] : memref<100x8x128x8x128xf32, #tpu.memory_space<hbm>> -> memref<1x8x1x8x128xf32, #tpu.memory_space<hbm>>
        %dma_start3A_142 = tpu.memref_squeeze %dma_start3A_141 : memref<1x8x1x8x128xf32, #tpu.memory_space<hbm>> -> memref<8x1x8x128xf32, #tpu.memory_space<hbm>>
        %dma_start3A_143 = arith.constant 0 : i32
        %dma_start3A_144 = arith.constant 0 : i32
        %dma_start3A_145 = arith.constant 0 : i32
        %dma_start3A_146 = arith.constant 0 : i32
        %dma_start3A_147 = tpu.memref_slice %arg11[%dma_start3A_126, %dma_start3A_143, %dma_start3A_144, %dma_start3A_145, %dma_start3A_146] : memref<2x8x1x8x128xf32, #tpu.memory_space<vmem>> -> memref<1x8x1x8x128xf32, #tpu.memory_space<vmem>>
        %dma_start3A_148 = tpu.memref_squeeze %dma_start3A_147 : memref<1x8x1x8x128xf32, #tpu.memory_space<vmem>> -> memref<8x1x8x128xf32, #tpu.memory_space<vmem>>
        tpu.enqueue_dma source(%dma_start3A_148 : memref<8x1x8x128xf32, #tpu.memory_space<vmem>>) target(%dma_start3A_142 : memref<8x1x8x128xf32, #tpu.memory_space<hbm>>) target_semaphore(%arg14 : memref<!tpu.dma_semaphore, #tpu.memory_space<semaphore_mem>>)
        %lt3A = arith.constant 49 : i32
        %lt3A_149 = arith.cmpi slt, %scan3A_85, %lt3A : i32
        %convert_element_type3A_150 = arith.extui %lt3A_149 : i1 to i32
        %cond3A_151 = arith.constant 0 : i32
        %cond3A_152 = arith.cmpi ne, %convert_element_type3A_150, %cond3A_151 : i32
        scf.if %cond3A_152 {
          %add3A_206 = arith.constant 2 : i32
          %add3A_207 = arith.addi %mul3A_87, %add3A_206 : i32
          %dma_start3A_208 = arith.constant 0 : i32
          %dma_start3A_209 = arith.constant 0 : i32
          %dma_start3A_210 = arith.constant 0 : i32
          %dma_start3A_211 = tpu.memref_slice %arg9[%dma_start3A_208, %dma_start3A_209, %dma_start3A_210] : memref<2x128x64xf32, #tpu.memory_space<vmem>> -> memref<1x128x64xf32, #tpu.memory_space<vmem>>
          %dma_start3A_212 = tpu.memref_squeeze %dma_start3A_211 : memref<1x128x64xf32, #tpu.memory_space<vmem>> -> memref<128x64xf32, #tpu.memory_space<vmem>>
          %dma_start3A_213 = arith.constant 0 : i32
          %dma_start3A_214 = tpu.memref_slice %arg8[%add3A_207, %dma_start3A_213] : memref<100x128xi32, #tpu.memory_space<vmem>> -> memref<1x128xi32, #tpu.memory_space<vmem>>
          %dma_start3A_215 = tpu.memref_squeeze %dma_start3A_214 : memref<1x128xi32, #tpu.memory_space<vmem>> -> memref<128xi32, #tpu.memory_space<vmem>>
          %dma_start3A_216 = arith.constant 0 : i32
          %dma_start3A_217 = arith.constant 0 : i32
          %dma_start3A_218 = tpu.memref_slice %arg4[%dma_start3A_216, %dma_start3A_217] : memref<2048x64xf32, #tpu.memory_space<hbm>> -> memref<2048x64xf32, #tpu.memory_space<hbm>>
          tpu.enqueue_indirect_dma source(%dma_start3A_218 : memref<2048x64xf32, #tpu.memory_space<hbm>>) target(%dma_start3A_212 : memref<128x64xf32, #tpu.memory_space<vmem>>) offsets(%dma_start3A_215 : memref<128xi32, #tpu.memory_space<vmem>>) semaphore(%arg12 : memref<!tpu.dma_semaphore, #tpu.memory_space<semaphore_mem>>)
        } else {
        }
        %dma_wait3A_153 = arith.constant 1 : i32
        %dma_wait3A_154 = arith.constant 0 : i32
        %dma_wait3A_155 = arith.constant 0 : i32
        %dma_wait3A_156 = tpu.memref_slice %arg9[%dma_wait3A_153, %dma_wait3A_154, %dma_wait3A_155] : memref<2x128x64xf32, #tpu.memory_space<vmem>> -> memref<1x128x64xf32, #tpu.memory_space<vmem>>
        %dma_wait3A_157 = tpu.memref_squeeze %dma_wait3A_156 : memref<1x128x64xf32, #tpu.memory_space<vmem>> -> memref<128x64xf32, #tpu.memory_space<vmem>>
        %dma_wait3A_158 = arith.constant 0 : i32
        %dma_wait3A_159 = arith.constant 0 : i32
        %dma_wait3A_160 = tpu.memref_slice %arg4[%dma_wait3A_158, %dma_wait3A_159] : memref<2048x64xf32, #tpu.memory_space<hbm>> -> memref<128x64xf32, #tpu.memory_space<hbm>>
        %dma_wait3A_161 = arith.constant 0 : i32
        %dma_wait3A_162 = arith.constant 0 : i32
        %dma_wait3A_163 = tpu.memref_slice %arg9[%dma_wait3A_153, %dma_wait3A_161, %dma_wait3A_162] : memref<2x128x64xf32, #tpu.memory_space<vmem>> -> memref<1x128x64xf32, #tpu.memory_space<vmem>>
        %dma_wait3A_164 = tpu.memref_squeeze %dma_wait3A_163 : memref<1x128x64xf32, #tpu.memory_space<vmem>> -> memref<128x64xf32, #tpu.memory_space<vmem>>
        %dma_wait3A_165 = arith.constant 0 : i32
        %dma_wait3A_166 = arith.constant 0 : i32
        %dma_wait3A_167 = tpu.memref_slice %arg4[%dma_wait3A_165, %dma_wait3A_166] : memref<2048x64xf32, #tpu.memory_space<hbm>> -> memref<128x64xf32, #tpu.memory_space<hbm>>
        tpu.wait_dma2 semaphore(%arg13 : memref<!tpu.dma_semaphore, #tpu.memory_space<semaphore_mem>>) src(%dma_wait3A_167 : memref<128x64xf32, #tpu.memory_space<hbm>>) dst(%dma_wait3A_164 : memref<128x64xf32, #tpu.memory_space<vmem>>)
        %parallel_loop3A_168 = arith.constant 0 : i32
        %parallel_loop3A_169 = arith.constant 128 : i32
        %parallel_loop3A_170 = arith.constant 1 : i32
        %parallel_loop3A_171 = arith.constant 1 : i32
        scf.for %parallel_loop3A_206 = %parallel_loop3A_168 to %parallel_loop3A_169 step %parallel_loop3A_170  : i32 {
          %parallel_loop3A_207 = arith.constant 0 : i32
          %parallel_loop3A_208 = arith.constant 0 : i32
          %parallel_loop3A_209 = tpu.memref_slice %arg9[%parallel_loop3A_171, %parallel_loop3A_207, %parallel_loop3A_208] : memref<2x128x64xf32, #tpu.memory_space<vmem>> -> memref<1x128x64xf32, #tpu.memory_space<vmem>>
          %parallel_loop3A_210 = tpu.memref_squeeze %parallel_loop3A_209 : memref<1x128x64xf32, #tpu.memory_space<vmem>> -> memref<128x64xf32, #tpu.memory_space<vmem>>
          %parallel_loop3A_211 = arith.index_cast %parallel_loop3A_206 : i32 to index
          %parallel_loop3A_212 = arith.constant 0 : index
          %parallel_loop3A_213 = tpu.vector_load %parallel_loop3A_210[%parallel_loop3A_211, %parallel_loop3A_212] {strides = array<i32>} : memref<128x64xf32, #tpu.memory_space<vmem>>, vector<16xf32>,
          %parallel_loop3A_214 = arith.constant 65 : i32
          %parallel_loop3A_215 = arith.muli %parallel_loop3A_206, %parallel_loop3A_214 : i32
          %parallel_loop3A_216 = arith.constant 0 : i32
          %parallel_loop3A_217 = arith.addi %parallel_loop3A_215, %parallel_loop3A_216 : i32
          %parallel_loop3A_218 = vector.broadcast %parallel_loop3A_217 : i32 to vector<16xi32>
          %parallel_loop3A_219 = arith.addi %iota3A, %parallel_loop3A_218 : vector<16xi32>
          tpu.vector_store_idx %arg10[%parallel_loop3A_219], %parallel_loop3A_213 : memref<8320xf32, #tpu.memory_space<vmem>>[vector<16xi32>], vector<16xf32>,
          %parallel_loop3A_220 = arith.constant 0 : i32
          %parallel_loop3A_221 = arith.constant 0 : i32
          %parallel_loop3A_222 = tpu.memref_slice %arg9[%parallel_loop3A_171, %parallel_loop3A_220, %parallel_loop3A_221] : memref<2x128x64xf32, #tpu.memory_space<vmem>> -> memref<1x128x64xf32, #tpu.memory_space<vmem>>
          %parallel_loop3A_223 = tpu.memref_squeeze %parallel_loop3A_222 : memref<1x128x64xf32, #tpu.memory_space<vmem>> -> memref<128x64xf32, #tpu.memory_space<vmem>>
          %parallel_loop3A_224 = arith.index_cast %parallel_loop3A_206 : i32 to index
          %parallel_loop3A_225 = arith.constant 16 : index
          %parallel_loop3A_226 = tpu.vector_load %parallel_loop3A_223[%parallel_loop3A_224, %parallel_loop3A_225] {strides = array<i32>} : memref<128x64xf32, #tpu.memory_space<vmem>>, vector<16xf32>,
          %parallel_loop3A_227 = arith.constant 65 : i32
          %parallel_loop3A_228 = arith.muli %parallel_loop3A_206, %parallel_loop3A_227 : i32
          %parallel_loop3A_229 = arith.constant 16 : i32
          %parallel_loop3A_230 = arith.addi %parallel_loop3A_228, %parallel_loop3A_229 : i32
          %parallel_loop3A_231 = vector.broadcast %parallel_loop3A_230 : i32 to vector<16xi32>
          %parallel_loop3A_232 = arith.addi %iota3A, %parallel_loop3A_231 : vector<16xi32>
          tpu.vector_store_idx %arg10[%parallel_loop3A_232], %parallel_loop3A_226 : memref<8320xf32, #tpu.memory_space<vmem>>[vector<16xi32>], vector<16xf32>,
          %parallel_loop3A_233 = arith.constant 0 : i32
          %parallel_loop3A_234 = arith.constant 0 : i32
          %parallel_loop3A_235 = tpu.memref_slice %arg9[%parallel_loop3A_171, %parallel_loop3A_233, %parallel_loop3A_234] : memref<2x128x64xf32, #tpu.memory_space<vmem>> -> memref<1x128x64xf32, #tpu.memory_space<vmem>>
          %parallel_loop3A_236 = tpu.memref_squeeze %parallel_loop3A_235 : memref<1x128x64xf32, #tpu.memory_space<vmem>> -> memref<128x64xf32, #tpu.memory_space<vmem>>
          %parallel_loop3A_237 = arith.index_cast %parallel_loop3A_206 : i32 to index
          %parallel_loop3A_238 = arith.constant 32 : index
          %parallel_loop3A_239 = tpu.vector_load %parallel_loop3A_236[%parallel_loop3A_237, %parallel_loop3A_238] {strides = array<i32>} : memref<128x64xf32, #tpu.memory_space<vmem>>, vector<16xf32>,
          %parallel_loop3A_240 = arith.constant 65 : i32
          %parallel_loop3A_241 = arith.muli %parallel_loop3A_206, %parallel_loop3A_240 : i32
          %parallel_loop3A_242 = arith.constant 32 : i32
          %parallel_loop3A_243 = arith.addi %parallel_loop3A_241, %parallel_loop3A_242 : i32
          %parallel_loop3A_244 = vector.broadcast %parallel_loop3A_243 : i32 to vector<16xi32>
          %parallel_loop3A_245 = arith.addi %iota3A, %parallel_loop3A_244 : vector<16xi32>
          tpu.vector_store_idx %arg10[%parallel_loop3A_245], %parallel_loop3A_239 : memref<8320xf32, #tpu.memory_space<vmem>>[vector<16xi32>], vector<16xf32>,
          %parallel_loop3A_246 = arith.constant 0 : i32
          %parallel_loop3A_247 = arith.constant 0 : i32
          %parallel_loop3A_248 = tpu.memref_slice %arg9[%parallel_loop3A_171, %parallel_loop3A_246, %parallel_loop3A_247] : memref<2x128x64xf32, #tpu.memory_space<vmem>> -> memref<1x128x64xf32, #tpu.memory_space<vmem>>
          %parallel_loop3A_249 = tpu.memref_squeeze %parallel_loop3A_248 : memref<1x128x64xf32, #tpu.memory_space<vmem>> -> memref<128x64xf32, #tpu.memory_space<vmem>>
          %parallel_loop3A_250 = arith.index_cast %parallel_loop3A_206 : i32 to index
          %parallel_loop3A_251 = arith.constant 48 : index
          %parallel_loop3A_252 = tpu.vector_load %parallel_loop3A_249[%parallel_loop3A_250, %parallel_loop3A_251] {strides = array<i32>} : memref<128x64xf32, #tpu.memory_space<vmem>>, vector<16xf32>,
          %parallel_loop3A_253 = arith.constant 65 : i32
          %parallel_loop3A_254 = arith.muli %parallel_loop3A_206, %parallel_loop3A_253 : i32
          %parallel_loop3A_255 = arith.constant 48 : i32
          %parallel_loop3A_256 = arith.addi %parallel_loop3A_254, %parallel_loop3A_255 : i32
          %parallel_loop3A_257 = vector.broadcast %parallel_loop3A_256 : i32 to vector<16xi32>
          %parallel_loop3A_258 = arith.addi %iota3A, %parallel_loop3A_257 : vector<16xi32>
          tpu.vector_store_idx %arg10[%parallel_loop3A_258], %parallel_loop3A_252 : memref<8320xf32, #tpu.memory_space<vmem>>[vector<16xi32>], vector<16xf32>,
        } {sc.loop_unroll_factor = 4 : i64, sc.parallel_access}
        %parallel_loop3A_172 = arith.constant 0 : i32
        %parallel_loop3A_173 = arith.constant 64 : i32
        %parallel_loop3A_174 = arith.constant 1 : i32
        %parallel_loop3A_175 = arith.constant 1 : i32
        scf.for %parallel_loop3A_206 = %parallel_loop3A_172 to %parallel_loop3A_173 step %parallel_loop3A_174  : i32 {
          %parallel_loop3A_207 = arith.constant 8 : i32
          %parallel_loop3A_208 = arith.divsi %parallel_loop3A_206, %parallel_loop3A_207 : i32
          %parallel_loop3A_209 = arith.constant 0 : i32
          %parallel_loop3A_210 = arith.cmpi sgt, %parallel_loop3A_206, %parallel_loop3A_209 : i32
          %parallel_loop3A_211 = arith.extui %parallel_loop3A_210 : i1 to i32
          %parallel_loop3A_212 = arith.constant 0 : i32
          %parallel_loop3A_213 = arith.cmpi slt, %parallel_loop3A_206, %parallel_loop3A_212 : i32
          %parallel_loop3A_214 = arith.extui %parallel_loop3A_213 : i1 to i32
          %parallel_loop3A_215 = arith.subi %parallel_loop3A_211, %parallel_loop3A_214 : i32
          %parallel_loop3A_216 = arith.constant 0 : i32
          %parallel_loop3A_217 = arith.cmpi sgt, %parallel_loop3A_207, %parallel_loop3A_216 : i32
          %parallel_loop3A_218 = arith.extui %parallel_loop3A_217 : i1 to i32
          %parallel_loop3A_219 = arith.constant 0 : i32
          %parallel_loop3A_220 = arith.cmpi slt, %parallel_loop3A_207, %parallel_loop3A_219 : i32
          %parallel_loop3A_221 = arith.extui %parallel_loop3A_220 : i1 to i32
          %parallel_loop3A_222 = arith.subi %parallel_loop3A_218, %parallel_loop3A_221 : i32
          %parallel_loop3A_223 = arith.cmpi ne, %parallel_loop3A_215, %parallel_loop3A_222 : i32
          %parallel_loop3A_224 = arith.remsi %parallel_loop3A_206, %parallel_loop3A_207 : i32
          %parallel_loop3A_225 = arith.constant 0 : i32
          %parallel_loop3A_226 = arith.cmpi ne, %parallel_loop3A_224, %parallel_loop3A_225 : i32
          %parallel_loop3A_227 = arith.andi %parallel_loop3A_223, %parallel_loop3A_226 : i1
          %parallel_loop3A_228 = arith.constant 1 : i32
          %parallel_loop3A_229 = arith.subi %parallel_loop3A_208, %parallel_loop3A_228 : i32
          %parallel_loop3A_230 = arith.select %parallel_loop3A_227, %parallel_loop3A_229, %parallel_loop3A_208 : i32
          %parallel_loop3A_231 = arith.constant 8 : i32
          %parallel_loop3A_232 = arith.constant 0 : i32
          %parallel_loop3A_233 = arith.cmpi eq, %parallel_loop3A_231, %parallel_loop3A_232 : i32
          %parallel_loop3A_234 = arith.constant 1 : i32
          %parallel_loop3A_235 = arith.select %parallel_loop3A_233, %parallel_loop3A_234, %parallel_loop3A_231 : i32
          %parallel_loop3A_236 = arith.remsi %parallel_loop3A_206, %parallel_loop3A_235 : i32
          %parallel_loop3A_237 = arith.constant 0 : i32
          %parallel_loop3A_238 = arith.cmpi ne, %parallel_loop3A_236, %parallel_loop3A_237 : i32
          %parallel_loop3A_239 = arith.constant 0 : i32
          %parallel_loop3A_240 = arith.cmpi slt, %parallel_loop3A_236, %parallel_loop3A_239 : i32
          %parallel_loop3A_241 = arith.constant 0 : i32
          %parallel_loop3A_242 = arith.cmpi slt, %parallel_loop3A_235, %parallel_loop3A_241 : i32
          %parallel_loop3A_243 = arith.xori %parallel_loop3A_240, %parallel_loop3A_242 : i1
          %parallel_loop3A_244 = arith.andi %parallel_loop3A_243, %parallel_loop3A_238 : i1
          %parallel_loop3A_245 = arith.addi %parallel_loop3A_236, %parallel_loop3A_235 : i32
          %parallel_loop3A_246 = arith.select %parallel_loop3A_244, %parallel_loop3A_245, %parallel_loop3A_236 : i32
          %parallel_loop3A_247 = arith.constant 0 : i32
          %parallel_loop3A_248 = arith.addi %parallel_loop3A_247, %parallel_loop3A_206 : i32
          %parallel_loop3A_249 = vector.broadcast %parallel_loop3A_248 : i32 to vector<16xi32>
          %parallel_loop3A_250 = arith.addi %mul3A_3, %parallel_loop3A_249 : vector<16xi32>
          %parallel_loop3A_251 = tpu.vector_load_idx %arg10[%parallel_loop3A_250] : memref<8320xf32, #tpu.memory_space<vmem>>[vector<16xi32>], vector<16xf32>,
          %parallel_loop3A_252 = arith.constant 0 : i32
          %parallel_loop3A_253 = arith.constant 0 : i32
          %parallel_loop3A_254 = arith.constant 0 : i32
          %parallel_loop3A_255 = arith.constant 0 : i32
          %parallel_loop3A_256 = arith.constant 0 : i32
          %parallel_loop3A_257 = tpu.memref_slice %arg11[%parallel_loop3A_175, %parallel_loop3A_253, %parallel_loop3A_254, %parallel_loop3A_255, %parallel_loop3A_256] : memref<2x8x1x8x128xf32, #tpu.memory_space<vmem>> -> memref<1x8x1x8x128xf32, #tpu.memory_space<vmem>>
          %parallel_loop3A_258 = tpu.memref_squeeze %parallel_loop3A_257 : memref<1x8x1x8x128xf32, #tpu.memory_space<vmem>> -> memref<8x1x8x128xf32, #tpu.memory_space<vmem>>
          %parallel_loop3A_259 = arith.index_cast %parallel_loop3A_230 : i32 to index
          %parallel_loop3A_260 = arith.index_cast %parallel_loop3A_252 : i32 to index
          %parallel_loop3A_261 = arith.index_cast %parallel_loop3A_246 : i32 to index
          %parallel_loop3A_262 = arith.constant 0 : index
          %parallel_loop3A_263 = tpu.vector_load %parallel_loop3A_258[%parallel_loop3A_259, %parallel_loop3A_260, %parallel_loop3A_261, %parallel_loop3A_262] {strides = array<i32>} : memref<8x1x8x128xf32, #tpu.memory_space<vmem>>, vector<16xf32>,
          tpu.vector_store %parallel_loop3A_258[%parallel_loop3A_259, %parallel_loop3A_260, %parallel_loop3A_261, %parallel_loop3A_262], %parallel_loop3A_251 {strides = array<i32>} : memref<8x1x8x128xf32, #tpu.memory_space<vmem>>, vector<16xf32>,
          %parallel_loop3A_264 = arith.constant 1040 : i32
          %parallel_loop3A_265 = arith.addi %parallel_loop3A_264, %parallel_loop3A_206 : i32
          %parallel_loop3A_266 = vector.broadcast %parallel_loop3A_265 : i32 to vector<16xi32>
          %parallel_loop3A_267 = arith.addi %mul3A_3, %parallel_loop3A_266 : vector<16xi32>
          %parallel_loop3A_268 = tpu.vector_load_idx %arg10[%parallel_loop3A_267] : memref<8320xf32, #tpu.memory_space<vmem>>[vector<16xi32>], vector<16xf32>,
          %parallel_loop3A_269 = arith.constant 0 : i32
          %parallel_loop3A_270 = arith.constant 0 : i32
          %parallel_loop3A_271 = arith.constant 0 : i32
          %parallel_loop3A_272 = arith.constant 0 : i32
          %parallel_loop3A_273 = arith.constant 0 : i32
          %parallel_loop3A_274 = tpu.memref_slice %arg11[%parallel_loop3A_175, %parallel_loop3A_270, %parallel_loop3A_271, %parallel_loop3A_272, %parallel_loop3A_273] : memref<2x8x1x8x128xf32, #tpu.memory_space<vmem>> -> memref<1x8x1x8x128xf32, #tpu.memory_space<vmem>>
          %parallel_loop3A_275 = tpu.memref_squeeze %parallel_loop3A_274 : memref<1x8x1x8x128xf32, #tpu.memory_space<vmem>> -> memref<8x1x8x128xf32, #tpu.memory_space<vmem>>
          %parallel_loop3A_276 = arith.index_cast %parallel_loop3A_230 : i32 to index
          %parallel_loop3A_277 = arith.index_cast %parallel_loop3A_269 : i32 to index
          %parallel_loop3A_278 = arith.index_cast %parallel_loop3A_246 : i32 to index
          %parallel_loop3A_279 = arith.constant 16 : index
          %parallel_loop3A_280 = tpu.vector_load %parallel_loop3A_275[%parallel_loop3A_276, %parallel_loop3A_277, %parallel_loop3A_278, %parallel_loop3A_279] {strides = array<i32>} : memref<8x1x8x128xf32, #tpu.memory_space<vmem>>, vector<16xf32>,
          tpu.vector_store %parallel_loop3A_275[%parallel_loop3A_276, %parallel_loop3A_277, %parallel_loop3A_278, %parallel_loop3A_279], %parallel_loop3A_268 {strides = array<i32>} : memref<8x1x8x128xf32, #tpu.memory_space<vmem>>, vector<16xf32>,
          %parallel_loop3A_281 = arith.constant 2080 : i32
          %parallel_loop3A_282 = arith.addi %parallel_loop3A_281, %parallel_loop3A_206 : i32
          %parallel_loop3A_283 = vector.broadcast %parallel_loop3A_282 : i32 to vector<16xi32>
          %parallel_loop3A_284 = arith.addi %mul3A_3, %parallel_loop3A_283 : vector<16xi32>
          %parallel_loop3A_285 = tpu.vector_load_idx %arg10[%parallel_loop3A_284] : memref<8320xf32, #tpu.memory_space<vmem>>[vector<16xi32>], vector<16xf32>,
          %parallel_loop3A_286 = arith.constant 0 : i32
          %parallel_loop3A_287 = arith.constant 0 : i32
          %parallel_loop3A_288 = arith.constant 0 : i32
          %parallel_loop3A_289 = arith.constant 0 : i32
          %parallel_loop3A_290 = arith.constant 0 : i32
          %parallel_loop3A_291 = tpu.memref_slice %arg11[%parallel_loop3A_175, %parallel_loop3A_287, %parallel_loop3A_288, %parallel_loop3A_289, %parallel_loop3A_290] : memref<2x8x1x8x128xf32, #tpu.memory_space<vmem>> -> memref<1x8x1x8x128xf32, #tpu.memory_space<vmem>>
          %parallel_loop3A_292 = tpu.memref_squeeze %parallel_loop3A_291 : memref<1x8x1x8x128xf32, #tpu.memory_space<vmem>> -> memref<8x1x8x128xf32, #tpu.memory_space<vmem>>
          %parallel_loop3A_293 = arith.index_cast %parallel_loop3A_230 : i32 to index
          %parallel_loop3A_294 = arith.index_cast %parallel_loop3A_286 : i32 to index
          %parallel_loop3A_295 = arith.index_cast %parallel_loop3A_246 : i32 to index
          %parallel_loop3A_296 = arith.constant 32 : index
          %parallel_loop3A_297 = tpu.vector_load %parallel_loop3A_292[%parallel_loop3A_293, %parallel_loop3A_294, %parallel_loop3A_295, %parallel_loop3A_296] {strides = array<i32>} : memref<8x1x8x128xf32, #tpu.memory_space<vmem>>, vector<16xf32>,
          tpu.vector_store %parallel_loop3A_292[%parallel_loop3A_293, %parallel_loop3A_294, %parallel_loop3A_295, %parallel_loop3A_296], %parallel_loop3A_285 {strides = array<i32>} : memref<8x1x8x128xf32, #tpu.memory_space<vmem>>, vector<16xf32>,
          %parallel_loop3A_298 = arith.constant 3120 : i32
          %parallel_loop3A_299 = arith.addi %parallel_loop3A_298, %parallel_loop3A_206 : i32
          %parallel_loop3A_300 = vector.broadcast %parallel_loop3A_299 : i32 to vector<16xi32>
          %parallel_loop3A_301 = arith.addi %mul3A_3, %parallel_loop3A_300 : vector<16xi32>
          %parallel_loop3A_302 = tpu.vector_load_idx %arg10[%parallel_loop3A_301] : memref<8320xf32, #tpu.memory_space<vmem>>[vector<16xi32>], vector<16xf32>,
          %parallel_loop3A_303 = arith.constant 0 : i32
          %parallel_loop3A_304 = arith.constant 0 : i32
          %parallel_loop3A_305 = arith.constant 0 : i32
          %parallel_loop3A_306 = arith.constant 0 : i32
          %parallel_loop3A_307 = arith.constant 0 : i32
          %parallel_loop3A_308 = tpu.memref_slice %arg11[%parallel_loop3A_175, %parallel_loop3A_304, %parallel_loop3A_305, %parallel_loop3A_306, %parallel_loop3A_307] : memref<2x8x1x8x128xf32, #tpu.memory_space<vmem>> -> memref<1x8x1x8x128xf32, #tpu.memory_space<vmem>>
          %parallel_loop3A_309 = tpu.memref_squeeze %parallel_loop3A_308 : memref<1x8x1x8x128xf32, #tpu.memory_space<vmem>> -> memref<8x1x8x128xf32, #tpu.memory_space<vmem>>
          %parallel_loop3A_310 = arith.index_cast %parallel_loop3A_230 : i32 to index
          %parallel_loop3A_311 = arith.index_cast %parallel_loop3A_303 : i32 to index
          %parallel_loop3A_312 = arith.index_cast %parallel_loop3A_246 : i32 to index
          %parallel_loop3A_313 = arith.constant 48 : index
          %parallel_loop3A_314 = tpu.vector_load %parallel_loop3A_309[%parallel_loop3A_310, %parallel_loop3A_311, %parallel_loop3A_312, %parallel_loop3A_313] {strides = array<i32>} : memref<8x1x8x128xf32, #tpu.memory_space<vmem>>, vector<16xf32>,
          tpu.vector_store %parallel_loop3A_309[%parallel_loop3A_310, %parallel_loop3A_311, %parallel_loop3A_312, %parallel_loop3A_313], %parallel_loop3A_302 {strides = array<i32>} : memref<8x1x8x128xf32, #tpu.memory_space<vmem>>, vector<16xf32>,
          %parallel_loop3A_315 = arith.constant 4160 : i32
          %parallel_loop3A_316 = arith.addi %parallel_loop3A_315, %parallel_loop3A_206 : i32
          %parallel_loop3A_317 = vector.broadcast %parallel_loop3A_316 : i32 to vector<16xi32>
          %parallel_loop3A_318 = arith.addi %mul3A_3, %parallel_loop3A_317 : vector<16xi32>
          %parallel_loop3A_319 = tpu.vector_load_idx %arg10[%parallel_loop3A_318] : memref<8320xf32, #tpu.memory_space<vmem>>[vector<16xi32>], vector<16xf32>,
          %parallel_loop3A_320 = arith.constant 0 : i32
          %parallel_loop3A_321 = arith.constant 0 : i32
          %parallel_loop3A_322 = arith.constant 0 : i32
          %parallel_loop3A_323 = arith.constant 0 : i32
          %parallel_loop3A_324 = arith.constant 0 : i32
          %parallel_loop3A_325 = tpu.memref_slice %arg11[%parallel_loop3A_175, %parallel_loop3A_321, %parallel_loop3A_322, %parallel_loop3A_323, %parallel_loop3A_324] : memref<2x8x1x8x128xf32, #tpu.memory_space<vmem>> -> memref<1x8x1x8x128xf32, #tpu.memory_space<vmem>>
          %parallel_loop3A_326 = tpu.memref_squeeze %parallel_loop3A_325 : memref<1x8x1x8x128xf32, #tpu.memory_space<vmem>> -> memref<8x1x8x128xf32, #tpu.memory_space<vmem>>
          %parallel_loop3A_327 = arith.index_cast %parallel_loop3A_230 : i32 to index
          %parallel_loop3A_328 = arith.index_cast %parallel_loop3A_320 : i32 to index
          %parallel_loop3A_329 = arith.index_cast %parallel_loop3A_246 : i32 to index
          %parallel_loop3A_330 = arith.constant 64 : index
          %parallel_loop3A_331 = tpu.vector_load %parallel_loop3A_326[%parallel_loop3A_327, %parallel_loop3A_328, %parallel_loop3A_329, %parallel_loop3A_330] {strides = array<i32>} : memref<8x1x8x128xf32, #tpu.memory_space<vmem>>, vector<16xf32>,
          tpu.vector_store %parallel_loop3A_326[%parallel_loop3A_327, %parallel_loop3A_328, %parallel_loop3A_329, %parallel_loop3A_330], %parallel_loop3A_319 {strides = array<i32>} : memref<8x1x8x128xf32, #tpu.memory_space<vmem>>, vector<16xf32>,
          %parallel_loop3A_332 = arith.constant 5200 : i32
          %parallel_loop3A_333 = arith.addi %parallel_loop3A_332, %parallel_loop3A_206 : i32
          %parallel_loop3A_334 = vector.broadcast %parallel_loop3A_333 : i32 to vector<16xi32>
          %parallel_loop3A_335 = arith.addi %mul3A_3, %parallel_loop3A_334 : vector<16xi32>
          %parallel_loop3A_336 = tpu.vector_load_idx %arg10[%parallel_loop3A_335] : memref<8320xf32, #tpu.memory_space<vmem>>[vector<16xi32>], vector<16xf32>,
          %parallel_loop3A_337 = arith.constant 0 : i32
          %parallel_loop3A_338 = arith.constant 0 : i32
          %parallel_loop3A_339 = arith.constant 0 : i32
          %parallel_loop3A_340 = arith.constant 0 : i32
          %parallel_loop3A_341 = arith.constant 0 : i32
          %parallel_loop3A_342 = tpu.memref_slice %arg11[%parallel_loop3A_175, %parallel_loop3A_338, %parallel_loop3A_339, %parallel_loop3A_340, %parallel_loop3A_341] : memref<2x8x1x8x128xf32, #tpu.memory_space<vmem>> -> memref<1x8x1x8x128xf32, #tpu.memory_space<vmem>>
          %parallel_loop3A_343 = tpu.memref_squeeze %parallel_loop3A_342 : memref<1x8x1x8x128xf32, #tpu.memory_space<vmem>> -> memref<8x1x8x128xf32, #tpu.memory_space<vmem>>
          %parallel_loop3A_344 = arith.index_cast %parallel_loop3A_230 : i32 to index
          %parallel_loop3A_345 = arith.index_cast %parallel_loop3A_337 : i32 to index
          %parallel_loop3A_346 = arith.index_cast %parallel_loop3A_246 : i32 to index
          %parallel_loop3A_347 = arith.constant 80 : index
          %parallel_loop3A_348 = tpu.vector_load %parallel_loop3A_343[%parallel_loop3A_344, %parallel_loop3A_345, %parallel_loop3A_346, %parallel_loop3A_347] {strides = array<i32>} : memref<8x1x8x128xf32, #tpu.memory_space<vmem>>, vector<16xf32>,
          tpu.vector_store %parallel_loop3A_343[%parallel_loop3A_344, %parallel_loop3A_345, %parallel_loop3A_346, %parallel_loop3A_347], %parallel_loop3A_336 {strides = array<i32>} : memref<8x1x8x128xf32, #tpu.memory_space<vmem>>, vector<16xf32>,
          %parallel_loop3A_349 = arith.constant 6240 : i32
          %parallel_loop3A_350 = arith.addi %parallel_loop3A_349, %parallel_loop3A_206 : i32
          %parallel_loop3A_351 = vector.broadcast %parallel_loop3A_350 : i32 to vector<16xi32>
          %parallel_loop3A_352 = arith.addi %mul3A_3, %parallel_loop3A_351 : vector<16xi32>
          %parallel_loop3A_353 = tpu.vector_load_idx %arg10[%parallel_loop3A_352] : memref<8320xf32, #tpu.memory_space<vmem>>[vector<16xi32>], vector<16xf32>,
          %parallel_loop3A_354 = arith.constant 0 : i32
          %parallel_loop3A_355 = arith.constant 0 : i32
          %parallel_loop3A_356 = arith.constant 0 : i32
          %parallel_loop3A_357 = arith.constant 0 : i32
          %parallel_loop3A_358 = arith.constant 0 : i32
          %parallel_loop3A_359 = tpu.memref_slice %arg11[%parallel_loop3A_175, %parallel_loop3A_355, %parallel_loop3A_356, %parallel_loop3A_357, %parallel_loop3A_358] : memref<2x8x1x8x128xf32, #tpu.memory_space<vmem>> -> memref<1x8x1x8x128xf32, #tpu.memory_space<vmem>>
          %parallel_loop3A_360 = tpu.memref_squeeze %parallel_loop3A_359 : memref<1x8x1x8x128xf32, #tpu.memory_space<vmem>> -> memref<8x1x8x128xf32, #tpu.memory_space<vmem>>
          %parallel_loop3A_361 = arith.index_cast %parallel_loop3A_230 : i32 to index
          %parallel_loop3A_362 = arith.index_cast %parallel_loop3A_354 : i32 to index
          %parallel_loop3A_363 = arith.index_cast %parallel_loop3A_246 : i32 to index
          %parallel_loop3A_364 = arith.constant 96 : index
          %parallel_loop3A_365 = tpu.vector_load %parallel_loop3A_360[%parallel_loop3A_361, %parallel_loop3A_362, %parallel_loop3A_363, %parallel_loop3A_364] {strides = array<i32>} : memref<8x1x8x128xf32, #tpu.memory_space<vmem>>, vector<16xf32>,
          tpu.vector_store %parallel_loop3A_360[%parallel_loop3A_361, %parallel_loop3A_362, %parallel_loop3A_363, %parallel_loop3A_364], %parallel_loop3A_353 {strides = array<i32>} : memref<8x1x8x128xf32, #tpu.memory_space<vmem>>, vector<16xf32>,
          %parallel_loop3A_366 = arith.constant 7280 : i32
          %parallel_loop3A_367 = arith.addi %parallel_loop3A_366, %parallel_loop3A_206 : i32
          %parallel_loop3A_368 = vector.broadcast %parallel_loop3A_367 : i32 to vector<16xi32>
          %parallel_loop3A_369 = arith.addi %mul3A_3, %parallel_loop3A_368 : vector<16xi32>
          %parallel_loop3A_370 = tpu.vector_load_idx %arg10[%parallel_loop3A_369] : memref<8320xf32, #tpu.memory_space<vmem>>[vector<16xi32>], vector<16xf32>,
          %parallel_loop3A_371 = arith.constant 0 : i32
          %parallel_loop3A_372 = arith.constant 0 : i32
          %parallel_loop3A_373 = arith.constant 0 : i32
          %parallel_loop3A_374 = arith.constant 0 : i32
          %parallel_loop3A_375 = arith.constant 0 : i32
          %parallel_loop3A_376 = tpu.memref_slice %arg11[%parallel_loop3A_175, %parallel_loop3A_372, %parallel_loop3A_373, %parallel_loop3A_374, %parallel_loop3A_375] : memref<2x8x1x8x128xf32, #tpu.memory_space<vmem>> -> memref<1x8x1x8x128xf32, #tpu.memory_space<vmem>>
          %parallel_loop3A_377 = tpu.memref_squeeze %parallel_loop3A_376 : memref<1x8x1x8x128xf32, #tpu.memory_space<vmem>> -> memref<8x1x8x128xf32, #tpu.memory_space<vmem>>
          %parallel_loop3A_378 = arith.index_cast %parallel_loop3A_230 : i32 to index
          %parallel_loop3A_379 = arith.index_cast %parallel_loop3A_371 : i32 to index
          %parallel_loop3A_380 = arith.index_cast %parallel_loop3A_246 : i32 to index
          %parallel_loop3A_381 = arith.constant 112 : index
          %parallel_loop3A_382 = tpu.vector_load %parallel_loop3A_377[%parallel_loop3A_378, %parallel_loop3A_379, %parallel_loop3A_380, %parallel_loop3A_381] {strides = array<i32>} : memref<8x1x8x128xf32, #tpu.memory_space<vmem>>, vector<16xf32>,
          tpu.vector_store %parallel_loop3A_377[%parallel_loop3A_378, %parallel_loop3A_379, %parallel_loop3A_380, %parallel_loop3A_381], %parallel_loop3A_370 {strides = array<i32>} : memref<8x1x8x128xf32, #tpu.memory_space<vmem>>, vector<16xf32>,
        } {sc.loop_unroll_factor = 2 : i64, sc.parallel_access}
        %gt3A_176 = arith.constant 0 : i32
        %gt3A_177 = arith.cmpi sgt, %scan3A_85, %gt3A_176 : i32
        %convert_element_type3A_178 = arith.extui %gt3A_177 : i1 to i32
        %cond3A_179 = arith.constant 0 : i32
        %cond3A_180 = arith.cmpi ne, %convert_element_type3A_178, %cond3A_179 : i32
        scf.if %cond3A_180 {
          %dma_wait3A_206 = arith.constant 0 : i32
          %dma_wait3A_207 = arith.constant 1 : i32
          %dma_wait3A_208 = arith.constant 0 : i32
          %dma_wait3A_209 = arith.constant 0 : i32
          %dma_wait3A_210 = arith.constant 0 : i32
          %dma_wait3A_211 = arith.constant 0 : i32
          %dma_wait3A_212 = tpu.memref_slice %arg11[%dma_wait3A_207, %dma_wait3A_208, %dma_wait3A_209, %dma_wait3A_210, %dma_wait3A_211] : memref<2x8x1x8x128xf32, #tpu.memory_space<vmem>> -> memref<1x8x1x8x128xf32, #tpu.memory_space<vmem>>
          %dma_wait3A_213 = tpu.memref_squeeze %dma_wait3A_212 : memref<1x8x1x8x128xf32, #tpu.memory_space<vmem>> -> memref<8x1x8x128xf32, #tpu.memory_space<vmem>>
          %dma_wait3A_214 = arith.constant 0 : i32
          %dma_wait3A_215 = arith.constant 0 : i32
          %dma_wait3A_216 = arith.constant 0 : i32
          %dma_wait3A_217 = arith.constant 0 : i32
          %dma_wait3A_218 = tpu.memref_slice %arg5[%dma_wait3A_206, %dma_wait3A_214, %dma_wait3A_215, %dma_wait3A_216, %dma_wait3A_217] : memref<100x8x128x8x128xf32, #tpu.memory_space<hbm>> -> memref<1x8x1x8x128xf32, #tpu.memory_space<hbm>>
          %dma_wait3A_219 = tpu.memref_squeeze %dma_wait3A_218 : memref<1x8x1x8x128xf32, #tpu.memory_space<hbm>> -> memref<8x1x8x128xf32, #tpu.memory_space<hbm>>
          %dma_wait3A_220 = arith.constant 0 : i32
          %dma_wait3A_221 = arith.constant 0 : i32
          %dma_wait3A_222 = arith.constant 0 : i32
          %dma_wait3A_223 = arith.constant 0 : i32
          %dma_wait3A_224 = tpu.memref_slice %arg11[%dma_wait3A_207, %dma_wait3A_220, %dma_wait3A_221, %dma_wait3A_222, %dma_wait3A_223] : memref<2x8x1x8x128xf32, #tpu.memory_space<vmem>> -> memref<1x8x1x8x128xf32, #tpu.memory_space<vmem>>
          %dma_wait3A_225 = tpu.memref_squeeze %dma_wait3A_224 : memref<1x8x1x8x128xf32, #tpu.memory_space<vmem>> -> memref<8x1x8x128xf32, #tpu.memory_space<vmem>>
          %dma_wait3A_226 = arith.constant 0 : i32
          %dma_wait3A_227 = arith.constant 0 : i32
          %dma_wait3A_228 = arith.constant 0 : i32
          %dma_wait3A_229 = arith.constant 0 : i32
          %dma_wait3A_230 = tpu.memref_slice %arg5[%dma_wait3A_206, %dma_wait3A_226, %dma_wait3A_227, %dma_wait3A_228, %dma_wait3A_229] : memref<100x8x128x8x128xf32, #tpu.memory_space<hbm>> -> memref<1x8x1x8x128xf32, #tpu.memory_space<hbm>>
          %dma_wait3A_231 = tpu.memref_squeeze %dma_wait3A_230 : memref<1x8x1x8x128xf32, #tpu.memory_space<hbm>> -> memref<8x1x8x128xf32, #tpu.memory_space<hbm>>
          tpu.wait_dma2 semaphore(%arg15 : memref<!tpu.dma_semaphore, #tpu.memory_space<semaphore_mem>>) src(%dma_wait3A_231 : memref<8x1x8x128xf32, #tpu.memory_space<hbm>>) dst(%dma_wait3A_225 : memref<8x1x8x128xf32, #tpu.memory_space<vmem>>)
        } else {
        }
        %add3A_181 = arith.constant 1 : i32
        %add3A_182 = arith.addi %mul3A_87, %add3A_181 : i32
        %dma_start3A_183 = arith.constant 1 : i32
        %dma_start3A_184 = arith.constant 0 : i32
        %dma_start3A_185 = arith.constant 0 : i32
        %dma_start3A_186 = arith.constant 0 : i32
        %dma_start3A_187 = arith.constant 0 : i32
        %dma_start3A_188 = tpu.memref_slice %arg11[%dma_start3A_183, %dma_start3A_184, %dma_start3A_185, %dma_start3A_186, %dma_start3A_187] : memref<2x8x1x8x128xf32, #tpu.memory_space<vmem>> -> memref<1x8x1x8x128xf32, #tpu.memory_space<vmem>>
        %dma_start3A_189 = tpu.memref_squeeze %dma_start3A_188 : memref<1x8x1x8x128xf32, #tpu.memory_space<vmem>> -> memref<8x1x8x128xf32, #tpu.memory_space<vmem>>
        %dma_start3A_190 = arith.constant 0 : i32
        %dma_start3A_191 = arith.constant 0 : i32
        %dma_start3A_192 = arith.constant 0 : i32
        %dma_start3A_193 = tpu.memref_slice %arg5[%add3A_182, %dma_start3A_190, %add3A_12, %dma_start3A_191, %dma_start3A_192] : memref<100x8x128x8x128xf32, #tpu.memory_space<hbm>> -> memref<1x8x1x8x128xf32, #tpu.memory_space<hbm>>
        %dma_start3A_194 = tpu.memref_squeeze %dma_start3A_193 : memref<1x8x1x8x128xf32, #tpu.memory_space<hbm>> -> memref<8x1x8x128xf32, #tpu.memory_space<hbm>>
        %dma_start3A_195 = arith.constant 0 : i32
        %dma_start3A_196 = arith.constant 0 : i32
        %dma_start3A_197 = arith.constant 0 : i32
        %dma_start3A_198 = tpu.memref_slice %arg5[%add3A_182, %dma_start3A_195, %add3A_12, %dma_start3A_196, %dma_start3A_197] : memref<100x8x128x8x128xf32, #tpu.memory_space<hbm>> -> memref<1x8x1x8x128xf32, #tpu.memory_space<hbm>>
        %dma_start3A_199 = tpu.memref_squeeze %dma_start3A_198 : memref<1x8x1x8x128xf32, #tpu.memory_space<hbm>> -> memref<8x1x8x128xf32, #tpu.memory_space<hbm>>
        %dma_start3A_200 = arith.constant 0 : i32
        %dma_start3A_201 = arith.constant 0 : i32
        %dma_start3A_202 = arith.constant 0 : i32
        %dma_start3A_203 = arith.constant 0 : i32
        %dma_start3A_204 = tpu.memref_slice %arg11[%dma_start3A_183, %dma_start3A_200, %dma_start3A_201, %dma_start3A_202, %dma_start3A_203] : memref<2x8x1x8x128xf32, #tpu.memory_space<vmem>> -> memref<1x8x1x8x128xf32, #tpu.memory_space<vmem>>
        %dma_start3A_205 = tpu.memref_squeeze %dma_start3A_204 : memref<1x8x1x8x128xf32, #tpu.memory_space<vmem>> -> memref<8x1x8x128xf32, #tpu.memory_space<vmem>>
        tpu.enqueue_dma source(%dma_start3A_205 : memref<8x1x8x128xf32, #tpu.memory_space<vmem>>) target(%dma_start3A_199 : memref<8x1x8x128xf32, #tpu.memory_space<hbm>>) target_semaphore(%arg15 : memref<!tpu.dma_semaphore, #tpu.memory_space<semaphore_mem>>)
      }
      %scan3A_33 = arith.constant 50 : i32
      %dma_wait3A = arith.constant 0 : i32
      %dma_wait3A_34 = arith.constant 0 : i32
      %dma_wait3A_35 = arith.constant 0 : i32
      %dma_wait3A_36 = arith.constant 0 : i32
      %dma_wait3A_37 = arith.constant 0 : i32
      %dma_wait3A_38 = arith.constant 0 : i32
      %dma_wait3A_39 = tpu.memref_slice %arg11[%dma_wait3A_34, %dma_wait3A_35, %dma_wait3A_36, %dma_wait3A_37, %dma_wait3A_38] : memref<2x8x1x8x128xf32, #tpu.memory_space<vmem>> -> memref<1x8x1x8x128xf32, #tpu.memory_space<vmem>>
      %dma_wait3A_40 = tpu.memref_squeeze %dma_wait3A_39 : memref<1x8x1x8x128xf32, #tpu.memory_space<vmem>> -> memref<8x1x8x128xf32, #tpu.memory_space<vmem>>
      %dma_wait3A_41 = arith.constant 0 : i32
      %dma_wait3A_42 = arith.constant 0 : i32
      %dma_wait3A_43 = arith.constant 0 : i32
      %dma_wait3A_44 = arith.constant 0 : i32
      %dma_wait3A_45 = tpu.memref_slice %arg5[%dma_wait3A, %dma_wait3A_41, %dma_wait3A_42, %dma_wait3A_43, %dma_wait3A_44] : memref<100x8x128x8x128xf32, #tpu.memory_space<hbm>> -> memref<1x8x1x8x128xf32, #tpu.memory_space<hbm>>
      %dma_wait3A_46 = tpu.memref_squeeze %dma_wait3A_45 : memref<1x8x1x8x128xf32, #tpu.memory_space<hbm>> -> memref<8x1x8x128xf32, #tpu.memory_space<hbm>>
      %dma_wait3A_47 = arith.constant 0 : i32
      %dma_wait3A_48 = arith.constant 0 : i32
      %dma_wait3A_49 = arith.constant 0 : i32
      %dma_wait3A_50 = arith.constant 0 : i32
      %dma_wait3A_51 = tpu.memref_slice %arg11[%dma_wait3A_34, %dma_wait3A_47, %dma_wait3A_48, %dma_wait3A_49, %dma_wait3A_50] : memref<2x8x1x8x128xf32, #tpu.memory_space<vmem>> -> memref<1x8x1x8x128xf32, #tpu.memory_space<vmem>>
      %dma_wait3A_52 = tpu.memref_squeeze %dma_wait3A_51 : memref<1x8x1x8x128xf32, #tpu.memory_space<vmem>> -> memref<8x1x8x128xf32, #tpu.memory_space<vmem>>
      %dma_wait3A_53 = arith.constant 0 : i32
      %dma_wait3A_54 = arith.constant 0 : i32
      %dma_wait3A_55 = arith.constant 0 : i32
      %dma_wait3A_56 = arith.constant 0 : i32
      %dma_wait3A_57 = tpu.memref_slice %arg5[%dma_wait3A, %dma_wait3A_53, %dma_wait3A_54, %dma_wait3A_55, %dma_wait3A_56] : memref<100x8x128x8x128xf32, #tpu.memory_space<hbm>> -> memref<1x8x1x8x128xf32, #tpu.memory_space<hbm>>
      %dma_wait3A_58 = tpu.memref_squeeze %dma_wait3A_57 : memref<1x8x1x8x128xf32, #tpu.memory_space<hbm>> -> memref<8x1x8x128xf32, #tpu.memory_space<hbm>>
      tpu.wait_dma2 semaphore(%arg14 : memref<!tpu.dma_semaphore, #tpu.memory_space<semaphore_mem>>) src(%dma_wait3A_58 : memref<8x1x8x128xf32, #tpu.memory_space<hbm>>) dst(%dma_wait3A_52 : memref<8x1x8x128xf32, #tpu.memory_space<vmem>>)
      %dma_wait3A_59 = arith.constant 0 : i32
      %dma_wait3A_60 = arith.constant 1 : i32
      %dma_wait3A_61 = arith.constant 0 : i32
      %dma_wait3A_62 = arith.constant 0 : i32
      %dma_wait3A_63 = arith.constant 0 : i32
      %dma_wait3A_64 = arith.constant 0 : i32
      %dma_wait3A_65 = tpu.memref_slice %arg11[%dma_wait3A_60, %dma_wait3A_61, %dma_wait3A_62, %dma_wait3A_63, %dma_wait3A_64] : memref<2x8x1x8x128xf32, #tpu.memory_space<vmem>> -> memref<1x8x1x8x128xf32, #tpu.memory_space<vmem>>
      %dma_wait3A_66 = tpu.memref_squeeze %dma_wait3A_65 : memref<1x8x1x8x128xf32, #tpu.memory_space<vmem>> -> memref<8x1x8x128xf32, #tpu.memory_space<vmem>>
      %dma_wait3A_67 = arith.constant 0 : i32
      %dma_wait3A_68 = arith.constant 0 : i32
      %dma_wait3A_69 = arith.constant 0 : i32
      %dma_wait3A_70 = arith.constant 0 : i32
      %dma_wait3A_71 = tpu.memref_slice %arg5[%dma_wait3A_59, %dma_wait3A_67, %dma_wait3A_68, %dma_wait3A_69, %dma_wait3A_70] : memref<100x8x128x8x128xf32, #tpu.memory_space<hbm>> -> memref<1x8x1x8x128xf32, #tpu.memory_space<hbm>>
      %dma_wait3A_72 = tpu.memref_squeeze %dma_wait3A_71 : memref<1x8x1x8x128xf32, #tpu.memory_space<hbm>> -> memref<8x1x8x128xf32, #tpu.memory_space<hbm>>
      %dma_wait3A_73 = arith.constant 0 : i32
      %dma_wait3A_74 = arith.constant 0 : i32
      %dma_wait3A_75 = arith.constant 0 : i32
      %dma_wait3A_76 = arith.constant 0 : i32
      %dma_wait3A_77 = tpu.memref_slice %arg11[%dma_wait3A_60, %dma_wait3A_73, %dma_wait3A_74, %dma_wait3A_75, %dma_wait3A_76] : memref<2x8x1x8x128xf32, #tpu.memory_space<vmem>> -> memref<1x8x1x8x128xf32, #tpu.memory_space<vmem>>
      %dma_wait3A_78 = tpu.memref_squeeze %dma_wait3A_77 : memref<1x8x1x8x128xf32, #tpu.memory_space<vmem>> -> memref<8x1x8x128xf32, #tpu.memory_space<vmem>>
      %dma_wait3A_79 = arith.constant 0 : i32
      %dma_wait3A_80 = arith.constant 0 : i32
      %dma_wait3A_81 = arith.constant 0 : i32
      %dma_wait3A_82 = arith.constant 0 : i32
      %dma_wait3A_83 = tpu.memref_slice %arg5[%dma_wait3A_59, %dma_wait3A_79, %dma_wait3A_80, %dma_wait3A_81, %dma_wait3A_82] : memref<100x8x128x8x128xf32, #tpu.memory_space<hbm>> -> memref<1x8x1x8x128xf32, #tpu.memory_space<hbm>>
      %dma_wait3A_84 = tpu.memref_squeeze %dma_wait3A_83 : memref<1x8x1x8x128xf32, #tpu.memory_space<hbm>> -> memref<8x1x8x128xf32, #tpu.memory_space<hbm>>
      tpu.wait_dma2 semaphore(%arg15 : memref<!tpu.dma_semaphore, #tpu.memory_space<semaphore_mem>>) src(%dma_wait3A_84 : memref<8x1x8x128xf32, #tpu.memory_space<hbm>>) dst(%dma_wait3A_78 : memref<8x1x8x128xf32, #tpu.memory_space<vmem>>)
    }
    %scan3A_8 = arith.constant 4 : i32
    return
  }
}

</mosaic_0001>

<sc_bundles>
// kernel: kernel.3.cloned.1.call-start
scs
__scs_entry_jumppad:
0x0: {  	(pc) =	sbr.rel $0x88, $3  }
0x1: {  	(tag) =	ssettag $0x0;
	lr =	simm.s32 $0x1  }
0x2: {  	[smem:$0x3F9F] =	sst lr;
	_ =	strace $0xD0000000  }
0x3: {  	_ = 	snop  }
0x4: {  	_ = 	snop  }
0x5: {  	_ = 	snop  }
0x6: {  	_ = 	snop  }
0x7: {  	_ = 	snop  }
__scs_overlays_trampoline_lowered:
0x8: {  	[smem:$0x3FAE] =	sst s0  }
0x9: {  	[smem:$0x3FAF] =	sst s1  }
0xa: {  	[smem:$0x3FB0] =	sst s2  }
0xb: {  	[smem:$0x3FB1] =	sst s3  }
0xc: {  	[smem:$0x3FB2] =	sst s4  }
0xd: {  	[smem:$0x3FB3] =	sst s5  }
0xe: {  	[smem:$0x3FB4] =	sst s6  }
0xf: {  	[smem:$0x3FB5] =	sst s7  }
0x10: {  	[smem:$0x3FB6] =	sst s8  }
0x11: {  	[smem:$0x3FB7] =	sst s9;
	s0 =	simm.s32 @!p0 $0x0  }
0x12: {  	s1 =	sld [smem:$0x3F9D];
	s0 =	simm.s32 @p0 $0x1  }
0x13: {  	[smem:$0x3FB8] =	sst s0;
	s0 =	simm.s32 @!p1 $0x0  }
0x14: {  	s2 =	sld [smem:$0x3F9C];
	s0 =	simm.s32 @p1 $0x1  }
0x15: {  	[smem:$0x3FB9] =	sst s0;
	s0 =	simm.s32 @!p2 $0x0  }
0x16: {  	s3 =	sld [smem:$0x3FDB];
	s0 =	simm.s32 @p2 $0x1  }
0x17: {  	s4 =	simm.s32 $0x1BF5;
	[smem:$0x3FBB] =	sst s0  }
0x18: {  	s0 =	sld [smem:$0x3F9E];
	_ =	swait.ge [sflag:s4], $0x0  }
0x19: {  	s7 =	sld [smem:$0x3F9F]  }
0x1a: {  	s8 =	sadd.s32 $0xFFFFE003, lr  }
0x1b: {  	s9 =	sadd.s32 $0xFFFFFEF7, lr;
	s5 =	simm.s32 $0xFFFFFFFF;
	p2 =	slt.u32 s8, $0xFFFFF086  }
0x1c: {  	p1 =	slt.u32 s9, $0xF7A;
	s5 =	simm.s32 @!p2 $0x0  }
0x1d: {  	s5 =	simm.s32 @p1 $0x1;
	p0 =	seq.s32 s7, s2  }
0x1e: {  	s7 =	smul.u32 @!p0 $0xF7A, s2;
	p2 =	seq.s32 @!p0 s5, $0x0  }
0x1f: {  	s9 =	smul.u32 $0xF7A, s1;
	s8 =	simm.s32 @!p0 $0x1BF5;
	p2 =	por !p2, p0  }
0x20: {  	[sflag:s8] =	ssyncset.s32 @!p0 $0xFFFFF086;
	s6 =	sadd.s32 @!p0 s3, s7;
	s7 =	simm.s32 @!p0 $0x108  }
0x21: {  	s3 =	sadd.s32 s3, s9;
	s6 =	sadd.s32 @!p0 $0x88, s6;
	s7 =	simm.s32 @p2 $0x1082  }
0x22: {  	[simem:s7], [sflag:s8] =	dma.local @!p0 [hbm:s6], $0xF7A  }
0x23: {  	s9 =	sor.u32 $0xD0000000, s2;
	s6 =	simm.s32 $0x108;
	_ =	swait.ge @!p0 [sflag:s8], $0x0  }
0x24: {  	s3 =	sadd.s32 $0x88, s3;
	s6 =	simm.s32 @!p1 $0x1082;
	[sflag:s4] =	ssyncset.s32 $0xFFFFF086  }
0x25: {  	[simem:s6], [sflag:s4] =	dma.local [hbm:s3], $0xF7A  }
0x26: {  	[smem:$0x3F9F] =	sst s1;
	(tag) =	ssettag s2;
	_ =	strace s9  }
0x27: {  	s1 =	sld [smem:$0x3FAF]  }
0x28: {  	s2 =	sld [smem:$0x3FB0]  }
0x29: {  	s4 =	sld [smem:$0x3FB2]  }
0x2a: {  	p0 =	seq.s32 s5, $0x0;
	s5 =	sld [smem:$0x3FB3]  }
0x2b: {  	s6 =	sld [smem:$0x3FB4]  }
0x2c: {  	s7 =	sld [smem:$0x3FB5]  }
0x2d: {  	s3 =	simm.s32 $0x108;
	s8 =	sld [smem:$0x3FB6]  }
0x2e: {  	s3 =	simm.s32 @!p0 $0x1082;
	s9 =	sld [smem:$0x3FB7]  }
0x2f: {  	lr =	sadd.s32 s0, s3;
	s0 =	sld [smem:$0x3FAE]  }
0x30: {  	s3 =	sld [smem:$0x3FB1]  }
0x31: {  	[smem:$0x3FBA] =	sst s10  }
0x32: {  	s10 =	sld [smem:$0x3FB8];
	_ =	sdelay $0x3  }
0x33: {  	p0 =	seq.s32 s10, $0x1;
	s10 =	sld [smem:$0x3FBA];
	_ =	sdelay $0x3  }
0x34: {  	[smem:$0x3FBA] =	sst s10  }
0x35: {  	s10 =	sld [smem:$0x3FB9];
	_ =	sdelay $0x3  }
0x36: {  	p1 =	seq.s32 s10, $0x1;
	s10 =	sld [smem:$0x3FBA];
	_ =	sdelay $0x3  }
0x37: {  	[smem:$0x3FBA] =	sst s10  }
0x38: {  	s10 =	sld [smem:$0x3FBB]  }
0x39: {  	_ = 	snop;
	(pc) =	sbr.ind lr, $3  }
0x3a: {  	_ = 	snop  }
0x3b: {  	_ = 	snop  }
0x3c: {  	p2 =	seq.s32 s10, $0x1;
	s10 =	sld [smem:$0x3FBA]  }
0x3d: {  	_ =	shalt  }
0x3e: {  	_ =	shalt  }
0x3f: {  	_ =	shalt  }
0x40: {  	_ =	shalt  }
0x41: {  	_ =	shalt  }
0x42: {  	_ =	shalt  }
0x43: {  	_ =	shalt  }
0x44: {  	_ =	shalt  }
0x45: {  	_ =	shalt  }
0x46: {  	_ =	shalt  }
0x47: {  	_ =	shalt  }
0x48: {  	_ =	shalt  }
0x49: {  	_ =	shalt  }
0x4a: {  	_ =	shalt  }
0x4b: {  	_ =	shalt  }
0x4c: {  	_ =	shalt  }
0x4d: {  	_ =	shalt  }
0x4e: {  	_ =	shalt  }
0x4f: {  	_ =	shalt  }
0x50: {  	_ =	shalt  }
0x51: {  	_ =	shalt  }
0x52: {  	_ =	shalt  }
0x53: {  	_ =	shalt  }
0x54: {  	_ =	shalt  }
0x55: {  	_ =	shalt  }
0x56: {  	_ =	shalt  }
0x57: {  	_ =	shalt  }
0x58: {  	_ =	shalt  }
0x59: {  	_ =	shalt  }
0x5a: {  	_ =	shalt  }
0x5b: {  	_ =	shalt  }
0x5c: {  	_ =	shalt  }
0x5d: {  	_ =	shalt  }
0x5e: {  	_ =	shalt  }
0x5f: {  	_ =	shalt  }
0x60: {  	_ =	shalt  }
0x61: {  	_ =	shalt  }
0x62: {  	_ =	shalt  }
0x63: {  	_ =	shalt  }
0x64: {  	_ =	shalt  }
0x65: {  	_ =	shalt  }
0x66: {  	_ =	shalt  }
0x67: {  	_ =	shalt  }
0x68: {  	_ =	shalt  }
0x69: {  	_ =	shalt  }
0x6a: {  	_ =	shalt  }
0x6b: {  	_ =	shalt  }
0x6c: {  	_ =	shalt  }
0x6d: {  	_ =	shalt  }
0x6e: {  	_ =	shalt  }
0x6f: {  	_ =	shalt  }
0x70: {  	_ =	shalt  }
0x71: {  	_ =	shalt  }
0x72: {  	_ =	shalt  }
0x73: {  	_ =	shalt  }
0x74: {  	_ =	shalt  }
0x75: {  	_ =	shalt  }
0x76: {  	_ =	shalt  }
0x77: {  	_ =	shalt  }
0x78: {  	_ =	shalt  }
0x79: {  	_ =	shalt  }
0x7a: {  	_ =	shalt  }
0x7b: {  	_ =	shalt  }
0x7c: {  	_ =	shalt  }
0x7d: {  	_ =	shalt  }
0x7e: {  	_ =	shalt  }
0x7f: {  	_ =	shalt  }
0x80: {  	_ =	shalt  }
0x81: {  	_ =	shalt  }
0x82: {  	_ =	shalt  }
0x83: {  	_ =	shalt  }
0x84: {  	_ =	shalt  }
0x85: {  	_ =	shalt  }
0x86: {  	_ =	shalt  }
0x87: {  	_ =	shalt  }
.Lfunc_end0:
.L_simem_size_0:
called_computation_lowered:
.L_overlay_start_0:
0x88: {  	s2 =	sld [smem:$0x3FD9]  }
0x89: {  	s3 =	sld [smem:$0x3FFE];
	_ =	sdelay $0x1  }
0x8a: {  	s1 =	srdreg.scid  }
0x8b: {  	s0 =	sand.u32 $0x1, s1  }
0x8c: {  	s17 =	sshll.u32 s0, $0xA;
	s2 =	sadd.s32 s3, s2  }
0x8d: {  	s2 =	sadd.s32 s2, s17  }
0x8e: {  	[smem:$0x3FC6] =	sst s2  }
0x8f: {  	_ = 	snop  }
0x90: {  	s2 =	sld [smem:$0x3FD0];
	(tm) =	ssettm $0x1  }
0x91: {  	s18 =	sld [smem:$0x3FFB];
	_ =	sdelay $0x3  }
0x92: {  	_ =	strace s18  }
0x93: {  	s3 =	sld [smem:$0x3FFC];
	_ =	sdelay $0x3  }
0x94: {  	_ =	strace s3  }
0x95: {  	s3 =	sld [smem:$0x3FFD];
	_ =	sdelay $0x3  }
0x96: {  	_ =	strace s3  }
0x97: {  	_ =	strace $0x8FFFFFFF  }
0x98: {  	s19 =	sld [smem:$0x3FDB];
	_ =	sdelay $0x1  }
0x99: {  	s4 =	simm.s32 $_scs_section_size  }
0x9a: {  	s5 =	simm.s32 $_size__tile_overlayer_lowered;
	s6 =	simm.s32 $_tile_overlayer_lowered  }
0x9b: {  	s22 =	simm.s32 $0x1BFF;
	s21 =	sshll.u32 s6, $0x1;
	s3 =	sadd.s32 s4, s19  }
0x9c: {  	s7 =	simm.s32 $0x0;
	s20 =	sshll.u32 s5, $0x1;
	s5 =	sadd.s32 s21, s3  }
0x9d: {  	[timem:s7], [sflag:s22] =	dma.local [hbm:s5], s20  }
0x9e: {  	_ =	swait.ge [sflag:s22], s20  }
0x9f: {  	s4 =	ssub.s32 $0x0, s20;
	[sflag:s22] =	ssyncset.done $0x0  }
0xa0: {  	[sflag:s22] =	ssyncadd.s32 s4;
	_ =	sdelay $0x1  }
0xa1: {  	s23 =	simm.s32 $0x1B8B  }
0xa2: {  	_ =	swait.ge [sflag:s23], $0x1  }
0xa3: {  	[sflag:s23] =	ssyncset.done $0x0  }
0xa4: {  	s25 =	simm.s32 $0x1B8E;
	s24 =	sld [smem:$0x3FFE];
	[sflag:s23] =	ssyncadd.s32 $0xFFFFFFFF  }
0xa5: {  	s26 =	simm.s32 $execute0_lowered;
	[smem:$0x3FD2] =	sst s25  }
0xa6: {  	s5 =	sshll.u32 s26, $0x1;
	_ =	strace $0x80000046;
	[dreg:$0x1] =	wrdreg $0xFFFFFFFF  }
0xa7: {  	s28 =	simm.s32 $_size_execute0_lowered;
	s3 =	sadd.s32 s3, s5;
	[dreg:$0x0] =	wrdreg $0x0  }
0xa8: {  	s5 =	sshll.u32 s28, $0x1;
	[dreg:$0x2] =	wrdreg s3  }
0xa9: {  	[dreg:$0x3] =	wrdreg s5  }
0xaa: {  	[dreg:$0x4] =	wrdreg $0xC0  }
0xab: {  	_ =	task [dreg:s7], $0x5FFFF  }
0xac: {  	[dreg:$0x1] =	wrdreg $0xFFFFFFFF  }
0xad: {  	[dreg:$0x0] =	wrdreg $0x60  }
0xae: {  	[dreg:$0x2] =	wrdreg s24  }
0xaf: {  	[dreg:$0x3] =	wrdreg s2  }
0xb0: {  	[dreg:$0x4] =	wrdreg $0x9  }
0xb1: {  	_ =	task.clear_ibuf [dreg:s7], $0x5FFFF;
	_ =	strace $0x90000046  }
0xb2: {  	s29 =	simm.s32 $0x9;
	_ =	strace $0x80000048  }
0xb3: {  	_ =	swait.ge [sflag:s29], $0x1  }
0xb4: {  	[sflag:s29] =	ssyncadd.s32 $0xFFFFFFFF  }
0xb5: {  	_ =	strace $0x90000048  }
0xb6: {  	_ =	sfence  }
0xb7: {  	s30 =	sld [smem:$0x0];
	_ =	sdelay $0x2  }
0xb8: {  	s31 =	sshll.u32 s1, $0xD;
	s1 =	sshrl.u32 s1, $0x2  }
0xb9: {  	s3 =	sand.u32 $0x4000, s31;
	s1 =	sadd.s32 s1, s30  }
0xba: {  	s0 =	sor.u32 s3, s0;
	s1 =	sshll.u32 s1, $0x11  }
0xbb: {  	s0 =	sor.u32 s1, s0  }
0xbc: {  	s0 =	sadd.s32 $0x8F2B, s0  }
0xbd: {  	[sflag:s0] =	ssyncadd.remote.s32 $0x1  }
0xbe: {  	_ =	sfence.sel $0xFFFF  }
0xbf: {  	[dreg:$0x0] =	wrdreg $0xFFFFFFFF;
	(pc) =	sbr.abs _section_cstart, $3  }
0xc0: {  	[dreg:$0x1] =	wrdreg $0xFFFFFFFF  }
0xc1: {  	_ =	task.clear_ibuf [dreg:s7], $0x2FFFF;
	_ =	strace $0x9FFFFFFF  }
0xc2: {  	(tm) =	ssettm $0x7FFFFFFF  }
0xc3: {  	_ =	shalt  }
tec
execute0_lowered:
.L_overlay_start_1:
0x0: {  	(tag) =	ssettag $0x1  }
0x1: {  	s0 =	rddreg [dreg:$0x0]  }
0x2: {  	s18 =	rddreg [dreg:$0x1]  }
0x3: {  	s2 =	simm.s32 $0x0;
	s1 =	srdreg.scid;
	s5 =	stileid.u32  }
0x4: {  	s16 =	simm.s32 $0x1;
	s17 =	simm.s32 $0xAC00;
	s26 =	simm.s32 $0x400  }
0x5: {  	s19 =	simm.s32 $0x20000;
	[smem:$0x7FF] =	sst s2;
	s3 =	sadd.s32 $0x4400, s0  }
0x6: {  	s1 =	sand.u32 $0x1, s1;
	s29 =	sadd.s32 $0x36400, s0;
	s5 =	sshll.u32 s5, $0x3  }
.Ltmp0:
0x7: {  	_ =	strace $0x80000047;
	s30 =	ssub.s32 $0x2, s1;
	(pc) =	sbr.rel .LBB2_1-.Ltmp0, $4  }
0x8: {  	[dreg:$0x3] =	wrdreg s3;
	s1 =	sshll.u32 s1, $0x2;
	s4 =	sshrl.u32 s30, $0x1  }
0x9: {  	[dreg:$0x4] =	wrdreg s29;
	s1 =	sor.u32 s1, s5;
	s31 =	ssub.s32 s30, s4  }
0xa: {  	s6 =	sadd.s32 $0x400, s0;
	[dreg:$0x5] =	wrdreg s1;
	s0 =	smax.u32 s31, $0x1  }
0xb: {  	s21 =	simm.s32 $0x2;
	v0 =	vimm.s32 $0x0;
	v1 =	vlaneseq.u32;
	s1 =	simm.s32 $0x0;
	[dreg:$0x6] =	wrdreg s0  }
.LBB2_31:
0xc: {  	s1 =	rddreg [dreg:$0x7]  }
0xd: {  	s0 =	rddreg [dreg:$0x6];
	s1 =	sadd.s32 $0x1, s1  }
0xe: {  	p0 =	sne.s32 s1, s0  }
.Ltmp1:
0xf: {  	_ = 	snop;
	(pc) =	sbr.rel @!p0 .LBB2_32-.Ltmp1, $1  }
0x10: {  	_ =	sdelay $0x3  }
.LBB2_1:
0x11: {  	[dreg:$0x7] =	wrdreg s1  }
.Ltmp2:
0x12: {  	s0 =	rddreg [dreg:$0x4];
	s31 =	simm.s32 $0x5;
	(pc) =	sbr.rel .LBB2_2-.Ltmp2, $4  }
0x13: {  	[tilespmem:s2], [sflag:$0x5] =	stream.linear.gather [hbm4b:s0+s2], $0x800, $0x38;
	[tilespmem:$0x10C80] =	vst v63  }
0x14: {  	_ =	swait.ge [sflag:s31], $0x800  }
0x15: {  	[sflag:s31] =	ssyncset.done $0x0  }
0x16: {  	s1 =	simm.s32 $0x0;
	[sflag:s31] =	ssyncadd.s32 $0xFFFFF800  }
.LBB2_30:
0x17: {  	s0 =	simm.s32 $0x3  }
0x18: {  	_ =	swait.ge [sflag:s0], $0x2000  }
0x19: {  	[sflag:s0] =	ssyncset.done $0x0  }
0x1a: {  	s31 =	simm.s32 $0x4;
	[sflag:s0] =	ssyncadd.s32 $0xFFFFE000  }
0x1b: {  	_ =	swait.ge [sflag:s31], $0x2000  }
0x1c: {  	s1 =	rddreg [dreg:$0x8]  }
0x1d: {  	s1 =	sadd.s32 $0x1, s1  }
0x1e: {  	p0 =	sne.s32 s1, $0x4  }
.Ltmp3:
0x1f: {  	_ = 	snop;
	(pc) =	sbr.rel @!p0 .LBB2_31-.Ltmp3, $3  }
0x20: {  	_ =	sdelay $0x1  }
0x21: {  	[sflag:s31] =	ssyncset.done $0x0  }
0x22: {  	[sflag:s31] =	ssyncadd.s32 $0xFFFFE000  }
.LBB2_2:
0x23: {  	s0 =	rddreg [dreg:$0x5]  }
0x24: {  	[dreg:$0x8] =	wrdreg s1  }
0x25: {  	s23 =	rddreg [dreg:$0x3];
	s28 =	sadd.s32 s0, s1  }
0x26: {  	s24 =	simm.s32 $0x80;
	s3 =	simm.s32 $0x4000;
	s0 =	sshll.u32 s28, $0x4  }
0x27: {  	s4 =	simm.s32 $0x800;
	s25 =	simm.s32 $0x5;
	s0 =	sadd.s32 s23, s0  }
0x28: {  	[tilespmem:s4], [sflag:$0x5] =	stream.strided.gather [hbm4b:s0+s24], $0x3200, s3, s24, $0x38;
	[tilespmem:$0x10C80] =	vst v63  }
0x29: {  	_ =	swait.ge [sflag:s25], $0x3200  }
0x2a: {  	[sflag:s25] =	ssyncset.done $0x0  }
0x2b: {  	s8 =	simm.s32 $0x880;
	[sflag:s25] =	ssyncadd.s32 $0xFFFFCE00  }
0x2c: {  	v2 =	vld [tilespmem:s8+$0x0];
	_ =	sdelay $0x4  }
0x2d: {  	v4 =	vmul.f32 $2.046000000e+03, v2  }
0x2e: {  	v3 =	vld [tilespmem:s8+$0xFFFFFF80]  }
0x2f: {  	v4 =	vtrunc.f32 v4  }
0x30: {  	v4 =	vcvt.f32.s32 v4;
	_ =	sdelay $0x1  }
0x31: {  	vm0 =	vgt.s32 v4, $0x1  }
0x32: {  	v5 =	vmul.f32 $2.046000000e+03, v3;
	v4 =	vnsel vm0, $0x1, v4  }
0x33: {  	v4 =	vmin.u32 v4, $0x7FD  }
0x34: {  	v5 =	vtrunc.f32 v5;
	v6 =	vadd.s32 $0xFFFFFFFF, v4  }
0x35: {  	v5 =	vcvt.f32.s32 v5  }
0x36: {  	v7 =	vadd.s32 $0x1, v4  }
0x37: {  	vm12 =	vgt.s32 v5, $0x1  }
0x38: {  	v5 =	vnsel vm12, $0x1, v5;
	v4 =	vld.idx.msk [tilespmem:v4+s2+$0x0], $0xffff  }
0x39: {  	v5 =	vmin.u32 v5, $0x7FD;
	v9 =	vld.idx.msk [tilespmem:v6+s2+$0x0], $0xffff  }
0x3a: {  	v8 =	vadd.s32 $0xFFFFFFFF, v5  }
0x3b: {  	v7 =	vld.idx.msk [tilespmem:v7+s2+$0x0], $0xffff  }
0x3c: {  	v10 =	vadd.s32 $0x1, v5;
	_ =	sdelay $0x1  }
0x3d: {  	v5 =	vld.idx.msk [tilespmem:v5+s2+$0x0], $0xffff;
	vm1 =	vlt.f32 v4, v2;
	vm13 =	vlt.f32 v9, v2  }
0x3e: {  	v4 =	vld.idx.msk [tilespmem:v8+s2+$0x0], $0xffff;
	v11 =	vsel vm1, $0x1, v0;
	v9 =	vsel vm13, $0x1, v0  }
0x3f: {  	vm14 =	vlt.f32 v7, v2;
	v2 =	vadd.s32 v9, v11  }
0x40: {  	v7 =	vsel vm14, $0x1, v0;
	v2 =	vadd.s32 v6, v2;
	v6 =	vld.idx.msk [tilespmem:v10+s2+$0x0], $0xffff  }
0x41: {  	s29 =	simm.s32 $0x3A80;
	v2 =	vadd.s32 v7, v2  }
0x42: {  	[tilespmem:s29+$0x0] =	vst v2  }
0x43: {  	vm4 =	vlt.f32 v5, v3;
	vm15 =	vlt.f32 v4, v3;
	v2 =	vld [tilespmem:s8+$0x10]  }
0x44: {  	v5 =	vsel vm4, $0x1, v0;
	v4 =	vsel vm15, $0x1, v0  }
0x45: {  	vm5 =	vlt.f32 v6, v3;
	v3 =	vadd.s32 v4, v5  }
0x46: {  	v4 =	vsel vm5, $0x1, v0;
	v3 =	vadd.s32 v8, v3  }
0x47: {  	v3 =	vadd.s32 v4, v3  }
0x48: {  	v4 =	vmul.f32 $2.046000000e+03, v2;
	[tilespmem:s29+$0xFFFFFF80] =	vst v3  }
0x49: {  	v3 =	vld [tilespmem:s8+$0xFFFFFF90]  }
0x4a: {  	v4 =	vtrunc.f32 v4  }
0x4b: {  	v4 =	vcvt.f32.s32 v4;
	_ =	sdelay $0x1  }
0x4c: {  	vm6 =	vgt.s32 v4, $0x1  }
0x4d: {  	v4 =	vnsel vm6, $0x1, v4;
	v5 =	vmul.f32 $2.046000000e+03, v3  }
0x4e: {  	v4 =	vmin.u32 v4, $0x7FD  }
0x4f: {  	v6 =	vadd.s32 $0xFFFFFFFF, v4;
	v5 =	vtrunc.f32 v5  }
0x50: {  	v5 =	vcvt.f32.s32 v5  }
0x51: {  	v7 =	vadd.s32 $0x1, v4  }
0x52: {  	vm7 =	vgt.s32 v5, $0x1  }
0x53: {  	v4 =	vld.idx.msk [tilespmem:v4+s2+$0x0], $0xffff;
	v5 =	vnsel vm7, $0x1, v5  }
0x54: {  	v8 =	vld.idx.msk [tilespmem:v6+s2+$0x0], $0xffff;
	v5 =	vmin.u32 v5, $0x7FD  }
0x55: {  	v9 =	vadd.s32 $0xFFFFFFFF, v5  }
0x56: {  	v7 =	vld.idx.msk [tilespmem:v7+s2+$0x0], $0xffff  }
0x57: {  	v10 =	vadd.s32 $0x1, v5;
	_ =	sdelay $0x1  }
0x58: {  	vm9 =	vlt.f32 v4, v2;
	vm8 =	vlt.f32 v8, v2;
	v4 =	vld.idx.msk [tilespmem:v5+s2+$0x0], $0xffff  }
0x59: {  	v8 =	vsel vm9, $0x1, v0;
	v5 =	vsel vm8, $0x1, v0;
	v11 =	vld.idx.msk [tilespmem:v9+s2+$0x0], $0xffff  }
0x5a: {  	vm10 =	vlt.f32 v7, v2;
	v2 =	vadd.s32 v5, v8  }
0x5b: {  	v5 =	vsel vm10, $0x1, v0;
	v2 =	vadd.s32 v6, v2;
	v6 =	vld.idx.msk [tilespmem:v10+s2+$0x0], $0xffff  }
0x5c: {  	v2 =	vadd.s32 v5, v2  }
0x5d: {  	[tilespmem:s29+$0x10] =	vst v2  }
0x5e: {  	vm12 =	vlt.f32 v4, v3;
	vm11 =	vlt.f32 v11, v3;
	v2 =	vld [tilespmem:s8+$0x20]  }
0x5f: {  	v5 =	vsel vm12, $0x1, v0;
	v4 =	vsel vm11, $0x1, v0  }
0x60: {  	vm13 =	vlt.f32 v6, v3;
	v3 =	vadd.s32 v4, v5  }
0x61: {  	v4 =	vsel vm13, $0x1, v0;
	v3 =	vadd.s32 v9, v3  }
0x62: {  	v3 =	vadd.s32 v4, v3  }
0x63: {  	v4 =	vmul.f32 $2.046000000e+03, v2;
	[tilespmem:s29+$0xFFFFFF90] =	vst v3  }
0x64: {  	v3 =	vld [tilespmem:s8+$0xFFFFFFA0]  }
0x65: {  	v4 =	vtrunc.f32 v4  }
0x66: {  	v4 =	vcvt.f32.s32 v4;
	_ =	sdelay $0x1  }
0x67: {  	vm14 =	vgt.s32 v4, $0x1  }
0x68: {  	v4 =	vnsel vm14, $0x1, v4;
	v5 =	vmul.f32 $2.046000000e+03, v3  }
0x69: {  	v4 =	vmin.u32 v4, $0x7FD  }
0x6a: {  	v6 =	vadd.s32 $0xFFFFFFFF, v4;
	v5 =	vtrunc.f32 v5  }
0x6b: {  	v7 =	vadd.s32 $0x1, v4;
	v5 =	vcvt.f32.s32 v5;
	_ =	sdelay $0x1  }
0x6c: {  	vm15 =	vgt.s32 v5, $0x1  }
0x6d: {  	v4 =	vld.idx.msk [tilespmem:v4+s2+$0x0], $0xffff;
	v5 =	vnsel vm15, $0x1, v5  }
0x6e: {  	v8 =	vld.idx.msk [tilespmem:v6+s2+$0x0], $0xffff;
	v5 =	vmin.u32 v5, $0x7FD  }
0x6f: {  	v7 =	vld.idx.msk [tilespmem:v7+s2+$0x0], $0xffff  }
0x70: {  	v9 =	vadd.s32 $0xFFFFFFFF, v5  }
0x71: {  	v10 =	vadd.s32 $0x1, v5;
	_ =	sdelay $0x1  }
0x72: {  	s31 =	simm.s32 $0x980;
	vm5 =	vlt.f32 v4, v2;
	v5 =	vld.idx.msk [tilespmem:v5+s2+$0x0], $0xffff;
	vm4 =	vlt.f32 v8, v2  }
0x73: {  	v11 =	vsel vm5, $0x1, v0;
	vm6 =	vlt.f32 v7, v2;
	v7 =	vld [tilespmem:s31+$0x0];
	v8 =	vsel vm4, $0x1, v0  }
0x74: {  	v4 =	vld.idx.msk [tilespmem:v9+s2+$0x0], $0xffff;
	v2 =	vadd.s32 v8, v11  }
0x75: {  	v8 =	vld.idx.msk [tilespmem:v10+s2+$0x0], $0xffff;
	v10 =	vsel vm6, $0x1, v0;
	v2 =	vadd.s32 v6, v2  }
0x76: {  	v2 =	vadd.s32 v10, v2  }
0x77: {  	[tilespmem:s29+$0x20] =	vst v2  }
0x78: {  	vm7 =	vlt.f32 v5, v3;
	v5 =	vmul.f32 $2.046000000e+03, v7;
	v2 =	vld [tilespmem:s8+$0x30]  }
0x79: {  	vm8 =	vlt.f32 v4, v3  }
0x7a: {  	v4 =	vsel vm7, $0x1, v0;
	v6 =	vsel vm8, $0x1, v0;
	v5 =	vtrunc.f32 v5  }
0x7b: {  	vm9 =	vlt.f32 v8, v3;
	v3 =	vadd.s32 v6, v4;
	v5 =	vcvt.f32.s32 v5  }
0x7c: {  	v10 =	vld [tilespmem:s31+$0xFFFFFF80];
	v4 =	vsel vm9, $0x1, v0;
	v3 =	vadd.s32 v9, v3  }
0x7d: {  	v3 =	vadd.s32 v4, v3;
	vm10 =	vgt.s32 v5, $0x1;
	v4 =	vmul.f32 $2.046000000e+03, v2  }
0x7e: {  	v5 =	vnsel vm10, $0x1, v5  }
0x7f: {  	[tilespmem:s29+$0xFFFFFFA0] =	vst v3;
	v5 =	vmin.u32 v5, $0x7FD;
	v4 =	vtrunc.f32 v4  }
0x80: {  	v3 =	vld [tilespmem:s8+$0xFFFFFFB0];
	v8 =	vadd.s32 $0xFFFFFFFF, v5;
	v4 =	vcvt.f32.s32 v4  }
0x81: {  	v6 =	vmul.f32 $2.046000000e+03, v10  }
0x82: {  	v9 =	vadd.s32 $0x1, v5;
	vm11 =	vgt.s32 v4, $0x1  }
0x83: {  	v6 =	vtrunc.f32 v6;
	v4 =	vnsel vm11, $0x1, v4  }
0x84: {  	v6 =	vcvt.f32.s32 v6;
	v5 =	vld.idx.msk [tilespmem:v5+s2+$0x0], $0xffff;
	v4 =	vmin.u32 v4, $0x7FD  }
0x85: {  	v11 =	vmul.f32 $2.046000000e+03, v3;
	v13 =	vld.idx.msk [tilespmem:v8+s2+$0x0], $0xffff;
	v12 =	vadd.s32 $0xFFFFFFFF, v4  }
0x86: {  	vm12 =	vgt.s32 v6, $0x1;
	v14 =	vadd.s32 $0x1, v4  }
0x87: {  	v6 =	vnsel vm12, $0x1, v6;
	v9 =	vld.idx.msk [tilespmem:v9+s2+$0x0], $0xffff;
	v11 =	vtrunc.f32 v11  }
0x88: {  	v6 =	vmin.u32 v6, $0x7FD;
	v11 =	vcvt.f32.s32 v11  }
0x89: {  	v15 =	vadd.s32 $0xFFFFFFFF, v6;
	v16 =	vadd.s32 $0x1, v6;
	v4 =	vld.idx.msk [tilespmem:v4+s2+$0x0], $0xffff  }
0x8a: {  	vm13 =	vgt.s32 v11, $0x1;
	vm15 =	vlt.f32 v5, v7;
	vm14 =	vlt.f32 v13, v7;
	v17 =	vld.idx.msk [tilespmem:v12+s2+$0x0], $0xffff  }
0x8b: {  	v11 =	vnsel vm13, $0x1, v11;
	v18 =	vsel vm15, $0x1, v0;
	v13 =	vld.idx.msk [tilespmem:v14+s2+$0x0], $0xffff;
	v14 =	vsel vm14, $0x1, v0  }
0x8c: {  	vm4 =	vlt.f32 v9, v7;
	v11 =	vmin.u32 v11, $0x7FD;
	v7 =	vadd.s32 v14, v18  }
0x8d: {  	v6 =	vld.idx.msk [tilespmem:v6+s2+$0x0], $0xffff;
	v5 =	vadd.s32 $0xFFFFFFFF, v11;
	v14 =	vsel vm4, $0x1, v0;
	v7 =	vadd.s32 v8, v7  }
0x8e: {  	s30 =	simm.s32 $0x3B80;
	v19 =	vld.idx.msk [tilespmem:v15+s2+$0x0], $0xffff;
	v7 =	vadd.s32 v14, v7  }
0x8f: {  	v9 =	vadd.s32 $0x1, v11;
	v8 =	vld.idx.msk [tilespmem:v16+s2+$0x0], $0xffff;
	vm5 =	vlt.f32 v4, v2;
	[tilespmem:s30+$0x0] =	vst v7;
	vm6 =	vlt.f32 v17, v2  }
0x90: {  	v14 =	vsel vm5, $0x1, v0;
	vm7 =	vlt.f32 v13, v2;
	v2 =	vld [tilespmem:s31+$0x10];
	v7 =	vsel vm6, $0x1, v0  }
0x91: {  	v11 =	vld.idx.msk [tilespmem:v11+s2+$0x0], $0xffff;
	v7 =	vadd.s32 v7, v14  }
0x92: {  	v4 =	vld.idx.msk [tilespmem:v5+s2+$0x0], $0xffff;
	v13 =	vsel vm7, $0x1, v0;
	v7 =	vadd.s32 v12, v7  }
0x93: {  	vm9 =	vlt.f32 v6, v10;
	vm8 =	vlt.f32 v19, v10;
	v7 =	vadd.s32 v13, v7  }
0x94: {  	v6 =	vld.idx.msk [tilespmem:v9+s2+$0x0], $0xffff;
	v9 =	vsel vm9, $0x1, v0;
	[tilespmem:s29+$0x30] =	vst v7;
	v7 =	vsel vm8, $0x1, v0  }
0x95: {  	vm10 =	vlt.f32 v8, v10;
	v8 =	vld [tilespmem:s8+$0x40];
	v7 =	vadd.s32 v7, v9  }
0x96: {  	v10 =	vmul.f32 $2.046000000e+03, v2;
	v9 =	vsel vm10, $0x1, v0;
	v7 =	vadd.s32 v15, v7  }
0x97: {  	vm12 =	vlt.f32 v11, v3;
	vm11 =	vlt.f32 v4, v3;
	v4 =	vadd.s32 v9, v7  }
0x98: {  	v7 =	vtrunc.f32 v10;
	v9 =	vsel vm11, $0x1, v0;
	v10 =	vsel vm12, $0x1, v0  }
0x99: {  	vm13 =	vlt.f32 v6, v3;
	[tilespmem:s30+$0xFFFFFF80] =	vst v4;
	v4 =	vcvt.f32.s32 v7;
	v3 =	vadd.s32 v9, v10  }
0x9a: {  	v7 =	vsel vm13, $0x1, v0;
	v6 =	vld [tilespmem:s31+$0xFFFFFF90];
	v3 =	vadd.s32 v5, v3;
	v9 =	vmul.f32 $2.046000000e+03, v8  }
0x9b: {  	v3 =	vadd.s32 v7, v3  }
0x9c: {  	vm14 =	vgt.s32 v4, $0x1;
	[tilespmem:s29+$0xFFFFFFB0] =	vst v3;
	v5 =	vtrunc.f32 v9  }
0x9d: {  	v3 =	vnsel vm14, $0x1, v4;
	v4 =	vcvt.f32.s32 v5;
	v5 =	vld [tilespmem:s8+$0xFFFFFFC0]  }
0x9e: {  	v3 =	vmin.u32 v3, $0x7FD  }
0x9f: {  	v7 =	vadd.s32 $0xFFFFFFFF, v3;
	v9 =	vmul.f32 $2.046000000e+03, v6;
	vm15 =	vgt.s32 v4, $0x1  }
0xa0: {  	v10 =	vadd.s32 $0x1, v3;
	v4 =	vnsel vm15, $0x1, v4  }
0xa1: {  	v9 =	vtrunc.f32 v9;
	v4 =	vmin.u32 v4, $0x7FD  }
0xa2: {  	v9 =	vcvt.f32.s32 v9;
	v11 =	vmul.f32 $2.046000000e+03, v5;
	v12 =	vadd.s32 $0xFFFFFFFF, v4  }
0xa3: {  	v3 =	vld.idx.msk [tilespmem:v3+s2+$0x0], $0xffff  }
0xa4: {  	v13 =	vld.idx.msk [tilespmem:v7+s2+$0x0], $0xffff;
	v14 =	vadd.s32 $0x1, v4;
	vm4 =	vgt.s32 v9, $0x1;
	v11 =	vtrunc.f32 v11  }
0xa5: {  	v10 =	vld.idx.msk [tilespmem:v10+s2+$0x0], $0xffff;
	v9 =	vnsel vm4, $0x1, v9;
	v11 =	vcvt.f32.s32 v11  }
0xa6: {  	v9 =	vmin.u32 v9, $0x7FD;
	v4 =	vld.idx.msk [tilespmem:v4+s2+$0x0], $0xffff  }
0xa7: {  	v15 =	vadd.s32 $0xFFFFFFFF, v9;
	vm5 =	vgt.s32 v11, $0x1;
	v16 =	vld.idx.msk [tilespmem:v12+s2+$0x0], $0xffff  }
0xa8: {  	v17 =	vadd.s32 $0x1, v9;
	v11 =	vnsel vm5, $0x1, v11  }
0xa9: {  	vm7 =	vlt.f32 v3, v2;
	vm6 =	vlt.f32 v13, v2;
	v3 =	vmin.u32 v11, $0x7FD;
	v11 =	vld.idx.msk [tilespmem:v14+s2+$0x0], $0xffff  }
0xaa: {  	vm8 =	vlt.f32 v10, v2;
	v13 =	vsel vm6, $0x1, v0;
	v14 =	vsel vm7, $0x1, v0  }
0xab: {  	v2 =	vld.idx.msk [tilespmem:v9+s2+$0x0], $0xffff;
	v9 =	vadd.s32 v13, v14;
	v10 =	vadd.s32 $0xFFFFFFFF, v3;
	v13 =	vsel vm8, $0x1, v0  }
0xac: {  	v7 =	vadd.s32 v7, v9;
	v9 =	vld.idx.msk [tilespmem:v15+s2+$0x0], $0xffff;
	vm9 =	vlt.f32 v4, v8;
	vm10 =	vlt.f32 v16, v8  }
0xad: {  	v4 =	vadd.s32 v13, v7;
	v7 =	vld.idx.msk [tilespmem:v17+s2+$0x0], $0xffff;
	v13 =	vsel vm9, $0x1, v0;
	v14 =	vsel vm10, $0x1, v0  }
0xae: {  	v16 =	vadd.s32 $0x1, v3;
	[tilespmem:s30+$0x10] =	vst v4;
	v3 =	vld.idx.msk [tilespmem:v3+s2+$0x0], $0xffff;
	vm11 =	vlt.f32 v11, v8;
	v4 =	vadd.s32 v14, v13  }
0xaf: {  	v8 =	vld [tilespmem:s31+$0x20];
	v11 =	vsel vm11, $0x1, v0;
	v4 =	vadd.s32 v12, v4  }
0xb0: {  	v12 =	vld.idx.msk [tilespmem:v10+s2+$0x0], $0xffff;
	v4 =	vadd.s32 v11, v4  }
0xb1: {  	vm13 =	vlt.f32 v2, v6;
	vm12 =	vlt.f32 v9, v6;
	[tilespmem:s29+$0x40] =	vst v4  }
0xb2: {  	v2 =	vsel vm12, $0x1, v0;
	v4 =	vsel vm13, $0x1, v0;
	v9 =	vld [tilespmem:s8+$0x50]  }
0xb3: {  	v11 =	vld.idx.msk [tilespmem:v16+s2+$0x0], $0xffff;
	vm14 =	vlt.f32 v7, v6;
	v2 =	vadd.s32 v2, v4  }
0xb4: {  	v4 =	vsel vm14, $0x1, v0;
	v2 =	vadd.s32 v15, v2;
	v6 =	vmul.f32 $2.046000000e+03, v8  }
0xb5: {  	vm15 =	vlt.f32 v3, v5;
	vm4 =	vlt.f32 v12, v5;
	v2 =	vadd.s32 v4, v2  }
0xb6: {  	v4 =	vsel vm15, $0x1, v0;
	v3 =	vsel vm4, $0x1, v0;
	[tilespmem:s30+$0xFFFFFF90] =	vst v2;
	v2 =	vtrunc.f32 v6  }
0xb7: {  	v3 =	vadd.s32 v3, v4;
	v4 =	vld [tilespmem:s31+$0xFFFFFFA0];
	v2 =	vcvt.f32.s32 v2;
	v6 =	vmul.f32 $2.046000000e+03, v9  }
0xb8: {  	vm5 =	vlt.f32 v11, v5;
	v3 =	vadd.s32 v10, v3  }
0xb9: {  	v5 =	vsel vm5, $0x1, v0;
	vm6 =	vgt.s32 v2, $0x1;
	v6 =	vtrunc.f32 v6  }
0xba: {  	v3 =	vadd.s32 v5, v3;
	v2 =	vnsel vm6, $0x1, v2;
	v5 =	vcvt.f32.s32 v6  }
0xbb: {  	[tilespmem:s29+$0xFFFFFFC0] =	vst v3;
	v2 =	vmin.u32 v2, $0x7FD  }
0xbc: {  	v3 =	vld [tilespmem:s8+$0xFFFFFFD0];
	v6 =	vmul.f32 $2.046000000e+03, v4;
	v7 =	vadd.s32 $0xFFFFFFFF, v2;
	vm7 =	vgt.s32 v5, $0x1  }
0xbd: {  	v10 =	vadd.s32 $0x1, v2;
	v5 =	vnsel vm7, $0x1, v5  }
0xbe: {  	v6 =	vtrunc.f32 v6;
	v5 =	vmin.u32 v5, $0x7FD  }
0xbf: {  	v6 =	vcvt.f32.s32 v6;
	v11 =	vadd.s32 $0xFFFFFFFF, v5  }
0xc0: {  	v2 =	vld.idx.msk [tilespmem:v2+s2+$0x0], $0xffff  }
0xc1: {  	v12 =	vmul.f32 $2.046000000e+03, v3;
	v14 =	vadd.s32 $0x1, v5;
	vm8 =	vgt.s32 v6, $0x1;
	v13 =	vld.idx.msk [tilespmem:v7+s2+$0x0], $0xffff  }
0xc2: {  	v10 =	vld.idx.msk [tilespmem:v10+s2+$0x0], $0xffff;
	v6 =	vnsel vm8, $0x1, v6  }
0xc3: {  	v12 =	vtrunc.f32 v12;
	v6 =	vmin.u32 v6, $0x7FD;
	v5 =	vld.idx.msk [tilespmem:v5+s2+$0x0], $0xffff  }
0xc4: {  	v12 =	vcvt.f32.s32 v12;
	v15 =	vld.idx.msk [tilespmem:v11+s2+$0x0], $0xffff  }
0xc5: {  	v16 =	vadd.s32 $0xFFFFFFFF, v6  }
0xc6: {  	v17 =	vadd.s32 $0x1, v6;
	vm9 =	vgt.s32 v12, $0x1;
	v14 =	vld.idx.msk [tilespmem:v14+s2+$0x0], $0xffff  }
0xc7: {  	vm2 =	vlt.f32 v2, v8;
	vm10 =	vlt.f32 v13, v8;
	vm3 =	vlt.f32 v10, v8  }
0xc8: {  	s0 =	simm.s32 $0xA80;
	v8 =	vsel vm2, $0x1, v0;
	v2 =	vsel vm10, $0x1, v0;
	v10 =	vsel vm3, $0x1, v0;
	v6 =	vld.idx.msk [tilespmem:v6+s2+$0x0], $0xffff  }
0xc9: {  	v2 =	vadd.s32 v2, v8;
	v8 =	vld [tilespmem:s0+$0x0];
	vm12 =	vlt.f32 v5, v9;
	vm11 =	vlt.f32 v15, v9  }
0xca: {  	v5 =	vld.idx.msk [tilespmem:v16+s2+$0x0], $0xffff;
	v2 =	vadd.s32 v7, v2;
	v13 =	vsel vm12, $0x1, v0;
	v7 =	vsel vm11, $0x1, v0  }
0xcb: {  	v2 =	vadd.s32 v10, v2;
	vm13 =	vlt.f32 v14, v9;
	v7 =	vadd.s32 v7, v13  }
0xcc: {  	v9 =	vnsel vm9, $0x1, v12;
	v10 =	vld.idx.msk [tilespmem:v17+s2+$0x0], $0xffff;
	[tilespmem:s30+$0x20] =	vst v2;
	v2 =	vsel vm13, $0x1, v0;
	v7 =	vadd.s32 v11, v7  }
0xcd: {  	v9 =	vmin.u32 v9, $0x7FD;
	v11 =	vld [tilespmem:s31+$0x30];
	v7 =	vadd.s32 v2, v7  }
0xce: {  	v12 =	vmul.f32 $2.046000000e+03, v8;
	v2 =	vadd.s32 $0xFFFFFFFF, v9;
	[tilespmem:s29+$0x50] =	vst v7  }
0xcf: {  	vm14 =	vlt.f32 v6, v4;
	vm15 =	vlt.f32 v5, v4;
	v5 =	vld [tilespmem:s8+$0x60]  }
0xd0: {  	v6 =	vld [tilespmem:s0+$0xFFFFFF80];
	v7 =	vsel vm14, $0x1, v0;
	v13 =	vsel vm15, $0x1, v0;
	v12 =	vtrunc.f32 v12  }
0xd1: {  	vm4 =	vlt.f32 v10, v4;
	v4 =	vadd.s32 v13, v7;
	v7 =	vcvt.f32.s32 v12  }
0xd2: {  	v10 =	vsel vm4, $0x1, v0;
	v4 =	vadd.s32 v16, v4;
	v12 =	vmul.f32 $2.046000000e+03, v11  }
0xd3: {  	v15 =	vadd.s32 $0x1, v9;
	v4 =	vadd.s32 v10, v4;
	vm5 =	vgt.s32 v7, $0x1;
	v13 =	vld.idx.msk [tilespmem:v2+s2+$0x0], $0xffff  }
0xd4: {  	v9 =	vld.idx.msk [tilespmem:v9+s2+$0x0], $0xffff;
	[tilespmem:s30+$0xFFFFFFA0] =	vst v4;
	v7 =	vnsel vm5, $0x1, v7;
	v4 =	vtrunc.f32 v12;
	v10 =	vmul.f32 $2.046000000e+03, v5  }
0xd5: {  	v12 =	vmul.f32 $2.046000000e+03, v6;
	v14 =	vld [tilespmem:s31+$0xFFFFFFB0];
	v7 =	vmin.u32 v7, $0x7FD;
	v4 =	vcvt.f32.s32 v4  }
0xd6: {  	v16 =	vadd.s32 $0xFFFFFFFF, v7;
	v10 =	vtrunc.f32 v10  }
0xd7: {  	v12 =	vtrunc.f32 v12;
	vm6 =	vgt.s32 v4, $0x1;
	v10 =	vcvt.f32.s32 v10  }
0xd8: {  	vm7 =	vlt.f32 v13, v3;
	v13 =	vadd.s32 $0x1, v7;
	v4 =	vnsel vm6, $0x1, v4  }
0xd9: {  	v15 =	vld.idx.msk [tilespmem:v15+s2+$0x0], $0xffff;
	vm10 =	vlt.f32 v9, v3;
	v12 =	vcvt.f32.s32 v12;
	v4 =	vmin.u32 v4, $0x7FD  }
0xda: {  	v17 =	vmul.f32 $2.046000000e+03, v14;
	v7 =	vld.idx.msk [tilespmem:v7+s2+$0x0], $0xffff;
	vm8 =	vgt.s32 v10, $0x1;
	v18 =	vadd.s32 $0x1, v4  }
0xdb: {  	vm9 =	vgt.s32 v12, $0x1;
	v19 =	vadd.s32 $0xFFFFFFFF, v4;
	v20 =	vld.idx.msk [tilespmem:v16+s2+$0x0], $0xffff;
	v10 =	vnsel vm8, $0x1, v10  }
0xdc: {  	v25 =	vsel vm10, $0x1, v0;
	v12 =	vnsel vm9, $0x1, v12;
	v10 =	vmin.u32 v10, $0x7FD  }
0xdd: {  	v17 =	vtrunc.f32 v17;
	v9 =	vmin.u32 v12, $0x7FD;
	v21 =	vadd.s32 $0xFFFFFFFF, v10;
	v12 =	vld.idx.msk [tilespmem:v13+s2+$0x0], $0xffff  }
0xde: {  	vm0 =	vlt.f32 v15, v3;
	v13 =	vcvt.f32.s32 v17;
	v23 =	vadd.s32 $0x1, v10;
	v4 =	vld.idx.msk [tilespmem:v4+s2+$0x0], $0xffff  }
0xdf: {  	v24 =	vsel vm7, $0x1, v0;
	v22 =	vadd.s32 $0x1, v9;
	v17 =	vadd.s32 $0xFFFFFFFF, v9;
	v18 =	vld.idx.msk [tilespmem:v18+s2+$0x0], $0xffff  }
0xe0: {  	vm13 =	vlt.f32 v7, v8;
	vm11 =	vgt.s32 v13, $0x1;
	v26 =	vld.idx.msk [tilespmem:v19+s2+$0x0], $0xffff;
	vm12 =	vlt.f32 v20, v8  }
0xe1: {  	v27 =	vsel vm13, $0x1, v0;
	v13 =	vnsel vm11, $0x1, v13;
	v20 =	vsel vm12, $0x1, v0;
	v10 =	vld.idx.msk [tilespmem:v10+s2+$0x0], $0xffff  }
0xe2: {  	v7 =	vmin.u32 v13, $0x7FD;
	v13 =	vld.idx.msk [tilespmem:v21+s2+$0x0], $0xffff;
	vm14 =	vlt.f32 v12, v8;
	v12 =	vadd.s32 v20, v27  }
0xe3: {  	v8 =	vadd.s32 $0xFFFFFFFF, v7;
	v3 =	vld.idx.msk [tilespmem:v23+s2+$0x0], $0xffff;
	v15 =	vsel vm14, $0x1, v0;
	v12 =	vadd.s32 v16, v12  }
0xe4: {  	v20 =	vadd.s32 $0x1, v7;
	v16 =	vld.idx.msk [tilespmem:v17+s2+$0x0], $0xffff;
	vm15 =	vlt.f32 v4, v11;
	v12 =	vadd.s32 v15, v12  }
0xe5: {  	s3 =	simm.s32 $0x3C80;
	v4 =	vld.idx.msk [tilespmem:v9+s2+$0x0], $0xffff;
	vm6 =	vlt.f32 v18, v11;
	vm7 =	vlt.f32 v26, v11;
	v9 =	vsel vm15, $0x1, v0  }
0xe6: {  	v11 =	vld.idx.msk [tilespmem:v22+s2+$0x0], $0xffff;
	v15 =	vsel vm6, $0x1, v0;
	v18 =	vsel vm7, $0x1, v0;
	[tilespmem:s3+$0x0] =	vst v12;
	vm9 =	vlt.f32 v10, v5  }
0xe7: {  	v9 =	vadd.s32 v18, v9;
	v12 =	vld [tilespmem:s0+$0x10];
	vm8 =	vlt.f32 v13, v5;
	v18 =	vsel vm9, $0x1, v0  }
0xe8: {  	v13 =	vld.idx.msk [tilespmem:v8+s2+$0x0], $0xffff;
	v9 =	vadd.s32 v19, v9;
	vm10 =	vlt.f32 v3, v5;
	v10 =	vsel vm8, $0x1, v0  }
0xe9: {  	v5 =	vld.idx.msk [tilespmem:v7+s2+$0x0], $0xffff;
	v7 =	vadd.s32 v15, v9;
	v9 =	vsel vm10, $0x1, v0;
	v3 =	vadd.s32 v10, v18  }
0xea: {  	vm11 =	vlt.f32 v16, v6;
	vm12 =	vlt.f32 v4, v6;
	v3 =	vadd.s32 v21, v3  }
0xeb: {  	v4 =	vld.idx.msk [tilespmem:v20+s2+$0x0], $0xffff;
	[tilespmem:s30+$0x30] =	vst v7;
	v7 =	vsel vm11, $0x1, v0;
	v3 =	vadd.s32 v9, v3;
	v9 =	vsel vm12, $0x1, v0  }
0xec: {  	v10 =	vadd.s32 v24, v25;
	vm13 =	vlt.f32 v11, v6;
	v6 =	vld [tilespmem:s31+$0x40];
	v7 =	vadd.s32 v7, v9  }
0xed: {  	v11 =	vmul.f32 $2.046000000e+03, v12;
	[tilespmem:s29+$0x60] =	vst v3;
	v9 =	vsel vm13, $0x1, v0;
	v7 =	vadd.s32 v17, v7  }
0xee: {  	vm14 =	vlt.f32 v13, v14;
	vm15 =	vlt.f32 v5, v14;
	v3 =	vld [tilespmem:s8+$0x70];
	v5 =	vadd.s32 v9, v7  }
0xef: {  	v7 =	vtrunc.f32 v11;
	v9 =	vsel vm14, $0x1, v0;
	[tilespmem:s3+$0xFFFFFF80] =	vst v5;
	v5 =	vsel vm15, $0x1, v0  }
0xf0: {  	vm4 =	vlt.f32 v4, v14;
	v7 =	vcvt.f32.s32 v7;
	v4 =	vld [tilespmem:s0+$0xFFFFFF90];
	v5 =	vadd.s32 v9, v5  }
0xf1: {  	v11 =	vmul.f32 $2.046000000e+03, v6;
	v9 =	vsel vm4, $0x1, v0;
	v5 =	vadd.s32 v8, v5  }
0xf2: {  	v2 =	vadd.s32 v2, v10;
	v8 =	vsel vm0, $0x1, v0;
	v5 =	vadd.s32 v9, v5  }
0xf3: {  	vm5 =	vgt.s32 v7, $0x1;
	v13 =	vmul.f32 $2.046000000e+03, v3;
	v9 =	vtrunc.f32 v11;
	[tilespmem:s30+$0xFFFFFFB0] =	vst v5  }
0xf4: {  	v2 =	vadd.s32 v8, v2;
	v5 =	vnsel vm5, $0x1, v7;
	v7 =	vcvt.f32.s32 v9;
	v10 =	vld [tilespmem:s31+$0xFFFFFFC0]  }
0xf5: {  	v9 =	vtrunc.f32 v13;
	v5 =	vmin.u32 v5, $0x7FD;
	v11 =	vmul.f32 $2.046000000e+03, v4  }
0xf6: {  	[tilespmem:s29+$0xFFFFFFD0] =	vst v2;
	v9 =	vcvt.f32.s32 v9;
	v8 =	vadd.s32 $0xFFFFFFFF, v5;
	vm6 =	vgt.s32 v7, $0x1  }
0xf7: {  	v2 =	vld [tilespmem:s8+$0xFFFFFFE0];
	v13 =	vadd.s32 $0x1, v5;
	v7 =	vnsel vm6, $0x1, v7;
	v11 =	vtrunc.f32 v11  }
0xf8: {  	v7 =	vmin.u32 v7, $0x7FD;
	v11 =	vcvt.f32.s32 v11  }
0xf9: {  	vm7 =	vgt.s32 v9, $0x1;
	v16 =	vadd.s32 $0xFFFFFFFF, v7;
	v14 =	vmul.f32 $2.046000000e+03, v10  }
0xfa: {  	v9 =	vnsel vm7, $0x1, v9;
	v18 =	vadd.s32 $0x1, v7;
	v5 =	vld.idx.msk [tilespmem:v5+s2+$0x0], $0xffff;
	vm8 =	vgt.s32 v11, $0x1  }
0xfb: {  	v9 =	vmin.u32 v9, $0x7FD;
	v17 =	vld.idx.msk [tilespmem:v8+s2+$0x0], $0xffff;
	v11 =	vnsel vm8, $0x1, v11;
	v14 =	vtrunc.f32 v14  }
0xfc: {  	v19 =	vmul.f32 $2.046000000e+03, v2;
	v13 =	vld.idx.msk [tilespmem:v13+s2+$0x0], $0xffff;
	v11 =	vmin.u32 v11, $0x7FD;
	v14 =	vcvt.f32.s32 v14  }
0xfd: {  	v15 =	vadd.s32 $0xFFFFFFFF, v9;
	v7 =	vld.idx.msk [tilespmem:v7+s2+$0x0], $0xffff;
	v20 =	vadd.s32 $0xFFFFFFFF, v11  }
0xfe: {  	v41 =	vadd.s32 $0x1, v9;
	v19 =	vtrunc.f32 v19;
	v23 =	vld.idx.msk [tilespmem:v16+s2+$0x0], $0xffff;
	vm9 =	vgt.s32 v14, $0x1  }
0xff: {  	v21 =	vadd.s32 $0x1, v11;
	v18 =	vld.idx.msk [tilespmem:v18+s2+$0x0], $0xffff;
	vm12 =	vlt.f32 v5, v12;
	v14 =	vnsel vm9, $0x1, v14  }
0x100: {  	v9 =	vld.idx.msk [tilespmem:v9+s2+$0x0], $0xffff;
	vm11 =	vlt.f32 v17, v12;
	v43 =	vsel vm12, $0x1, v0;
	v14 =	vmin.u32 v14, $0x7FD  }
0x101: {  	vm13 =	vlt.f32 v13, v12;
	v17 =	vsel vm11, $0x1, v0;
	v42 =	vadd.s32 $0xFFFFFFFF, v14;
	v11 =	vld.idx.msk [tilespmem:v11+s2+$0x0], $0xffff  }
0x102: {  	v19 =	vcvt.f32.s32 v19;
	v13 =	vsel vm13, $0x1, v0;
	v12 =	vadd.s32 v17, v43;
	v5 =	vld.idx.msk [tilespmem:v20+s2+$0x0], $0xffff  }
0x103: {  	v22 =	vld.idx.msk [tilespmem:v15+s2+$0x0], $0xffff;
	v17 =	vadd.s32 $0x1, v14;
	vm14 =	vlt.f32 v7, v6;
	v8 =	vadd.s32 v8, v12  }
0x104: {  	v21 =	vld.idx.msk [tilespmem:v21+s2+$0x0], $0xffff;
	vm15 =	vlt.f32 v23, v6;
	v12 =	vsel vm14, $0x1, v0;
	vm4 =	vlt.f32 v18, v6  }
0x105: {  	v8 =	vadd.s32 v13, v8;
	vm12 =	vlt.f32 v9, v3;
	v7 =	vld.idx.msk [tilespmem:v14+s2+$0x0], $0xffff;
	v14 =	vsel vm15, $0x1, v0  }
0x106: {  	vm10 =	vgt.s32 v19, $0x1;
	[tilespmem:s3+$0x10] =	vst v8;
	v13 =	vld.idx.msk [tilespmem:v42+s2+$0x0], $0xffff;
	v6 =	vadd.s32 v14, v12;
	vm6 =	vlt.f32 v11, v4  }
0x107: {  	v8 =	vld [tilespmem:s0+$0x20];
	vm5 =	vlt.f32 v5, v4;
	v5 =	vsel vm4, $0x1, v0;
	v6 =	vadd.s32 v16, v6  }
0x108: {  	v11 =	vld.idx.msk [tilespmem:v17+s2+$0x0], $0xffff;
	v12 =	vsel vm5, $0x1, v0;
	v5 =	vadd.s32 v5, v6;
	v6 =	vsel vm6, $0x1, v0  }
0x109: {  	v14 =	vnsel vm10, $0x1, v19;
	vm7 =	vlt.f32 v21, v4;
	[tilespmem:s30+$0x40] =	vst v5;
	v4 =	vadd.s32 v12, v6  }
0x10a: {  	vm10 =	vlt.f32 v22, v3;
	v5 =	vsel vm7, $0x1, v0;
	v12 =	vld [tilespmem:s31+$0x50];
	v4 =	vadd.s32 v20, v4  }
0x10b: {  	vm8 =	vlt.f32 v7, v10;
	vm9 =	vlt.f32 v13, v10;
	v4 =	vadd.s32 v5, v4  }
0x10c: {  	v7 =	vsel vm8, $0x1, v0;
	v13 =	vmul.f32 $2.046000000e+03, v8;
	v5 =	vsel vm9, $0x1, v0;
	[tilespmem:s3+$0xFFFFFF90] =	vst v4  }
0x10d: {  	v6 =	vmin.u32 v14, $0x7FD;
	vm11 =	vlt.f32 v11, v10;
	v4 =	vadd.s32 v5, v7;
	v7 =	vld [tilespmem:s0+$0xFFFFFFA0]  }
0x10e: {  	v10 =	vld.idx.msk [tilespmem:v41+s2+$0x0], $0xffff;
	v11 =	vsel vm11, $0x1, v0;
	v5 =	vtrunc.f32 v13;
	v4 =	vadd.s32 v42, v4  }
0x10f: {  	v13 =	vcvt.f32.s32 v5;
	v4 =	vadd.s32 v11, v4;
	v11 =	vmul.f32 $2.046000000e+03, v12  }
0x110: {  	v17 =	vsel vm12, $0x1, v0;
	v9 =	vsel vm10, $0x1, v0;
	v14 =	vadd.s32 $0xFFFFFFFF, v6;
	[tilespmem:s30+$0xFFFFFFC0] =	vst v4  }
0x111: {  	v4 =	vadd.s32 $0x1, v6;
	vm13 =	vgt.s32 v13, $0x1;
	v5 =	vld [tilespmem:s31+$0xFFFFFFD0];
	v11 =	vtrunc.f32 v11  }
0x112: {  	v13 =	vnsel vm13, $0x1, v13;
	v11 =	vcvt.f32.s32 v11;
	v16 =	vmul.f32 $2.046000000e+03, v7  }
0x113: {  	v9 =	vadd.s32 v9, v17;
	vm14 =	vlt.f32 v10, v3;
	v3 =	vmin.u32 v13, $0x7FD  }
0x114: {  	v10 =	vadd.s32 $0xFFFFFFFF, v3;
	vm15 =	vgt.s32 v11, $0x1;
	v13 =	vtrunc.f32 v16  }
0x115: {  	v17 =	vld.idx.msk [tilespmem:v14+s2+$0x0], $0xffff;
	v16 =	vadd.s32 $0x1, v3;
	v11 =	vnsel vm15, $0x1, v11;
	v13 =	vcvt.f32.s32 v13  }
0x116: {  	v6 =	vld.idx.msk [tilespmem:v6+s2+$0x0], $0xffff;
	v18 =	vmul.f32 $2.046000000e+03, v5;
	v11 =	vmin.u32 v11, $0x7FD  }
0x117: {  	v9 =	vadd.s32 v15, v9;
	v4 =	vld.idx.msk [tilespmem:v4+s2+$0x0], $0xffff;
	v20 =	vadd.s32 $0xFFFFFFFF, v11;
	vm4 =	vgt.s32 v13, $0x1  }
0x118: {  	v21 =	vld.idx.msk [tilespmem:v3+s2+$0x0], $0xffff;
	v3 =	vtrunc.f32 v18;
	v13 =	vnsel vm4, $0x1, v13;
	v18 =	vadd.s32 $0x1, v11  }
0x119: {  	v19 =	vsel vm14, $0x1, v0;
	v15 =	vld.idx.msk [tilespmem:v10+s2+$0x0], $0xffff;
	v22 =	vcvt.f32.s32 v3;
	v13 =	vmin.u32 v13, $0x7FD  }
0x11a: {  	vm7 =	vlt.f32 v17, v2;
	v3 =	vadd.s32 v19, v9;
	v9 =	vld.idx.msk [tilespmem:v16+s2+$0x0], $0xffff;
	v16 =	vadd.s32 $0xFFFFFFFF, v13  }
0x11b: {  	vm5 =	vlt.f32 v6, v2;
	v6 =	vadd.s32 $0x1, v13;
	vm6 =	vgt.s32 v22, $0x1;
	v11 =	vld.idx.msk [tilespmem:v11+s2+$0x0], $0xffff  }
0x11c: {  	v23 =	vsel vm7, $0x1, v0;
	v17 =	vnsel vm6, $0x1, v22;
	v22 =	vld.idx.msk [tilespmem:v20+s2+$0x0], $0xffff  }
0x11d: {  	v19 =	vsel vm5, $0x1, v0;
	vm8 =	vlt.f32 v4, v2;
	v4 =	vmin.u32 v17, $0x7FD;
	v17 =	vld.idx.msk [tilespmem:v18+s2+$0x0], $0xffff  }
0x11e: {  	v19 =	vadd.s32 v23, v19;
	vm10 =	vlt.f32 v21, v8;
	v13 =	vld.idx.msk [tilespmem:v13+s2+$0x0], $0xffff  }
0x11f: {  	v18 =	vsel vm8, $0x1, v0;
	vm9 =	vlt.f32 v15, v8;
	v23 =	vadd.s32 $0xFFFFFFFF, v4;
	v15 =	vld.idx.msk [tilespmem:v16+s2+$0x0], $0xffff  }
0x120: {  	s5 =	simm.s32 $0xB80;
	vm11 =	vlt.f32 v9, v8;
	v2 =	vsel vm9, $0x1, v0;
	v8 =	vsel vm10, $0x1, v0;
	v6 =	vld.idx.msk [tilespmem:v6+s2+$0x0], $0xffff  }
0x121: {  	v9 =	vsel vm11, $0x1, v0;
	v2 =	vadd.s32 v2, v8;
	v8 =	vld [tilespmem:s5+$0x0];
	vm13 =	vlt.f32 v11, v12  }
0x122: {  	v10 =	vadd.s32 v10, v2;
	v2 =	vld [tilespmem:s5+$0xFFFFFF80];
	vm12 =	vlt.f32 v22, v12;
	v21 =	vsel vm13, $0x1, v0  }
0x123: {  	v9 =	vadd.s32 v9, v10;
	v11 =	vsel vm12, $0x1, v0;
	vm14 =	vlt.f32 v17, v12  }
0x124: {  	[tilespmem:s3+$0x20] =	vst v9;
	v10 =	vadd.s32 v11, v21;
	v11 =	vadd.s32 v14, v19;
	v9 =	vsel vm14, $0x1, v0  }
0x125: {  	vm15 =	vlt.f32 v13, v7;
	v12 =	vld [tilespmem:s0+$0x30];
	v10 =	vadd.s32 v20, v10;
	vm4 =	vlt.f32 v15, v7  }
0x126: {  	v13 =	vsel vm15, $0x1, v0;
	v14 =	vmul.f32 $2.046000000e+03, v8;
	vm5 =	vlt.f32 v6, v7  }
0x127: {  	v9 =	vadd.s32 v9, v10;
	v10 =	vld.idx.msk [tilespmem:v23+s2+$0x0], $0xffff;
	v15 =	vsel vm4, $0x1, v0;
	v6 =	vmul.f32 $2.046000000e+03, v2  }
0x128: {  	v7 =	vadd.s32 v15, v13;
	v13 =	vsel vm5, $0x1, v0;
	v14 =	vtrunc.f32 v14  }
0x129: {  	[tilespmem:s30+$0x50] =	vst v9;
	v15 =	vadd.s32 $0x1, v4;
	v4 =	vld.idx.msk [tilespmem:v4+s2+$0x0], $0xffff;
	v7 =	vadd.s32 v16, v7;
	v14 =	vcvt.f32.s32 v14  }
0x12a: {  	v9 =	vld [tilespmem:s31+$0x60];
	v6 =	vtrunc.f32 v6;
	v7 =	vadd.s32 v13, v7;
	v13 =	vmul.f32 $2.046000000e+03, v12  }
0x12b: {  	v11 =	vadd.s32 v18, v11;
	v6 =	vcvt.f32.s32 v6  }
0x12c: {  	vm7 =	vgt.s32 v14, $0x1;
	vm6 =	vlt.f32 v10, v5;
	v10 =	vtrunc.f32 v13  }
0x12d: {  	[tilespmem:s3+$0xFFFFFFA0] =	vst v7;
	v13 =	vnsel vm7, $0x1, v14;
	vm8 =	vgt.s32 v6, $0x1;
	v10 =	vcvt.f32.s32 v10  }
0x12e: {  	v7 =	vld [tilespmem:s0+$0xFFFFFFB0];
	v13 =	vmin.u32 v13, $0x7FD;
	vm9 =	vlt.f32 v4, v5;
	v6 =	vnsel vm8, $0x1, v6  }
0x12f: {  	[tilespmem:s29+$0xFFFFFFE0] =	vst v11;
	v11 =	vld.idx.msk [tilespmem:v15+s2+$0x0], $0xffff;
	v22 =	vsel vm6, $0x1, v0;
	v14 =	vmul.f32 $2.046000000e+03, v9;
	v16 =	vadd.s32 $0xFFFFFFFF, v13  }
0x130: {  	v6 =	vmin.u32 v6, $0x7FD;
	v45 =	vsel vm9, $0x1, v0;
	vm10 =	vgt.s32 v10, $0x1  }
0x131: {  	v19 =	vadd.s32 $0xFFFFFFFF, v6;
	v4 =	vtrunc.f32 v14;
	v10 =	vnsel vm10, $0x1, v10  }
0x132: {  	v14 =	vadd.s32 $0x1, v13;
	v15 =	vcvt.f32.s32 v4;
	v10 =	vmin.u32 v10, $0x7FD  }
0x133: {  	v4 =	vld [tilespmem:s8+$0xFFFFFFF0];
	v17 =	vmul.f32 $2.046000000e+03, v7;
	v18 =	vadd.s32 $0x1, v10;
	v20 =	vadd.s32 $0xFFFFFFFF, v10  }
0x134: {  	v13 =	vld.idx.msk [tilespmem:v13+s2+$0x0], $0xffff;
	vm12 =	vlt.f32 v11, v5;
	v11 =	vadd.s32 v22, v45;
	vm11 =	vgt.s32 v15, $0x1  }
0x135: {  	v17 =	vtrunc.f32 v17;
	v21 =	vld.idx.msk [tilespmem:v16+s2+$0x0], $0xffff;
	v11 =	vadd.s32 v23, v11;
	v15 =	vnsel vm11, $0x1, v15  }
0x136: {  	v23 =	vadd.s32 $0x1, v6;
	v6 =	vld.idx.msk [tilespmem:v6+s2+$0x0], $0xffff;
	v17 =	vcvt.f32.s32 v17;
	v15 =	vmin.u32 v15, $0x7FD  }
0x137: {  	v14 =	vld.idx.msk [tilespmem:v14+s2+$0x0], $0xffff;
	v44 =	vadd.s32 $0xFFFFFFFF, v15  }
0x138: {  	v46 =	vsel vm12, $0x1, v0;
	v10 =	vld.idx.msk [tilespmem:v10+s2+$0x0], $0xffff;
	vm13 =	vgt.s32 v17, $0x1  }
0x139: {  	v5 =	vmul.f32 $2.046000000e+03, v4;
	v22 =	vadd.s32 $0x1, v15;
	v18 =	vld.idx.msk [tilespmem:v18+s2+$0x0], $0xffff;
	v17 =	vnsel vm13, $0x1, v17  }
0x13a: {  	v11 =	vadd.s32 v46, v11;
	v47 =	vld.idx.msk [tilespmem:v20+s2+$0x0], $0xffff;
	vm15 =	vlt.f32 v13, v8;
	v17 =	vmin.u32 v17, $0x7FD  }
0x13b: {  	v5 =	vtrunc.f32 v5;
	vm14 =	vlt.f32 v21, v8;
	v49 =	vsel vm15, $0x1, v0;
	v15 =	vld.idx.msk [tilespmem:v15+s2+$0x0], $0xffff  }
0x13c: {  	vm12 =	vlt.f32 v6, v2;
	v13 =	vadd.s32 $0xFFFFFFFF, v17;
	v48 =	vsel vm14, $0x1, v0;
	v21 =	vld.idx.msk [tilespmem:v44+s2+$0x0], $0xffff  }
0x13d: {  	v50 =	vadd.s32 $0x1, v17;
	vm4 =	vlt.f32 v14, v8;
	v14 =	vadd.s32 v48, v49  }
0x13e: {  	v51 =	vcvt.f32.s32 v5;
	v22 =	vld.idx.msk [tilespmem:v22+s2+$0x0], $0xffff;
	v5 =	vsel vm4, $0x1, v0;
	v14 =	vadd.s32 v16, v14  }
0x13f: {  	vm5 =	vlt.f32 v10, v12;
	v5 =	vadd.s32 v5, v14;
	vm6 =	vlt.f32 v18, v12  }
0x140: {  	s8 =	simm.s32 $0x3D80;
	v8 =	vld.idx.msk [tilespmem:v19+s2+$0x0], $0xffff;
	vm7 =	vlt.f32 v47, v12;
	v12 =	vsel vm5, $0x1, v0;
	v14 =	vsel vm6, $0x1, v0  }
0x141: {  	v10 =	vld.idx.msk [tilespmem:v23+s2+$0x0], $0xffff;
	[tilespmem:s8+$0x0] =	vst v5;
	v5 =	vsel vm7, $0x1, v0;
	vm9 =	vlt.f32 v15, v9;
	vm8 =	vlt.f32 v21, v9  }
0x142: {  	v5 =	vadd.s32 v5, v12;
	v15 =	vld [tilespmem:s5+$0x10];
	v18 =	vsel vm9, $0x1, v0;
	v12 =	vsel vm8, $0x1, v0  }
0x143: {  	v17 =	vld.idx.msk [tilespmem:v17+s2+$0x0], $0xffff;
	v5 =	vadd.s32 v20, v5;
	vm10 =	vlt.f32 v22, v9;
	v9 =	vadd.s32 v12, v18  }
0x144: {  	v16 =	vld.idx.msk [tilespmem:v13+s2+$0x0], $0xffff;
	v5 =	vadd.s32 v14, v5;
	v14 =	vsel vm10, $0x1, v0;
	v9 =	vadd.s32 v44, v9  }
0x145: {  	vm7 =	vgt.s32 v51, $0x1;
	vm11 =	vlt.f32 v8, v2;
	[tilespmem:s3+$0x30] =	vst v5;
	v12 =	vld.idx.msk [tilespmem:v50+s2+$0x0], $0xffff;
	v5 =	vadd.s32 v14, v9  }
0x146: {  	v8 =	vsel vm12, $0x1, v0;
	v6 =	vsel vm11, $0x1, v0;
	vm13 =	vlt.f32 v10, v2;
	v2 =	vld [tilespmem:s0+$0x40];
	[tilespmem:s30+$0x60] =	vst v5  }
0x147: {  	v21 =	vnsel vm7, $0x1, v51;
	v6 =	vadd.s32 v6, v8;
	v8 =	vmul.f32 $2.046000000e+03, v15;
	v9 =	vld [tilespmem:s31+$0x70]  }
0x148: {  	v6 =	vadd.s32 v19, v6;
	vm15 =	vlt.f32 v17, v7;
	v5 =	vsel vm13, $0x1, v0  }
0x149: {  	[tilespmem:s30+$0xFFFFFFD0] =	vst v11;
	vm14 =	vlt.f32 v16, v7;
	v6 =	vadd.s32 v5, v6;
	v8 =	vtrunc.f32 v8  }
0x14a: {  	v10 =	vsel vm14, $0x1, v0;
	v5 =	vld [tilespmem:s31+$0xFFFFFFE0];
	[tilespmem:s8+$0xFFFFFF80] =	vst v6;
	v6 =	vcvt.f32.s32 v8;
	v8 =	vsel vm15, $0x1, v0  }
0x14b: {  	vm4 =	vlt.f32 v12, v7;
	v7 =	vld [tilespmem:s5+$0xFFFFFF90];
	v8 =	vadd.s32 v10, v8;
	v10 =	vmul.f32 $2.046000000e+03, v2  }
0x14c: {  	v11 =	vsel vm4, $0x1, v0;
	v8 =	vadd.s32 v13, v8;
	v12 =	vmul.f32 $2.046000000e+03, v9  }
0x14d: {  	vm5 =	vgt.s32 v6, $0x1;
	v8 =	vadd.s32 v11, v8;
	v10 =	vtrunc.f32 v10  }
0x14e: {  	v6 =	vnsel vm5, $0x1, v6;
	[tilespmem:s3+$0xFFFFFFB0] =	vst v8;
	v8 =	vcvt.f32.s32 v10;
	v10 =	vtrunc.f32 v12  }
0x14f: {  	v6 =	vmin.u32 v6, $0x7FD;
	v13 =	vmul.f32 $2.046000000e+03, v5;
	v12 =	vld [tilespmem:s0+$0xFFFFFFC0];
	v10 =	vcvt.f32.s32 v10  }
0x150: {  	v11 =	vadd.s32 $0xFFFFFFFF, v6;
	v14 =	vmul.f32 $2.046000000e+03, v7;
	vm6 =	vgt.s32 v8, $0x1  }
0x151: {  	v16 =	vadd.s32 $0x1, v6;
	v8 =	vnsel vm6, $0x1, v8;
	vm8 =	vgt.s32 v10, $0x1  }
0x152: {  	v14 =	vtrunc.f32 v14;
	v8 =	vmin.u32 v8, $0x7FD;
	v10 =	vnsel vm8, $0x1, v10  }
0x153: {  	v21 =	vmin.u32 v21, $0x7FD;
	v14 =	vcvt.f32.s32 v14;
	v10 =	vmin.u32 v10, $0x7FD  }
0x154: {  	v13 =	vtrunc.f32 v13;
	v6 =	vld.idx.msk [tilespmem:v6+s2+$0x0], $0xffff;
	v17 =	vmul.f32 $2.046000000e+03, v12;
	v18 =	vadd.s32 $0xFFFFFFFF, v10  }
0x155: {  	v13 =	vcvt.f32.s32 v13;
	v20 =	vadd.s32 $0xFFFFFFFF, v8;
	v19 =	vld.idx.msk [tilespmem:v11+s2+$0x0], $0xffff;
	vm9 =	vgt.s32 v14, $0x1  }
0x156: {  	v16 =	vld.idx.msk [tilespmem:v16+s2+$0x0], $0xffff;
	v14 =	vnsel vm9, $0x1, v14;
	v22 =	vadd.s32 $0x1, v10;
	v17 =	vtrunc.f32 v17  }
0x157: {  	vm10 =	vgt.s32 v13, $0x1;
	v14 =	vmin.u32 v14, $0x7FD;
	v23 =	vld.idx.msk [tilespmem:v8+s2+$0x0], $0xffff;
	v17 =	vcvt.f32.s32 v17  }
0x158: {  	v56 =	vadd.s32 $0xFFFFFFFF, v21;
	v13 =	vnsel vm10, $0x1, v13;
	v8 =	vadd.s32 $0x1, v8;
	v10 =	vld.idx.msk [tilespmem:v10+s2+$0x0], $0xffff  }
0x159: {  	v13 =	vmin.u32 v13, $0x7FD;
	v52 =	vadd.s32 $0xFFFFFFFF, v14;
	vm11 =	vgt.s32 v17, $0x1;
	v54 =	vld.idx.msk [tilespmem:v18+s2+$0x0], $0xffff  }
0x15a: {  	vm13 =	vlt.f32 v6, v15;
	vm12 =	vlt.f32 v19, v15;
	v6 =	vnsel vm11, $0x1, v17;
	v17 =	vld.idx.msk [tilespmem:v20+s2+$0x0], $0xffff  }
0x15b: {  	v53 =	vadd.s32 $0x1, v14;
	v55 =	vsel vm13, $0x1, v0;
	v19 =	vsel vm12, $0x1, v0;
	v22 =	vld.idx.msk [tilespmem:v22+s2+$0x0], $0xffff  }
0x15c: {  	vm14 =	vlt.f32 v16, v15;
	v15 =	vadd.s32 v19, v55;
	v6 =	vmin.u32 v6, $0x7FD;
	v14 =	vld.idx.msk [tilespmem:v14+s2+$0x0], $0xffff  }
0x15d: {  	v19 =	vsel vm14, $0x1, v0;
	v11 =	vadd.s32 v11, v15;
	v8 =	vld.idx.msk [tilespmem:v8+s2+$0x0], $0xffff;
	v16 =	vadd.s32 $0xFFFFFFFF, v6  }
0x15e: {  	vm15 =	vlt.f32 v23, v2;
	v15 =	vadd.s32 $0x1, v6;
	v11 =	vadd.s32 v19, v11;
	v19 =	vld.idx.msk [tilespmem:v52+s2+$0x0], $0xffff  }
0x15f: {  	v23 =	vsel vm15, $0x1, v0;
	vm5 =	vlt.f32 v10, v9;
	vm4 =	vlt.f32 v54, v9  }
0x160: {  	v10 =	vld.idx.msk [tilespmem:v53+s2+$0x0], $0xffff;
	v58 =	vsel vm5, $0x1, v0;
	vm6 =	vlt.f32 v17, v2;
	vm7 =	vlt.f32 v22, v9  }
0x161: {  	[tilespmem:s8+$0x10] =	vst v11;
	v57 =	vsel vm4, $0x1, v0;
	v6 =	vld.idx.msk [tilespmem:v6+s2+$0x0], $0xffff;
	v22 =	vsel vm6, $0x1, v0;
	v59 =	vsel vm7, $0x1, v0  }
0x162: {  	vm8 =	vlt.f32 v8, v2;
	vm10 =	vlt.f32 v14, v7;
	v9 =	vadd.s32 v57, v58;
	v17 =	vld.idx.msk [tilespmem:v16+s2+$0x0], $0xffff  }
0x163: {  	v2 =	vadd.s32 v22, v23;
	vm9 =	vlt.f32 v19, v7;
	v22 =	vld [tilespmem:s5+$0x20];
	v8 =	vsel vm8, $0x1, v0  }
0x164: {  	v9 =	vadd.s32 v18, v9;
	v2 =	vadd.s32 v20, v2;
	v11 =	vsel vm9, $0x1, v0  }
0x165: {  	v18 =	vadd.s32 v59, v9;
	v9 =	vld.idx.msk [tilespmem:v15+s2+$0x0], $0xffff;
	v2 =	vadd.s32 v8, v2;
	v8 =	vsel vm10, $0x1, v0  }
0x166: {  	vm11 =	vlt.f32 v10, v7;
	[tilespmem:s3+$0x40] =	vst v2;
	v7 =	vadd.s32 v11, v8  }
0x167: {  	v2 =	vsel vm11, $0x1, v0;
	vm12 =	vlt.f32 v6, v12;
	v6 =	vld [tilespmem:s0+$0x50];
	v7 =	vadd.s32 v52, v7  }
0x168: {  	v14 =	vld.idx.msk [tilespmem:v56+s2+$0x0], $0xffff;
	vm13 =	vlt.f32 v17, v12;
	v2 =	vadd.s32 v2, v7;
	v7 =	vmul.f32 $2.046000000e+03, v22  }
0x169: {  	v8 =	vld.idx.msk [tilespmem:v13+s2+$0x0], $0xffff;
	v11 =	vsel vm12, $0x1, v0;
	v17 =	vadd.s32 $0xFFFFFFFF, v13;
	v10 =	vsel vm13, $0x1, v0  }
0x16a: {  	[tilespmem:s8+$0xFFFFFF90] =	vst v2;
	v10 =	vadd.s32 v10, v11;
	v11 =	vld.idx.msk [tilespmem:v21+s2+$0x0], $0xffff;
	vm14 =	vlt.f32 v9, v12;
	v7 =	vtrunc.f32 v7  }
0x16b: {  	v9 =	vld [tilespmem:s5+$0xFFFFFFA0];
	v12 =	vadd.s32 $0x1, v13;
	v2 =	vadd.s32 v16, v10;
	v10 =	vsel vm14, $0x1, v0  }
0x16c: {  	v7 =	vcvt.f32.s32 v7;
	v2 =	vadd.s32 v10, v2;
	v10 =	vmul.f32 $2.046000000e+03, v6  }
0x16d: {  	vm4 =	vlt.f32 v14, v4;
	v13 =	vadd.s32 $0x1, v21;
	[tilespmem:s3+$0xFFFFFFC0] =	vst v2  }
0x16e: {  	vm15 =	vlt.f32 v8, v5;
	vm5 =	vgt.s32 v7, $0x1;
	v2 =	vld [tilespmem:s0+$0xFFFFFFD0];
	v8 =	vtrunc.f32 v10  }
0x16f: {  	v14 =	vsel vm4, $0x1, v0;
	v7 =	vnsel vm5, $0x1, v7;
	v10 =	vld.idx.msk [tilespmem:v17+s2+$0x0], $0xffff;
	v8 =	vcvt.f32.s32 v8  }
0x170: {  	vm6 =	vlt.f32 v11, v4;
	v11 =	vmul.f32 $2.046000000e+03, v9;
	v7 =	vmin.u32 v7, $0x7FD  }
0x171: {  	v23 =	vsel vm15, $0x1, v0;
	v12 =	vld.idx.msk [tilespmem:v12+s2+$0x0], $0xffff;
	v15 =	vadd.s32 $0xFFFFFFFF, v7;
	v16 =	vsel vm6, $0x1, v0  }
0x172: {  	v13 =	vld.idx.msk [tilespmem:v13+s2+$0x0], $0xffff;
	v19 =	vadd.s32 $0x1, v7;
	vm7 =	vgt.s32 v8, $0x1;
	v11 =	vtrunc.f32 v11  }
0x173: {  	v8 =	vnsel vm7, $0x1, v8;
	v11 =	vcvt.f32.s32 v11;
	v20 =	vmul.f32 $2.046000000e+03, v2  }
0x174: {  	v14 =	vadd.s32 v14, v16;
	v21 =	vmin.u32 v8, $0x7FD;
	vm9 =	vlt.f32 v10, v5  }
0x175: {  	v8 =	vadd.s32 $0xFFFFFFFF, v21;
	vm8 =	vgt.s32 v11, $0x1;
	v16 =	vtrunc.f32 v20;
	v20 =	vld.idx.msk [tilespmem:v7+s2+$0x0], $0xffff  }
0x176: {  	v60 =	vadd.s32 $0x1, v21;
	vm10 =	vlt.f32 v12, v5;
	v7 =	vnsel vm8, $0x1, v11;
	v61 =	vld.idx.msk [tilespmem:v15+s2+$0x0], $0xffff  }
0x177: {  	vm12 =	vlt.f32 v13, v4;
	v5 =	vld.idx.msk [tilespmem:v19+s2+$0x0], $0xffff;
	v10 =	vcvt.f32.s32 v16;
	v62 =	vmin.u32 v7, $0x7FD  }
0x178: {  	v19 =	vsel vm10, $0x1, v0;
	v7 =	vsel vm9, $0x1, v0;
	v16 =	vadd.s32 $0xFFFFFFFF, v62  }
0x179: {  	v28 =	vadd.s32 $0x1, v62;
	v7 =	vadd.s32 v7, v23;
	vm11 =	vgt.s32 v10, $0x1;
	v11 =	vld.idx.msk [tilespmem:v21+s2+$0x0], $0xffff  }
0x17a: {  	[tilespmem:s29+$0x70] =	vst v3;
	v3 =	vsel vm12, $0x1, v0;
	v17 =	vadd.s32 v17, v7;
	v10 =	vnsel vm11, $0x1, v10;
	v12 =	vld.idx.msk [tilespmem:v8+s2+$0x0], $0xffff  }
0x17b: {  	v13 =	vld.idx.msk [tilespmem:v60+s2+$0x0], $0xffff;
	v21 =	vadd.s32 v19, v17;
	v10 =	vmin.u32 v10, $0x7FD;
	vm13 =	vlt.f32 v61, v22  }
0x17c: {  	vm14 =	vlt.f32 v20, v22;
	vm15 =	vlt.f32 v5, v22;
	v7 =	vadd.s32 $0xFFFFFFFF, v10;
	v17 =	vld.idx.msk [tilespmem:v62+s2+$0x0], $0xffff  }
0x17d: {  	[tilespmem:s30+$0x70] =	vst v18;
	v5 =	vadd.s32 v56, v14;
	v23 =	vsel vm13, $0x1, v0;
	v63 =	vsel vm14, $0x1, v0;
	v19 =	vld.idx.msk [tilespmem:v16+s2+$0x0], $0xffff  }
0x17e: {  	s11 =	simm.s32 $0xC80;
	s25 =	simm.s32 $0x6;
	[tilespmem:s30+$0xFFFFFFE0] =	vst v21;
	v4 =	vadd.s32 $0x1, v10;
	v20 =	vsel vm15, $0x1, v0;
	v18 =	vld.idx.msk [tilespmem:v28+s2+$0x0], $0xffff;
	v21 =	vadd.s32 v23, v63  }
.LBB2_3:
0x17f: {  	v14 =	vld [tilespmem:s11+$0x0];
	v15 =	vadd.s32 v15, v21;
	vm0 =	vlt.f32 v12, v6;
	vm1 =	vlt.f32 v11, v6  }
0x180: {  	v11 =	vld [tilespmem:s11+$0xFFFFFF80];
	v12 =	vadd.s32 v20, v15;
	v15 =	vsel vm0, $0x1, v0;
	v20 =	vsel vm1, $0x1, v0  }
0x181: {  	vm0 =	vlt.f32 v13, v6;
	[tilespmem:s8+$0x20] =	vst v12;
	v12 =	vld.idx.msk [tilespmem:v7+s2+$0x0], $0xffff;
	v13 =	vadd.s32 v15, v20  }
0x182: {  	vm1 =	vlt.f32 v17, v9;
	v15 =	vsel vm0, $0x1, v0;
	v6 =	vld [tilespmem:s5+$0x30];
	v8 =	vadd.s32 v8, v13  }
0x183: {  	vm0 =	vlt.f32 v19, v9;
	v13 =	vsel vm1, $0x1, v0;
	v10 =	vld.idx.msk [tilespmem:v10+s2+$0x0], $0xffff;
	v8 =	vadd.s32 v15, v8  }
0x184: {  	v17 =	vsel vm0, $0x1, v0;
	vm0 =	vlt.f32 v18, v9;
	v15 =	vmul.f32 $2.046000000e+03, v14;
	v9 =	vld.idx.msk [tilespmem:v4+s2+$0x0], $0xffff;
	[tilespmem:s3+$0x50] =	vst v8  }
0x185: {  	v19 =	vsel vm0, $0x1, v0;
	v4 =	vadd.s32 v17, v13;
	v18 =	vmul.f32 $2.046000000e+03, v11;
	v8 =	vld [tilespmem:s0+$0x60]  }
0x186: {  	v3 =	vadd.s32 v3, v5;
	v13 =	vtrunc.f32 v15;
	v15 =	vadd.s32 v16, v4;
	v4 =	vld [tilespmem:s31+$0xFFFFFFF0];
	s31 =	smov.u32 s0;
	s0 =	smov.u32 s5;
	s5 =	smov.u32 s11  }
0x187: {  	v13 =	vcvt.f32.s32 v13;
	v5 =	vadd.s32 v19, v15;
	v15 =	vmul.f32 $2.046000000e+03, v6;
	[tilespmem:s29+$0xFFFFFFF0] =	vst v3;
	s29 =	smov.u32 s30;
	s30 =	smov.u32 s3;
	s3 =	smov.u32 s8  }
0x188: {  	vm0 =	vlt.f32 v12, v2;
	v3 =	vtrunc.f32 v18;
	[tilespmem:s8+$0xFFFFFFA0] =	vst v5  }
0x189: {  	s25 =	sadd.s32 $0x2, s25;
	v3 =	vcvt.f32.s32 v3;
	vm1 =	vgt.s32 v13, $0x1;
	v5 =	vld [tilespmem:s0+$0xFFFFFFB0];
	v12 =	vtrunc.f32 v15  }
0x18a: {  	p0 =	slt.u32 s25, $0x62;
	v13 =	vnsel vm1, $0x1, v13;
	v12 =	vcvt.f32.s32 v12;
	v15 =	vmul.f32 $2.046000000e+03, v8  }
0x18b: {  	vm2 =	vgt.s32 v3, $0x1;
	vm1 =	vlt.f32 v10, v2;
	v13 =	vmin.u32 v13, $0x7FD  }
0x18c: {  	v10 =	vadd.s32 $0xFFFFFFFF, v13;
	vm3 =	vgt.s32 v12, $0x1;
	v15 =	vtrunc.f32 v15  }
0x18d: {  	v16 =	vadd.s32 $0x1, v13;
	v12 =	vnsel vm3, $0x1, v12;
	v15 =	vcvt.f32.s32 v15  }
0x18e: {  	v3 =	vnsel vm2, $0x1, v3;
	v17 =	vmul.f32 $2.046000000e+03, v5;
	v12 =	vmin.u32 v12, $0x7FD  }
0x18f: {  	v3 =	vmin.u32 v3, $0x7FD;
	v18 =	vadd.s32 $0x1, v12;
	vm2 =	vgt.s32 v15, $0x1  }
0x190: {  	v19 =	vadd.s32 $0xFFFFFFFF, v3;
	v20 =	vadd.s32 $0xFFFFFFFF, v12;
	v13 =	vld.idx.msk [tilespmem:v13+s2+$0x0], $0xffff;
	v15 =	vnsel vm2, $0x1, v15  }
0x191: {  	v21 =	vadd.s32 $0x1, v3;
	v17 =	vtrunc.f32 v17;
	v22 =	vld.idx.msk [tilespmem:v10+s2+$0x0], $0xffff;
	v15 =	vmin.u32 v15, $0x7FD  }
0x192: {  	v23 =	vsel vm0, $0x1, v0;
	v17 =	vcvt.f32.s32 v17;
	v16 =	vld.idx.msk [tilespmem:v16+s2+$0x0], $0xffff;
	v24 =	vadd.s32 $0xFFFFFFFF, v15  }
0x193: {  	vm0 =	vlt.f32 v9, v2;
	v25 =	vsel vm1, $0x1, v0;
	v2 =	vmul.f32 $2.046000000e+03, v4;
	v12 =	vld.idx.msk [tilespmem:v12+s2+$0x0], $0xffff  }
0x194: {  	vm1 =	vgt.s32 v17, $0x1;
	v9 =	vld.idx.msk [tilespmem:v18+s2+$0x0], $0xffff;
	v18 =	vadd.s32 v23, v25;
	v23 =	vadd.s32 $0x1, v15  }
0x195: {  	v26 =	vsel vm0, $0x1, v0;
	v17 =	vnsel vm1, $0x1, v17;
	v25 =	vld.idx.msk [tilespmem:v20+s2+$0x0], $0xffff;
	v7 =	vadd.s32 v7, v18  }
0x196: {  	v2 =	vtrunc.f32 v2;
	v17 =	vmin.u32 v17, $0x7FD;
	v7 =	vadd.s32 v26, v7;
	v15 =	vld.idx.msk [tilespmem:v15+s2+$0x0], $0xffff  }
0x197: {  	vm1 =	vlt.f32 v13, v14;
	vm0 =	vlt.f32 v22, v14;
	v13 =	vadd.s32 $0xFFFFFFFF, v17;
	[tilespmem:s30+$0xFFFFFFD0] =	vst v7;
	v7 =	vld.idx.msk [tilespmem:v24+s2+$0x0], $0xffff  }
0x198: {  	v26 =	vsel vm1, $0x1, v0;
	v27 =	vadd.s32 $0x1, v17;
	v22 =	vsel vm0, $0x1, v0;
	v18 =	vld.idx.msk [tilespmem:v19+s2+$0x0], $0xffff  }
0x199: {  	vm0 =	vlt.f32 v16, v14;
	v14 =	vadd.s32 v22, v26;
	v22 =	vcvt.f32.s32 v2;
	v16 =	vld.idx.msk [tilespmem:v23+s2+$0x0], $0xffff  }
0x19a: {  	v10 =	vadd.s32 v10, v14;
	v2 =	vld.idx.msk [tilespmem:v3+s2+$0x0], $0xffff;
	v3 =	vsel vm0, $0x1, v0  }
0x19b: {  	vm1 =	vlt.f32 v9, v6;
	vm0 =	vlt.f32 v12, v6;
	v14 =	vld.idx.msk [tilespmem:v21+s2+$0x0], $0xffff;
	v3 =	vadd.s32 v3, v10  }
0x19c: {  	s8 =	sadd.s32 $0x100, s8;
	vm2 =	vlt.f32 v25, v6;
	v6 =	vsel vm0, $0x1, v0;
	v10 =	vsel vm1, $0x1, v0;
	v9 =	vld.idx.msk [tilespmem:v13+s2+$0x0], $0xffff  }
0x19d: {  	vm1 =	vlt.f32 v15, v8;
	vm0 =	vlt.f32 v7, v8;
	[tilespmem:s8+$0x0] =	vst v3;
	v12 =	vld.idx.msk [tilespmem:v17+s2+$0x0], $0xffff;
	v3 =	vsel vm2, $0x1, v0  }
0x19e: {  	v7 =	vsel vm1, $0x1, v0;
	v15 =	vld [tilespmem:s11+$0x10];
	v3 =	vadd.s32 v3, v6;
	v6 =	vsel vm0, $0x1, v0  }
0x19f: {  	vm0 =	vlt.f32 v16, v8;
	v17 =	vld.idx.msk [tilespmem:v27+s2+$0x0], $0xffff;
	v3 =	vadd.s32 v20, v3;
	v6 =	vadd.s32 v6, v7  }
0x1a0: {  	v8 =	vsel vm0, $0x1, v0;
	v7 =	vadd.s32 v10, v3;
	v3 =	vld [tilespmem:s31+$0xFFFFFFE0];
	v6 =	vadd.s32 v24, v6  }
0x1a1: {  	vm0 =	vlt.f32 v18, v11;
	vm1 =	vlt.f32 v2, v11;
	[tilespmem:s3+$0x30] =	vst v7;
	v6 =	vadd.s32 v8, v6  }
0x1a2: {  	v7 =	vsel vm0, $0x1, v0;
	v8 =	vsel vm1, $0x1, v0;
	vm0 =	vlt.f32 v14, v11;
	v2 =	vld [tilespmem:s0+$0x40];
	[tilespmem:s30+$0x60] =	vst v6  }
0x1a3: {  	v6 =	vsel vm0, $0x1, v0;
	v7 =	vadd.s32 v7, v8;
	v8 =	vmul.f32 $2.046000000e+03, v15;
	v10 =	vld [tilespmem:s31+$0x70]  }
0x1a4: {  	vm0 =	vlt.f32 v9, v5;
	vm1 =	vlt.f32 v12, v5;
	v7 =	vadd.s32 v19, v7  }
0x1a5: {  	v6 =	vadd.s32 v6, v7;
	v7 =	vtrunc.f32 v8;
	v8 =	vsel vm0, $0x1, v0  }
0x1a6: {  	v9 =	vsel vm1, $0x1, v0;
	vm0 =	vlt.f32 v17, v5;
	[tilespmem:s8+$0xFFFFFF80] =	vst v6;
	v7 =	vcvt.f32.s32 v7  }
0x1a7: {  	v5 =	vsel vm0, $0x1, v0;
	v8 =	vadd.s32 v8, v9;
	v6 =	vld [tilespmem:s11+$0xFFFFFF90];
	v9 =	vmul.f32 $2.046000000e+03, v2  }
0x1a8: {  	v8 =	vadd.s32 v13, v8;
	vm0 =	vgt.s32 v7, $0x1;
	v11 =	vmul.f32 $2.046000000e+03, v10  }
0x1a9: {  	v5 =	vadd.s32 v5, v8;
	v7 =	vnsel vm0, $0x1, v7;
	v8 =	vtrunc.f32 v9  }
0x1aa: {  	v9 =	vmin.u32 v7, $0x7FD;
	[tilespmem:s3+$0xFFFFFFB0] =	vst v5;
	v5 =	vcvt.f32.s32 v8;
	v8 =	vtrunc.f32 v11  }
0x1ab: {  	v12 =	vmul.f32 $2.046000000e+03, v3;
	v11 =	vadd.s32 $0xFFFFFFFF, v9;
	v7 =	vld [tilespmem:s0+$0xFFFFFFC0];
	v8 =	vcvt.f32.s32 v8  }
0x1ac: {  	vm1 =	vgt.s32 v22, $0x1;
	v13 =	vmul.f32 $2.046000000e+03, v6;
	vm0 =	vgt.s32 v5, $0x1  }
0x1ad: {  	v14 =	vadd.s32 $0x1, v9;
	v5 =	vnsel vm0, $0x1, v5;
	vm0 =	vgt.s32 v8, $0x1  }
0x1ae: {  	v13 =	vtrunc.f32 v13;
	v5 =	vmin.u32 v5, $0x7FD;
	v8 =	vnsel vm0, $0x1, v8  }
0x1af: {  	v12 =	vtrunc.f32 v12;
	v13 =	vcvt.f32.s32 v13;
	v9 =	vld.idx.msk [tilespmem:v9+s2+$0x0], $0xffff;
	v8 =	vmin.u32 v8, $0x7FD  }
0x1b0: {  	v12 =	vcvt.f32.s32 v12;
	v16 =	vld.idx.msk [tilespmem:v11+s2+$0x0], $0xffff;
	v17 =	vmul.f32 $2.046000000e+03, v7;
	v18 =	vadd.s32 $0xFFFFFFFF, v8  }
0x1b1: {  	v20 =	vnsel vm1, $0x1, v22;
	v19 =	vadd.s32 $0xFFFFFFFF, v5;
	vm0 =	vgt.s32 v13, $0x1  }
0x1b2: {  	v21 =	vadd.s32 $0x1, v8;
	v13 =	vnsel vm0, $0x1, v13;
	v14 =	vld.idx.msk [tilespmem:v14+s2+$0x0], $0xffff;
	v17 =	vtrunc.f32 v17  }
0x1b3: {  	vm0 =	vgt.s32 v12, $0x1;
	v13 =	vmin.u32 v13, $0x7FD;
	v17 =	vcvt.f32.s32 v17;
	v22 =	vld.idx.msk [tilespmem:v5+s2+$0x0], $0xffff  }
0x1b4: {  	v5 =	vadd.s32 $0x1, v5;
	v23 =	vadd.s32 $0xFFFFFFFF, v13;
	v24 =	vadd.s32 $0x1, v13;
	v8 =	vld.idx.msk [tilespmem:v8+s2+$0x0], $0xffff  }
0x1b5: {  	v20 =	vmin.u32 v20, $0x7FD;
	v12 =	vnsel vm0, $0x1, v12;
	vm1 =	vgt.s32 v17, $0x1;
	v25 =	vld.idx.msk [tilespmem:v18+s2+$0x0], $0xffff  }
0x1b6: {  	vm2 =	vlt.f32 v9, v15;
	vm0 =	vlt.f32 v16, v15;
	v9 =	vnsel vm1, $0x1, v17;
	v16 =	vld.idx.msk [tilespmem:v19+s2+$0x0], $0xffff  }
0x1b7: {  	v26 =	vsel vm2, $0x1, v0;
	v17 =	vsel vm0, $0x1, v0;
	v9 =	vmin.u32 v9, $0x7FD;
	v21 =	vld.idx.msk [tilespmem:v21+s2+$0x0], $0xffff  }
0x1b8: {  	vm0 =	vlt.f32 v14, v15;
	v14 =	vadd.s32 v17, v26;
	v13 =	vld.idx.msk [tilespmem:v13+s2+$0x0], $0xffff;
	v15 =	vadd.s32 $0xFFFFFFFF, v9  }
0x1b9: {  	v17 =	vsel vm0, $0x1, v0;
	v11 =	vadd.s32 v11, v14;
	v14 =	vadd.s32 $0x1, v9;
	v26 =	vld.idx.msk [tilespmem:v5+s2+$0x0], $0xffff  }
0x1ba: {  	v12 =	vmin.u32 v12, $0x7FD;
	v11 =	vadd.s32 v17, v11;
	v5 =	vadd.s32 $0xFFFFFFFF, v20;
	v27 =	vld.idx.msk [tilespmem:v23+s2+$0x0], $0xffff  }
0x1bb: {  	vm0 =	vlt.f32 v22, v2;
	vm2 =	vlt.f32 v8, v10;
	vm1 =	vlt.f32 v25, v10;
	v17 =	vld.idx.msk [tilespmem:v24+s2+$0x0], $0xffff  }
0x1bc: {  	v22 =	vsel vm1, $0x1, v0;
	v24 =	vsel vm2, $0x1, v0;
	v8 =	vld.idx.msk [tilespmem:v9+s2+$0x0], $0xffff;
	v9 =	vsel vm0, $0x1, v0  }
0x1bd: {  	vm0 =	vlt.f32 v16, v2;
	vm1 =	vlt.f32 v21, v10;
	v10 =	vadd.s32 v22, v24;
	v25 =	vld.idx.msk [tilespmem:v15+s2+$0x0], $0xffff  }
0x1be: {  	v16 =	vsel vm0, $0x1, v0;
	v21 =	vsel vm1, $0x1, v0;
	v10 =	vadd.s32 v18, v10;
	v14 =	vld.idx.msk [tilespmem:v14+s2+$0x0], $0xffff  }
0x1bf: {  	vm0 =	vlt.f32 v26, v2;
	v2 =	vadd.s32 v16, v9;
	v9 =	vadd.s32 v21, v10;
	[tilespmem:s8+$0x10] =	vst v11  }
0x1c0: {  	vm1 =	vlt.f32 v27, v6;
	v10 =	vsel vm0, $0x1, v0;
	v2 =	vadd.s32 v19, v2;
	v18 =	vld [tilespmem:s11+$0x20];
	[tilespmem:s30+$0x70] =	vst v9  }
0x1c1: {  	vm0 =	vlt.f32 v13, v6;
	v9 =	vsel vm1, $0x1, v0;
	v2 =	vadd.s32 v10, v2;
	v10 =	vld.idx.msk [tilespmem:v12+s2+$0x0], $0xffff  }
0x1c2: {  	v11 =	vsel vm0, $0x1, v0;
	vm0 =	vlt.f32 v17, v6;
	vm1 =	vlt.f32 v8, v7;
	[tilespmem:s3+$0x40] =	vst v2;
	v2 =	vld.idx.msk [tilespmem:v5+s2+$0x0], $0xffff  }
0x1c3: {  	v8 =	vsel vm0, $0x1, v0;
	v9 =	vadd.s32 v9, v11;
	vm0 =	vlt.f32 v25, v7;
	v6 =	vld [tilespmem:s0+$0x50]  }
0x1c4: {  	v9 =	vadd.s32 v23, v9;
	v13 =	vsel vm1, $0x1, v0;
	v11 =	vsel vm0, $0x1, v0;
	v16 =	vld.idx.msk [tilespmem:v20+s2+$0x0], $0xffff  }
0x1c5: {  	v8 =	vadd.s32 v8, v9;
	v9 =	vadd.s32 v11, v13;
	v17 =	vmul.f32 $2.046000000e+03, v18  }
0x1c6: {  	vm0 =	vlt.f32 v14, v7;
	v13 =	vadd.s32 $0xFFFFFFFF, v12;
	v7 =	vadd.s32 v15, v9;
	[tilespmem:s8+$0xFFFFFF90] =	vst v8  }
0x1c7: {  	v11 =	vsel vm0, $0x1, v0;
	v12 =	vadd.s32 $0x1, v12;
	v9 =	vld [tilespmem:s11+$0xFFFFFFA0];
	v8 =	vtrunc.f32 v17  }
0x1c8: {  	v7 =	vadd.s32 v11, v7;
	v8 =	vcvt.f32.s32 v8;
	v11 =	vmul.f32 $2.046000000e+03, v6  }
0x1c9: {  	vm0 =	vlt.f32 v10, v3;
	vm1 =	vlt.f32 v2, v4;
	[tilespmem:s3+$0xFFFFFFC0] =	vst v7;
	v7 =	vadd.s32 $0x1, v20  }
0x1ca: {  	v14 =	vsel vm0, $0x1, v0;
	vm2 =	vgt.s32 v8, $0x1;
	v2 =	vld [tilespmem:s0+$0xFFFFFFD0];
	v10 =	vtrunc.f32 v11  }
0x1cb: {  	vm0 =	vlt.f32 v16, v4;
	v8 =	vnsel vm2, $0x1, v8;
	v10 =	vcvt.f32.s32 v10;
	v11 =	vld.idx.msk [tilespmem:v13+s2+$0x0], $0xffff  }
0x1cc: {  	v19 =	vsel vm1, $0x1, v0;
	v16 =	vmul.f32 $2.046000000e+03, v9;
	v17 =	vmin.u32 v8, $0x7FD;
	v12 =	vld.idx.msk [tilespmem:v12+s2+$0x0], $0xffff  }
0x1cd: {  	v20 =	vsel vm0, $0x1, v0;
	v15 =	vadd.s32 $0xFFFFFFFF, v17;
	vm1 =	vgt.s32 v10, $0x1  }
0x1ce: {  	v8 =	vtrunc.f32 v16;
	v16 =	vadd.s32 $0x1, v17;
	v10 =	vnsel vm1, $0x1, v10;
	v7 =	vld.idx.msk [tilespmem:v7+s2+$0x0], $0xffff  }
0x1cf: {  	v21 =	vcvt.f32.s32 v8;
	v22 =	vmul.f32 $2.046000000e+03, v2;
	v10 =	vmin.u32 v10, $0x7FD  }
0x1d0: {  	v23 =	vadd.s32 v19, v20;
	v8 =	vadd.s32 $0xFFFFFFFF, v10  }
0x1d1: {  	vm1 =	vlt.f32 v11, v3;
	vm0 =	vgt.s32 v21, $0x1;
	v19 =	vld.idx.msk [tilespmem:v17+s2+$0x0], $0xffff;
	v17 =	vtrunc.f32 v22  }
0x1d2: {  	v11 =	vnsel vm0, $0x1, v21;
	v20 =	vld.idx.msk [tilespmem:v15+s2+$0x0], $0xffff;
	v17 =	vcvt.f32.s32 v17;
	v21 =	vadd.s32 $0x1, v10  }
0x1d3: {  	v25 =	vsel vm1, $0x1, v0;
	vm0 =	vlt.f32 v12, v3;
	v22 =	vmin.u32 v11, $0x7FD;
	v24 =	vld.idx.msk [tilespmem:v16+s2+$0x0], $0xffff  }
0x1d4: {  	v16 =	vadd.s32 $0xFFFFFFFF, v22;
	v26 =	vadd.s32 $0x1, v22;
	vm1 =	vgt.s32 v17, $0x1;
	v11 =	vld.idx.msk [tilespmem:v10+s2+$0x0], $0xffff  }
0x1d5: {  	v14 =	vadd.s32 v25, v14;
	v3 =	vnsel vm1, $0x1, v17;
	v12 =	vld.idx.msk [tilespmem:v8+s2+$0x0], $0xffff;
	v17 =	vsel vm0, $0x1, v0  }
.Ltmp4:
0x1d6: {  	vm0 =	vlt.f32 v7, v4;
	v10 =	vmin.u32 v3, $0x7FD;
	v3 =	vadd.s32 v13, v14;
	(pc) =	sbr.rel @p0 .LBB2_3-.Ltmp4, $4  }
0x1d7: {  	v7 =	vadd.s32 $0xFFFFFFFF, v10;
	v4 =	vadd.s32 $0x1, v10;
	v13 =	vld.idx.msk [tilespmem:v21+s2+$0x0], $0xffff;
	v3 =	vadd.s32 v17, v3  }
0x1d8: {  	vm2 =	vlt.f32 v19, v18;
	vm1 =	vlt.f32 v20, v18;
	v17 =	vld.idx.msk [tilespmem:v22+s2+$0x0], $0xffff;
	[tilespmem:s30+$0xFFFFFFE0] =	vst v3;
	v3 =	vsel vm0, $0x1, v0  }
0x1d9: {  	v21 =	vsel vm2, $0x1, v0;
	v14 =	vsel vm1, $0x1, v0;
	vm0 =	vlt.f32 v24, v18;
	v19 =	vld.idx.msk [tilespmem:v16+s2+$0x0], $0xffff  }
0x1da: {  	s11 =	sadd.s32 $0x100, s11;
	v5 =	vadd.s32 v5, v23;
	v20 =	vsel vm0, $0x1, v0;
	v21 =	vadd.s32 v14, v21;
	v18 =	vld.idx.msk [tilespmem:v26+s2+$0x0], $0xffff  }
0x1db: {  	v14 =	vadd.s32 v15, v21  }
0x1dc: {  	v14 =	vadd.s32 v20, v14  }
0x1dd: {  	[tilespmem:s8+$0x20] =	vst v14  }
0x1de: {  	vm0 =	vlt.f32 v17, v9;
	vm1 =	vlt.f32 v19, v9;
	v14 =	vld [tilespmem:s5+$0x30]  }
0x1df: {  	v48 =	vsel vm0, $0x1, v0;
	v49 =	vsel vm1, $0x1, v0  }
0x1e0: {  	vm10 =	vlt.f32 v18, v9;
	v50 =	vadd.s32 v49, v48  }
0x1e1: {  	v51 =	vsel vm10, $0x1, v0;
	v9 =	vadd.s32 v16, v50  }
0x1e2: {  	v9 =	vadd.s32 v51, v9  }
0x1e3: {  	[tilespmem:s8+$0xFFFFFFA0] =	vst v9;
	v52 =	vmul.f32 $2.046000000e+03, v14  }
0x1e4: {  	v9 =	vld [tilespmem:s5+$0xFFFFFFB0]  }
0x1e5: {  	v15 =	vtrunc.f32 v52  }
0x1e6: {  	v15 =	vcvt.f32.s32 v15;
	_ =	sdelay $0x1  }
0x1e7: {  	vm11 =	vgt.s32 v15, $0x1  }
0x1e8: {  	v53 =	vmul.f32 $2.046000000e+03, v9;
	v15 =	vnsel vm11, $0x1, v15  }
0x1e9: {  	v15 =	vmin.u32 v15, $0x7FD  }
0x1ea: {  	v16 =	vtrunc.f32 v53;
	v54 =	vadd.s32 $0xFFFFFFFF, v15  }
0x1eb: {  	v16 =	vcvt.f32.s32 v16  }
0x1ec: {  	v55 =	vadd.s32 $0x1, v15  }
0x1ed: {  	vm12 =	vgt.s32 v16, $0x1  }
0x1ee: {  	v16 =	vnsel vm12, $0x1, v16;
	v15 =	vld.idx.msk [tilespmem:v15+s2+$0x0], $0xffff  }
0x1ef: {  	v16 =	vmin.u32 v16, $0x7FD;
	v57 =	vld.idx.msk [tilespmem:v54+s2+$0x0], $0xffff  }
0x1f0: {  	v56 =	vadd.s32 $0xFFFFFFFF, v16  }
0x1f1: {  	v18 =	vld.idx.msk [tilespmem:v55+s2+$0x0], $0xffff  }
0x1f2: {  	v58 =	vadd.s32 $0x1, v16;
	_ =	sdelay $0x1  }
0x1f3: {  	vm13 =	vlt.f32 v15, v14;
	v16 =	vld.idx.msk [tilespmem:v16+s2+$0x0], $0xffff;
	vm14 =	vlt.f32 v57, v14  }
0x1f4: {  	v15 =	vsel vm13, $0x1, v0;
	v22 =	vld.idx.msk [tilespmem:v56+s2+$0x0], $0xffff;
	v20 =	vsel vm14, $0x1, v0  }
0x1f5: {  	vm15 =	vlt.f32 v18, v14;
	v59 =	vadd.s32 v20, v15  }
0x1f6: {  	v21 =	vld.idx.msk [tilespmem:v58+s2+$0x0], $0xffff;
	v60 =	vsel vm15, $0x1, v0;
	v14 =	vadd.s32 v54, v59  }
0x1f7: {  	v14 =	vadd.s32 v60, v14  }
0x1f8: {  	[tilespmem:s8+$0x30] =	vst v14  }
0x1f9: {  	vm5 =	vlt.f32 v16, v9;
	vm4 =	vlt.f32 v22, v9;
	v63 =	vld [tilespmem:s5+$0x40]  }
0x1fa: {  	v62 =	vsel vm5, $0x1, v0;
	v61 =	vsel vm4, $0x1, v0  }
0x1fb: {  	vm6 =	vlt.f32 v21, v9;
	v23 =	vadd.s32 v61, v62  }
0x1fc: {  	v24 =	vsel vm6, $0x1, v0;
	v9 =	vadd.s32 v56, v23  }
0x1fd: {  	v9 =	vadd.s32 v24, v9  }
0x1fe: {  	[tilespmem:s8+$0xFFFFFFB0] =	vst v9;
	v25 =	vmul.f32 $2.046000000e+03, v63  }
0x1ff: {  	v9 =	vld [tilespmem:s5+$0xFFFFFFC0]  }
0x200: {  	v14 =	vtrunc.f32 v25  }
0x201: {  	v14 =	vcvt.f32.s32 v14;
	_ =	sdelay $0x1  }
0x202: {  	vm7 =	vgt.s32 v14, $0x1  }
0x203: {  	v26 =	vmul.f32 $2.046000000e+03, v9;
	v14 =	vnsel vm7, $0x1, v14  }
0x204: {  	v14 =	vmin.u32 v14, $0x7FD  }
0x205: {  	v15 =	vtrunc.f32 v26;
	v27 =	vadd.s32 $0xFFFFFFFF, v14  }
0x206: {  	v15 =	vcvt.f32.s32 v15  }
0x207: {  	v28 =	vadd.s32 $0x1, v14  }
0x208: {  	vm8 =	vgt.s32 v15, $0x1  }
0x209: {  	v15 =	vnsel vm8, $0x1, v15;
	v14 =	vld.idx.msk [tilespmem:v14+s2+$0x0], $0xffff  }
0x20a: {  	v15 =	vmin.u32 v15, $0x7FD;
	v30 =	vld.idx.msk [tilespmem:v27+s2+$0x0], $0xffff  }
0x20b: {  	v29 =	vadd.s32 $0xFFFFFFFF, v15  }
0x20c: {  	v18 =	vld.idx.msk [tilespmem:v28+s2+$0x0], $0xffff  }
0x20d: {  	v31 =	vadd.s32 $0x1, v15;
	_ =	sdelay $0x1  }
0x20e: {  	vm9 =	vlt.f32 v14, v63;
	v15 =	vld.idx.msk [tilespmem:v15+s2+$0x0], $0xffff;
	vm10 =	vlt.f32 v30, v63  }
0x20f: {  	v14 =	vsel vm9, $0x1, v0;
	v32 =	vld.idx.msk [tilespmem:v29+s2+$0x0], $0xffff;
	v34 =	vsel vm10, $0x1, v0  }
0x210: {  	vm11 =	vlt.f32 v18, v63;
	v14 =	vadd.s32 v34, v14  }
0x211: {  	v33 =	vld.idx.msk [tilespmem:v31+s2+$0x0], $0xffff;
	v16 =	vsel vm11, $0x1, v0;
	v14 =	vadd.s32 v27, v14  }
0x212: {  	v14 =	vadd.s32 v16, v14  }
0x213: {  	[tilespmem:s8+$0x40] =	vst v14  }
0x214: {  	vm12 =	vlt.f32 v15, v9;
	vm13 =	vlt.f32 v32, v9;
	v36 =	vld [tilespmem:s5+$0x50]  }
0x215: {  	v15 =	vsel vm12, $0x1, v0;
	v35 =	vsel vm13, $0x1, v0  }
0x216: {  	vm14 =	vlt.f32 v33, v9;
	v14 =	vadd.s32 v35, v15  }
0x217: {  	v38 =	vsel vm14, $0x1, v0;
	v37 =	vadd.s32 v29, v14  }
0x218: {  	v9 =	vadd.s32 v38, v37  }
0x219: {  	[tilespmem:s8+$0xFFFFFFC0] =	vst v9;
	v42 =	vmul.f32 $2.046000000e+03, v36  }
0x21a: {  	vm15 =	vlt.f32 v12, v6;
	vm4 =	vlt.f32 v11, v6;
	v40 =	vld [tilespmem:s5+$0xFFFFFFD0]  }
0x21b: {  	v39 =	vsel vm15, $0x1, v0;
	v11 =	vsel vm4, $0x1, v0;
	v44 =	vtrunc.f32 v42  }
0x21c: {  	vm5 =	vlt.f32 v13, v6;
	v41 =	vadd.s32 v39, v11;
	v45 =	vcvt.f32.s32 v44  }
0x21d: {  	v43 =	vsel vm5, $0x1, v0;
	v6 =	vadd.s32 v8, v41  }
0x21e: {  	v6 =	vadd.s32 v43, v6;
	vm6 =	vgt.s32 v45, $0x1  }
0x21f: {  	v49 =	vld.idx.msk [tilespmem:v7+s2+$0x0], $0xffff;
	[tilespmem:s3+$0x50] =	vst v6;
	v47 =	vmul.f32 $2.046000000e+03, v40;
	v6 =	vnsel vm6, $0x1, v45  }
0x220: {  	v46 =	vld [tilespmem:s0+$0x60];
	v6 =	vmin.u32 v6, $0x7FD  }
0x221: {  	v10 =	vld.idx.msk [tilespmem:v10+s2+$0x0], $0xffff;
	v9 =	vtrunc.f32 v47;
	v48 =	vadd.s32 $0xFFFFFFFF, v6  }
0x222: {  	v4 =	vld.idx.msk [tilespmem:v4+s2+$0x0], $0xffff;
	v9 =	vcvt.f32.s32 v9  }
0x223: {  	v51 =	vadd.s32 $0x1, v6  }
0x224: {  	vm7 =	vgt.s32 v9, $0x1  }
0x225: {  	v50 =	vmul.f32 $2.046000000e+03, v46;
	vm9 =	vlt.f32 v49, v2;
	v9 =	vnsel vm7, $0x1, v9;
	v6 =	vld.idx.msk [tilespmem:v6+s2+$0x0], $0xffff  }
0x226: {  	vm10 =	vlt.f32 v10, v2;
	v57 =	vsel vm9, $0x1, v0;
	v9 =	vmin.u32 v9, $0x7FD;
	v53 =	vld.idx.msk [tilespmem:v48+s2+$0x0], $0xffff  }
0x227: {  	vm11 =	vlt.f32 v4, v2;
	v59 =	vsel vm10, $0x1, v0;
	v52 =	vadd.s32 $0xFFFFFFFF, v9  }
0x228: {  	v62 =	vsel vm11, $0x1, v0;
	v60 =	vadd.s32 v57, v59;
	v14 =	vtrunc.f32 v50;
	v15 =	vld.idx.msk [tilespmem:v51+s2+$0x0], $0xffff  }
0x229: {  	v4 =	vadd.s32 v7, v60;
	v14 =	vcvt.f32.s32 v14;
	v55 =	vadd.s32 $0x1, v9  }
0x22a: {  	v4 =	vadd.s32 v62, v4  }
0x22b: {  	vm8 =	vgt.s32 v14, $0x1;
	vm2 =	vlt.f32 v6, v36;
	vm12 =	vlt.f32 v53, v36;
	v61 =	vld.idx.msk [tilespmem:v9+s2+$0x0], $0xffff  }
0x22c: {  	v54 =	vnsel vm8, $0x1, v14;
	v21 =	vsel vm2, $0x1, v0;
	v2 =	vld.idx.msk [tilespmem:v52+s2+$0x0], $0xffff;
	v63 =	vsel vm12, $0x1, v0  }
0x22d: {  	v56 =	vmin.u32 v54, $0x7FD;
	vm13 =	vlt.f32 v15, v36;
	v22 =	vadd.s32 v63, v21  }
0x22e: {  	[tilespmem:s3+$0xFFFFFFD0] =	vst v4;
	v58 =	vadd.s32 $0xFFFFFFFF, v56;
	v23 =	vld.idx.msk [tilespmem:v55+s2+$0x0], $0xffff;
	v24 =	vsel vm13, $0x1, v0;
	v7 =	vadd.s32 v48, v22  }
0x22f: {  	v27 =	vld [tilespmem:s0+$0xFFFFFFE0];
	v25 =	vadd.s32 v24, v7  }
0x230: {  	[tilespmem:s8+$0x50] =	vst v25  }
0x231: {  	v26 =	vadd.s32 $0x1, v56;
	vm15 =	vlt.f32 v61, v40;
	vm14 =	vlt.f32 v2, v40;
	v2 =	vld [tilespmem:s5+$0x60]  }
0x232: {  	v30 =	vld.idx.msk [tilespmem:v56+s2+$0x0], $0xffff;
	v6 =	vsel vm15, $0x1, v0;
	v28 =	vsel vm14, $0x1, v0  }
0x233: {  	v29 =	vld.idx.msk [tilespmem:v58+s2+$0x0], $0xffff;
	vm4 =	vlt.f32 v23, v40;
	v4 =	vadd.s32 v28, v6  }
0x234: {  	v32 =	vmul.f32 $2.046000000e+03, v27;
	v31 =	vsel vm4, $0x1, v0;
	v4 =	vadd.s32 v52, v4  }
0x235: {  	v4 =	vadd.s32 v31, v4  }
0x236: {  	v10 =	vtrunc.f32 v32;
	v7 =	vld.idx.msk [tilespmem:v26+s2+$0x0], $0xffff;
	[tilespmem:s8+$0xFFFFFFD0] =	vst v4;
	v33 =	vmul.f32 $2.046000000e+03, v2  }
0x237: {  	v35 =	vcvt.f32.s32 v10;
	v34 =	vld [tilespmem:s5+$0xFFFFFFE0]  }
0x238: {  	vm6 =	vlt.f32 v30, v46;
	vm5 =	vlt.f32 v29, v46;
	v4 =	vtrunc.f32 v33  }
0x239: {  	v37 =	vsel vm6, $0x1, v0;
	v36 =	vsel vm5, $0x1, v0;
	v4 =	vcvt.f32.s32 v4  }
0x23a: {  	vm8 =	vgt.s32 v35, $0x1;
	v38 =	vadd.s32 v36, v37  }
0x23b: {  	v6 =	vnsel vm8, $0x1, v35;
	vm7 =	vlt.f32 v7, v46;
	vm9 =	vgt.s32 v4, $0x1  }
0x23c: {  	v6 =	vmin.u32 v6, $0x7FD;
	v39 =	vmul.f32 $2.046000000e+03, v34;
	v4 =	vnsel vm9, $0x1, v4  }
0x23d: {  	v7 =	vadd.s32 v58, v38;
	v40 =	vsel vm7, $0x1, v0;
	v4 =	vmin.u32 v4, $0x7FD  }
0x23e: {  	v7 =	vadd.s32 v40, v7;
	v8 =	vtrunc.f32 v39;
	v41 =	vadd.s32 $0xFFFFFFFF, v4  }
0x23f: {  	v11 =	vld [tilespmem:s31+$0xFFFFFFF0];
	v42 =	vadd.s32 $0xFFFFFFFF, v6;
	[tilespmem:s3+$0x60] =	vst v7;
	v8 =	vcvt.f32.s32 v8  }
0x240: {  	v43 =	vld [tilespmem:s0+$0x70];
	v44 =	vadd.s32 $0x1, v4  }
0x241: {  	v45 =	vld.idx.msk [tilespmem:v6+s2+$0x0], $0xffff;
	vm10 =	vgt.s32 v8, $0x1  }
0x242: {  	v6 =	vadd.s32 $0x1, v6;
	v8 =	vnsel vm10, $0x1, v8;
	v4 =	vld.idx.msk [tilespmem:v4+s2+$0x0], $0xffff  }
0x243: {  	v8 =	vmin.u32 v8, $0x7FD;
	v46 =	vld.idx.msk [tilespmem:v41+s2+$0x0], $0xffff  }
0x244: {  	v48 =	vld.idx.msk [tilespmem:v42+s2+$0x0], $0xffff;
	v47 =	vadd.s32 $0xFFFFFFFF, v8  }
0x245: {  	v14 =	vld.idx.msk [tilespmem:v44+s2+$0x0], $0xffff  }
0x246: {  	v49 =	vmul.f32 $2.046000000e+03, v43;
	v50 =	vadd.s32 $0x1, v8  }
0x247: {  	v51 =	vmul.f32 $2.046000000e+03, v11;
	v6 =	vld.idx.msk [tilespmem:v6+s2+$0x0], $0xffff;
	vm11 =	vlt.f32 v45, v27  }
0x248: {  	v19 =	vtrunc.f32 v49;
	vm13 =	vlt.f32 v4, v2;
	v8 =	vld.idx.msk [tilespmem:v8+s2+$0x0], $0xffff;
	vm12 =	vlt.f32 v46, v2  }
0x249: {  	v15 =	vsel vm11, $0x1, v0;
	v53 =	vsel vm13, $0x1, v0;
	v52 =	vld.idx.msk [tilespmem:v47+s2+$0x0], $0xffff;
	v16 =	vsel vm12, $0x1, v0  }
0x24a: {  	vm14 =	vlt.f32 v48, v27;
	vm15 =	vlt.f32 v14, v2;
	v2 =	vadd.s32 v16, v53  }
0x24b: {  	v54 =	vsel vm14, $0x1, v0;
	v55 =	vld.idx.msk [tilespmem:v50+s2+$0x0], $0xffff;
	v56 =	vsel vm15, $0x1, v0;
	v2 =	vadd.s32 v41, v2  }
0x24c: {  	v57 =	vadd.s32 v54, v15;
	vm4 =	vlt.f32 v6, v27;
	v2 =	vadd.s32 v56, v2  }
0x24d: {  	v58 =	vadd.s32 v42, v57;
	v27 =	vtrunc.f32 v51;
	v9 =	vsel vm4, $0x1, v0;
	[tilespmem:s8+$0x60] =	vst v2  }
0x24e: {  	v28 =	vcvt.f32.s32 v27;
	vm5 =	vlt.f32 v8, v34;
	vm6 =	vlt.f32 v52, v34;
	v59 =	vld [tilespmem:s5+$0x70]  }
0x24f: {  	v2 =	vadd.s32 v9, v58;
	v60 =	vsel vm5, $0x1, v0;
	v61 =	vsel vm6, $0x1, v0  }
0x250: {  	v62 =	vcvt.f32.s32 v19;
	[tilespmem:s3+$0xFFFFFFE0] =	vst v2;
	vm7 =	vlt.f32 v55, v34;
	v2 =	vadd.s32 v61, v60  }
0x251: {  	vm9 =	vgt.s32 v28, $0x1;
	v63 =	vld [tilespmem:s0+$0xFFFFFFF0];
	v26 =	vsel vm7, $0x1, v0;
	v2 =	vadd.s32 v47, v2  }
0x252: {  	vm8 =	vgt.s32 v62, $0x1;
	v7 =	vnsel vm9, $0x1, v28;
	v2 =	vadd.s32 v26, v2  }
0x253: {  	v7 =	vmin.u32 v7, $0x7FD;
	v8 =	vnsel vm8, $0x1, v62;
	[tilespmem:s8+$0xFFFFFFE0] =	vst v2;
	v29 =	vmul.f32 $2.046000000e+03, v59  }
0x254: {  	v2 =	vmin.u32 v8, $0x7FD;
	v30 =	vld [tilespmem:s5+$0xFFFFFFF0]  }
0x255: {  	v31 =	vadd.s32 $0xFFFFFFFF, v2;
	v8 =	vtrunc.f32 v29  }
0x256: {  	v32 =	vmul.f32 $2.046000000e+03, v63;
	v33 =	vadd.s32 $0x1, v2;
	v8 =	vcvt.f32.s32 v8  }
0x257: {  	v34 =	vadd.s32 $0xFFFFFFFF, v7  }
0x258: {  	v37 =	vadd.s32 $0x1, v7;
	v7 =	vld.idx.msk [tilespmem:v7+s2+$0x0], $0xffff;
	v12 =	vtrunc.f32 v32;
	vm10 =	vgt.s32 v8, $0x1  }
0x259: {  	v12 =	vcvt.f32.s32 v12;
	v2 =	vld.idx.msk [tilespmem:v2+s2+$0x0], $0xffff;
	v35 =	vmul.f32 $2.046000000e+03, v30;
	v8 =	vnsel vm10, $0x1, v8  }
0x25a: {  	v36 =	vld.idx.msk [tilespmem:v31+s2+$0x0], $0xffff;
	v8 =	vmin.u32 v8, $0x7FD  }
0x25b: {  	vm11 =	vgt.s32 v12, $0x1;
	v14 =	vld.idx.msk [tilespmem:v33+s2+$0x0], $0xffff;
	v16 =	vtrunc.f32 v35;
	v38 =	vadd.s32 $0xFFFFFFFF, v8  }
0x25c: {  	v39 =	vld.idx.msk [tilespmem:v34+s2+$0x0], $0xffff;
	v12 =	vnsel vm11, $0x1, v12;
	v40 =	vadd.s32 $0x1, v8;
	v16 =	vcvt.f32.s32 v16  }
0x25d: {  	v3 =	vadd.s32 v3, v5;
	v12 =	vmin.u32 v12, $0x7FD  }
0x25e: {  	v41 =	vadd.s32 $0xFFFFFFFF, v12;
	vm14 =	vlt.f32 v2, v43;
	v2 =	vld.idx.msk [tilespmem:v37+s2+$0x0], $0xffff;
	vm12 =	vgt.s32 v16, $0x1  }
0x25f: {  	vm5 =	vlt.f32 v7, v11;
	v42 =	vadd.s32 $0x1, v12;
	v16 =	vnsel vm12, $0x1, v16;
	v8 =	vld.idx.msk [tilespmem:v8+s2+$0x0], $0xffff  }
0x260: {  	vm13 =	vlt.f32 v36, v43;
	vm15 =	vlt.f32 v14, v43;
	v16 =	vmin.u32 v16, $0x7FD;
	v43 =	vld.idx.msk [tilespmem:v38+s2+$0x0], $0xffff  }
0x261: {  	v48 =	vsel vm5, $0x1, v0;
	vm4 =	vlt.f32 v39, v11;
	v21 =	vld.idx.msk [tilespmem:v40+s2+$0x0], $0xffff;
	v44 =	vadd.s32 $0xFFFFFFFF, v16  }
0x262: {  	v47 =	vsel vm4, $0x1, v0;
	v23 =	vsel vm14, $0x1, v0;
	v17 =	vsel vm13, $0x1, v0;
	v12 =	vld.idx.msk [tilespmem:v12+s2+$0x0], $0xffff  }
0x263: {  	v50 =	vadd.s32 v47, v48;
	v17 =	vadd.s32 v17, v23;
	v46 =	vld.idx.msk [tilespmem:v41+s2+$0x0], $0xffff;
	v24 =	vadd.s32 $0x1, v16  }
0x264: {  	v45 =	vsel vm15, $0x1, v0;
	v10 =	vadd.s32 v31, v17;
	v51 =	vld.idx.msk [tilespmem:v42+s2+$0x0], $0xffff;
	vm6 =	vlt.f32 v2, v11  }
0x265: {  	v49 =	vadd.s32 v45, v10;
	v10 =	vadd.s32 v34, v50;
	v52 =	vsel vm6, $0x1, v0;
	v16 =	vld.idx.msk [tilespmem:v16+s2+$0x0], $0xffff  }
0x266: {  	vm8 =	vlt.f32 v8, v59;
	v8 =	vadd.s32 v52, v10;
	vm7 =	vlt.f32 v43, v59;
	v2 =	vld.idx.msk [tilespmem:v44+s2+$0x0], $0xffff  }
0x267: {  	v54 =	vsel vm8, $0x1, v0;
	vm9 =	vlt.f32 v21, v59;
	vm11 =	vlt.f32 v12, v63  }
0x268: {  	v53 =	vsel vm7, $0x1, v0;
	v56 =	vsel vm9, $0x1, v0;
	vm10 =	vlt.f32 v46, v63;
	v57 =	vld.idx.msk [tilespmem:v24+s2+$0x0], $0xffff  }
0x269: {  	v59 =	vsel vm11, $0x1, v0;
	v55 =	vadd.s32 v53, v54;
	v58 =	vsel vm10, $0x1, v0  }
0x26a: {  	vm12 =	vlt.f32 v51, v63;
	v4 =	vadd.s32 v38, v55;
	v60 =	vadd.s32 v58, v59  }
0x26b: {  	[tilespmem:s29+$0xFFFFFFF0] =	vst v3;
	v4 =	vadd.s32 v56, v4;
	vm14 =	vlt.f32 v16, v30;
	vm13 =	vlt.f32 v2, v30  }
0x26c: {  	[tilespmem:s3+$0x70] =	vst v49;
	v62 =	vadd.s32 v41, v60;
	v61 =	vsel vm14, $0x1, v0;
	v3 =	vsel vm13, $0x1, v0  }
0x26d: {  	[tilespmem:s30+$0xFFFFFFF0] =	vst v8;
	v2 =	vsel vm12, $0x1, v0;
	vm15 =	vlt.f32 v57, v30;
	v3 =	vadd.s32 v3, v61  }
0x26e: {  	[tilespmem:s8+$0x70] =	vst v4;
	v2 =	vadd.s32 v2, v62;
	v63 =	vsel vm15, $0x1, v0;
	v3 =	vadd.s32 v44, v3  }
0x26f: {  	s1 =	simm.s32 $0x3A00;
	s28 =	sshll.u32 s28, $0xA;
	[tilespmem:s3+$0xFFFFFFF0] =	vst v2;
	v2 =	vadd.s32 v63, v3  }
0x270: {  	s29 =	simm.s32 $0x0;
	s31 =	simm.s32 $0x6C00;
	s30 =	simm.s32 $0x80;
	[tilespmem:s8+$0xFFFFFFF0] =	vst v2  }
0x271: {  	[tilespmem:s31], [sflag:$0x1] =	stream.indirect.gather [hbm4b:s6+s30], $0x40, s1, s30, $0xb8;
	[tilespmem:$0x10C80] =	vst v63  }
.LBB2_5:
0x272: {  	s30 =	sshllo.u32 s29, $0x1  }
0x273: {  	s0 =	sshll.u32 s30, $0x7  }
0x274: {  	s0 =	sand.u32 $0x3FFFFF80, s0  }
0x275: {  	s1 =	simm.s32 $0x80;
	s3 =	simm.s32 $0x8C00;
	s0 =	sadd.s32 $0x3A00, s0  }
0x276: {  	[tilespmem:s3], [sflag:$0x2] =	stream.indirect.gather [hbm4b:s6+s1], $0x40, s0, s1, $0xb8;
	[tilespmem:$0x10C80] =	vst v63  }
0x277: {  	_ =	swait.ge [sflag:s16], $0x2000  }
0x278: {  	[sflag:s16] =	ssyncset.done $0x0  }
0x279: {  	s23 =	simm.s32 $0x0;
	s1 =	simm.s32 $0x6C80;
	[sflag:s16] =	ssyncadd.s32 $0xFFFFE000  }
0x27a: {  	s24 =	simm.s32 $0xC3;
	v3 =	vadd.s32 s23, v1;
	v2 =	vld [tilespmem:s1+$0xFFFFFF80]  }
0x27b: {  	s31 =	simm.s32 $0x41;
	v5 =	vadd.s32 s24, v1;
	v4 =	vld [tilespmem:s1+$0x40]  }
0x27c: {  	v9 =	vadd.s32 s31, v1;
	v8 =	vld [tilespmem:s1+$0xFFFFFFC0]  }
0x27d: {  	s25 =	simm.s32 $0x82  }
0x27e: {  	s9 =	simm.s32 $0x186;
	v7 =	vadd.s32 s25, v1;
	s0 =	simm.s32 $0x6D80;
	v6 =	vld [tilespmem:s1+$0x0]  }
0x27f: {  	s4 =	simm.s32 $0x10;
	v12 =	vadd.s32 s9, v1;
	v11 =	vld [tilespmem:s0+$0x0];
	[tilespmem:v3+s17+$0x0] =	vst.idx.msk $0xffff, v2  }
0x280: {  	s5 =	simm.s32 $0xD3;
	v3 =	vadd.s32 s4, v1;
	[tilespmem:v5+s17+$0x0] =	vst.idx.msk $0xffff, v4;
	v2 =	vld [tilespmem:s1+$0xFFFFFF90]  }
0x281: {  	s8 =	simm.s32 $0x51;
	v5 =	vadd.s32 s5, v1;
	[tilespmem:v9+s17+$0x0] =	vst.idx.msk $0xffff, v8;
	v4 =	vld [tilespmem:s1+$0x50]  }
0x282: {  	s15 =	simm.s32 $0x145;
	v9 =	vadd.s32 s8, v1;
	v8 =	vld [tilespmem:s1+$0xFFFFFFD0]  }
0x283: {  	s14 =	simm.s32 $0x1C7;
	v15 =	vadd.s32 s15, v1;
	v10 =	vld [tilespmem:s0+$0xFFFFFFC0];
	[tilespmem:v7+s17+$0x0] =	vst.idx.msk $0xffff, v6  }
0x284: {  	s7 =	simm.s32 $0x92;
	[tilespmem:v12+s17+$0x0] =	vst.idx.msk $0xffff, v11;
	v11 =	vld [tilespmem:s0+$0x40];
	v12 =	vadd.s32 s14, v1  }
0x285: {  	s10 =	simm.s32 $0x20;
	v7 =	vadd.s32 s7, v1;
	v6 =	vld [tilespmem:s1+$0x10];
	[tilespmem:v3+s17+$0x0] =	vst.idx.msk $0xffff, v2  }
0x286: {  	s11 =	simm.s32 $0xE3;
	v3 =	vadd.s32 s10, v1;
	[tilespmem:v5+s17+$0x0] =	vst.idx.msk $0xffff, v4;
	v2 =	vld [tilespmem:s1+$0xFFFFFFA0]  }
0x287: {  	s12 =	simm.s32 $0x61;
	v5 =	vadd.s32 s11, v1;
	[tilespmem:v9+s17+$0x0] =	vst.idx.msk $0xffff, v8;
	v4 =	vld [tilespmem:s1+$0x60]  }
0x288: {  	s13 =	simm.s32 $0x104;
	[tilespmem:v15+s17+$0x0] =	vst.idx.msk $0xffff, v10;
	v9 =	vadd.s32 s12, v1;
	v8 =	vld [tilespmem:s1+$0xFFFFFFE0]  }
0x289: {  	v14 =	vadd.s32 s13, v1;
	v13 =	vld [tilespmem:s0+$0xFFFFFF80];
	[tilespmem:v12+s17+$0x0] =	vst.idx.msk $0xffff, v11  }
0x28a: {  	s4 =	simm.s32 $0xA2;
	v12 =	vld [tilespmem:s0+$0xFFFFFFD0];
	[tilespmem:v7+s17+$0x0] =	vst.idx.msk $0xffff, v6  }
0x28b: {  	s20 =	simm.s32 $0x30;
	v7 =	vadd.s32 s4, v1;
	v6 =	vld [tilespmem:s1+$0x20];
	[tilespmem:v3+s17+$0x0] =	vst.idx.msk $0xffff, v2  }
0x28c: {  	s22 =	simm.s32 $0xF3;
	v17 =	vadd.s32 s20, v1;
	[tilespmem:v5+s17+$0x0] =	vst.idx.msk $0xffff, v4;
	v16 =	vld [tilespmem:s1+$0xFFFFFFB0]  }
0x28d: {  	v19 =	vadd.s32 s22, v1;
	s23 =	simm.s32 $0x71;
	[tilespmem:v9+s17+$0x0] =	vst.idx.msk $0xffff, v8;
	v18 =	vld [tilespmem:s1+$0x70]  }
0x28e: {  	s24 =	simm.s32 $0x114;
	[tilespmem:v14+s17+$0x0] =	vst.idx.msk $0xffff, v13;
	v5 =	vadd.s32 s23, v1;
	v4 =	vld [tilespmem:s1+$0xFFFFFFF0]  }
0x28f: {  	s25 =	simm.s32 $0x1D7;
	v3 =	vld [tilespmem:s0+$0xFFFFFF90];
	v8 =	vadd.s32 s24, v1  }
0x290: {  	s31 =	simm.s32 $0x196;
	v11 =	vadd.s32 s25, v1;
	[tilespmem:v7+s17+$0x0] =	vst.idx.msk $0xffff, v6;
	v9 =	vld [tilespmem:s0+$0x50]  }
0x291: {  	s3 =	simm.s32 $0x1F7;
	s5 =	simm.s32 $0x155;
	v10 =	vadd.s32 s31, v1;
	s7 =	simm.s32 $0xB2;
	v7 =	vld [tilespmem:s0+$0x10];
	[tilespmem:v17+s17+$0x0] =	vst.idx.msk $0xffff, v16  }
0x292: {  	v13 =	vadd.s32 s5, v1;
	s5 =	simm.s32 $0x6E80;
	s4 =	simm.s32 $0x2FB;
	v6 =	vadd.s32 s7, v1;
	v2 =	vld [tilespmem:s1+$0x30];
	s1 =	simm.s32 $0x4;
	[tilespmem:v19+s17+$0x0] =	vst.idx.msk $0xffff, v18  }
.LBB2_6:
0x293: {  	v14 =	vld [tilespmem:s5+$0xFFFFFFC0];
	s7 =	sadd.s32 $0xFFFFFF4E, s4;
	s8 =	sadd.s32 $0xFFFFFF8F, s4;
	s1 =	sadd.s32 $0x4, s1;
	[tilespmem:v5+s17+$0x0] =	vst.idx.msk $0xffff, v4  }
0x294: {  	v15 =	vadd.s32 s7, v1;
	v4 =	vld [tilespmem:s5+$0x0];
	v5 =	vadd.s32 s8, v1;
	p0 =	slt.u32 s1, $0x7C;
	[tilespmem:v8+s17+$0x0] =	vst.idx.msk $0xffff, v3;
	s8 =	sadd.s32 $0xFFFFFF2D, s3;
	s7 =	smov.u32 s3  }
0x295: {  	s3 =	smov.u32 s4;
	v3 =	vld [tilespmem:s0+$0xFFFFFFA0];
	v8 =	vadd.s32 s8, v1;
	[tilespmem:v11+s17+$0x0] =	vst.idx.msk $0xffff, v9;
	s8 =	sadd.s32 $0xFFFFFFF0, s7  }
0x296: {  	s9 =	sadd.s32 $0xFFFFFFAF, s7;
	[tilespmem:v10+s17+$0x0] =	vst.idx.msk $0xffff, v7;
	v7 =	vld [tilespmem:s0+$0x60];
	v9 =	vadd.s32 s8, v1  }
0x297: {  	s8 =	sadd.s32 $0xFFFFFF6E, s7;
	v11 =	vadd.s32 s9, v1;
	[tilespmem:v13+s17+$0x0] =	vst.idx.msk $0xffff, v12;
	v10 =	vld [tilespmem:s0+$0x20]  }
0x298: {  	s9 =	sadd.s32 $0xFFFFFF0D, s4;
	v13 =	vadd.s32 s8, v1;
	v12 =	vld [tilespmem:s0+$0xFFFFFFE0];
	[tilespmem:v6+s17+$0x0] =	vst.idx.msk $0xffff, v2  }
0x299: {  	v16 =	vadd.s32 s9, v1;
	s8 =	sadd.s32 $0xFFFFFFD0, s4;
	v6 =	vld [tilespmem:s5+$0xFFFFFF80];
	[tilespmem:v5+s17+$0x0] =	vst.idx.msk $0xffff, v4  }
0x29a: {  	v18 =	vadd.s32 s8, v1;
	v17 =	vld [tilespmem:s5+$0x40];
	[tilespmem:v8+s17+$0x0] =	vst.idx.msk $0xffff, v3  }
0x29b: {  	s8 =	sadd.s32 $0xFFFFFF3D, s7;
	v19 =	vld [tilespmem:s0+$0xFFFFFFB0];
	[tilespmem:v9+s17+$0x0] =	vst.idx.msk $0xffff, v7  }
0x29c: {  	v20 =	vadd.s32 s8, v1;
	[tilespmem:v11+s17+$0x0] =	vst.idx.msk $0xffff, v10;
	v21 =	vld [tilespmem:s0+$0x70]  }
0x29d: {  	v22 =	vadd.s32 s7, v1;
	s8 =	sadd.s32 $0xFFFFFF7E, s7;
	[tilespmem:v13+s17+$0x0] =	vst.idx.msk $0xffff, v12;
	v2 =	vld [tilespmem:s0+$0x30]  }
.Ltmp5:
0x29e: {  	s9 =	sadd.s32 $0xFFFFFF1D, s4;
	v5 =	vadd.s32 s8, v1;
	[tilespmem:v16+s17+$0x0] =	vst.idx.msk $0xffff, v6;
	v4 =	vld [tilespmem:s0+$0xFFFFFFF0];
	s0 =	smov.u32 s5;
	(pc) =	sbr.rel @p0 .LBB2_6-.Ltmp5, $4  }
0x29f: {  	v8 =	vadd.s32 s9, v1;
	s8 =	sadd.s32 $0xFFFFFFE0, s4;
	v3 =	vld [tilespmem:s5+$0xFFFFFF90];
	[tilespmem:v18+s17+$0x0] =	vst.idx.msk $0xffff, v17  }
0x2a0: {  	s9 =	sadd.s32 $0xFFFFFF9F, s4;
	v11 =	vadd.s32 s8, v1;
	[tilespmem:v15+s17+$0x0] =	vst.idx.msk $0xffff, v14;
	v9 =	vld [tilespmem:s5+$0x50]  }
0x2a1: {  	s7 =	sadd.s32 $0xFFFFFFBF, s7;
	s8 =	sadd.s32 $0xFFFFFF5E, s4;
	v10 =	vadd.s32 s9, v1;
	v7 =	vld [tilespmem:s5+$0x10];
	[tilespmem:v20+s17+$0x0] =	vst.idx.msk $0xffff, v19  }
0x2a2: {  	s4 =	sadd.s32 $0x104, s4;
	v13 =	vadd.s32 s8, v1;
	v6 =	vadd.s32 s7, v1;
	s5 =	sadd.s32 $0x100, s5;
	v12 =	vld [tilespmem:s0+$0xFFFFFFD0];
	[tilespmem:v22+s17+$0x0] =	vst.idx.msk $0xffff, v21  }
0x2a3: {  	_ =	sdelay $0x3  }
0x2a4: {  	s1 =	sadd.s32 $0xFFFFFF2D, s3;
	[tilespmem:v8+s17+$0x0] =	vst.idx.msk $0xffff, v3  }
0x2a5: {  	s11 =	sadd.s32 $0xFFFFFFF0, s3;
	v8 =	vadd.s32 s1, v1;
	v3 =	vld [tilespmem:s0+$0xFFFFFFA0];
	[tilespmem:v11+s17+$0x0] =	vst.idx.msk $0xffff, v9  }
0x2a6: {  	s4 =	sadd.s32 $0xFFFFFFAF, s3;
	v11 =	vadd.s32 s11, v1;
	v9 =	vld [tilespmem:s0+$0x60];
	[tilespmem:v10+s17+$0x0] =	vst.idx.msk $0xffff, v7  }
0x2a7: {  	s12 =	sadd.s32 $0xFFFFFF6E, s3;
	[tilespmem:v13+s17+$0x0] =	vst.idx.msk $0xffff, v12;
	v12 =	vld [tilespmem:s0+$0x20];
	v13 =	vadd.s32 s4, v1  }
0x2a8: {  	v10 =	vadd.s32 s12, v1;
	v60 =	vld [tilespmem:s0+$0xFFFFFFE0]  }
0x2a9: {  	[tilespmem:v5+s17+$0x0] =	vst.idx.msk $0xffff, v4  }
0x2aa: {  	s13 =	sadd.s32 $0xFFFFFF3D, s3;
	[tilespmem:v8+s17+$0x0] =	vst.idx.msk $0xffff, v3  }
0x2ab: {  	v8 =	vld [tilespmem:s0+$0xFFFFFFB0];
	[tilespmem:v11+s17+$0x0] =	vst.idx.msk $0xffff, v9;
	v9 =	vadd.s32 s13, v1  }
0x2ac: {  	v61 =	vadd.s32 s3, v1;
	s15 =	sadd.s32 $0xFFFFFFBF, s3;
	v11 =	vld [tilespmem:s0+$0x70];
	[tilespmem:v13+s17+$0x0] =	vst.idx.msk $0xffff, v12  }
0x2ad: {  	s14 =	sadd.s32 $0xFFFFFF7E, s3;
	v5 =	vadd.s32 s15, v1;
	v3 =	vmul.u32 $0x41, v1;
	[tilespmem:v10+s17+$0x0] =	vst.idx.msk $0xffff, v60;
	v4 =	vld [tilespmem:s0+$0x30]  }
0x2ae: {  	s5 =	simm.s32 $0x0;
	v12 =	vadd.s32 s14, v1;
	v10 =	vld [tilespmem:s0+$0xFFFFFFF0]  }
0x2af: {  	[tilespmem:v6+s17+$0x0] =	vst.idx.msk $0xffff, v2;
	s20 =	simm.s32 $0x1;
	v2 =	vadd.s32 s5, v3  }
0x2b0: {  	v62 =	vadd.s32 s20, v3;
	[tilespmem:v9+s17+$0x0] =	vst.idx.msk $0xffff, v8  }
0x2b1: {  	[tilespmem:v61+s17+$0x0] =	vst.idx.msk $0xffff, v11  }
0x2b2: {  	[tilespmem:v5+s17+$0x0] =	vst.idx.msk $0xffff, v4  }
0x2b3: {  	[tilespmem:v12+s17+$0x0] =	vst.idx.msk $0xffff, v10  }
0x2b4: {  	s22 =	simm.s32 $0x410;
	v2 =	vld.idx.msk [tilespmem:v2+s17+$0x0], $0xffff  }
0x2b5: {  	s23 =	simm.s32 $0x411;
	v5 =	vadd.s32 s22, v3;
	v4 =	vld.idx.msk [tilespmem:v62+s17+$0x0], $0xffff  }
0x2b6: {  	p3 =	por $0x1, $0x1;
	v63 =	vadd.s32 s23, v3  }
.Ltmp6:
0x2b7: {  	s24 =	simm.s32 $0x80;
	s25 =	simm.s32 $0x0;
	(pc) =	sbr.rel @!p3 .LBB2_8-.Ltmp6, $4  }
0x2b8: {  	s3 =	sand.u32 $0x1C00, s25;
	s1 =	sand.u32 $0x380, s24;
	s0 =	simm.s32 $0xCCC0  }
0x2b9: {  	s3 =	sor.u32 s1, s3;
	[tilespmem:s0+$0xFFFFFFC0] =	vst v2  }
0x2ba: {  	s8 =	simm.s32 $0x2;
	s31 =	simm.s32 $0x820;
	p0 =	por $0x0, $0x0;
	[tilespmem:s3+$0xCC80] =	vst v4;
	v11 =	vld.idx.msk [tilespmem:v5+s17+$0x0], $0xffff  }
0x2bb: {  	p1 =	por $0x0, $0x0;
	p2 =	por $0x0, $0x0;
	v21 =	vadd.s32 s31, v3;
	s22 =	simm.s32 $0x821;
	v14 =	vld.idx.msk [tilespmem:v63+s17+$0x0], $0xffff  }
0x2bc: {  	v6 =	vmul.u32 $0x41, v1  }
0x2bd: {  	v2 =	vadd.s32 s22, v3  }
0x2be: {  	s1 =	simm.s32 $0x3;
	v4 =	vadd.s32 s8, v6  }
0x2bf: {  	v5 =	vadd.s32 s1, v6  }
0x2c0: {  	[tilespmem:s0+$0xFFFFFFD0] =	vst v11  }
0x2c1: {  	s14 =	simm.s32 $0xC30;
	v7 =	vld.idx.msk [tilespmem:v21+s17+$0x0], $0xffff;
	[tilespmem:s3+$0xCC90] =	vst v14  }
0x2c2: {  	s15 =	simm.s32 $0xC31;
	v8 =	vadd.s32 s14, v3;
	v2 =	vld.idx.msk [tilespmem:v2+s17+$0x0], $0xffff  }
0x2c3: {  	s4 =	simm.s32 $0x412;
	v9 =	vadd.s32 s15, v3;
	v4 =	vld.idx.msk [tilespmem:v4+s17+$0x0], $0xffff  }
0x2c4: {  	s20 =	simm.s32 $0x413;
	v11 =	vadd.s32 s4, v6;
	v5 =	vld.idx.msk [tilespmem:v5+s17+$0x0], $0xffff  }
0x2c5: {  	p3 =	por $0x1, $0x1;
	v13 =	vadd.s32 s20, v6  }
.Ltmp7:
0x2c6: {  	s22 =	simm.s32 $0x180;
	s23 =	simm.s32 $0x100;
	[tilespmem:s0+$0xFFFFFFE0] =	vst v7;
	(pc) =	sbr.rel @!p3 .LBB2_10-.Ltmp7, $4  }
0x2c7: {  	s11 =	simm.s32 $0xCDC0;
	s1 =	sand.u32 $0x380, s22;
	s4 =	sand.u32 $0x1C00, s23;
	v10 =	vld.idx.msk [tilespmem:v8+s17+$0x0], $0xffff;
	[tilespmem:s3+$0xCCA0] =	vst v2  }
0x2c8: {  	s12 =	sor.u32 s1, s4;
	v12 =	vld.idx.msk [tilespmem:v9+s17+$0x0], $0xffff;
	[tilespmem:s11+$0xFFFFFFC0] =	vst v4  }
0x2c9: {  	s24 =	simm.s32 $0x822;
	s25 =	simm.s32 $0x1040;
	s7 =	simm.s32 $0x1041;
	[tilespmem:s12+$0xCC80] =	vst v5;
	v11 =	vld.idx.msk [tilespmem:v11+s17+$0x0], $0xffff  }
0x2ca: {  	s31 =	simm.s32 $0x4;
	p0 =	por $0x1, $0x1;
	v20 =	vadd.s32 s25, v3;
	v19 =	vadd.s32 s7, v3;
	v21 =	vadd.s32 s24, v6;
	s1 =	simm.s32 $0x823;
	v14 =	vld.idx.msk [tilespmem:v13+s17+$0x0], $0xffff  }
0x2cb: {  	_ = 	snop  }
0x2cc: {  	v2 =	vmul.u32 $0x41, v1  }
0x2cd: {  	v4 =	vadd.s32 s1, v6  }
0x2ce: {  	s25 =	simm.s32 $0x5;
	[tilespmem:s0+$0xFFFFFFF0] =	vst v10;
	v5 =	vadd.s32 s31, v2  }
0x2cf: {  	s4 =	simm.s32 $0x1450;
	v7 =	vadd.s32 s25, v2;
	v8 =	vld.idx.msk [tilespmem:v20+s17+$0x0], $0xffff;
	[tilespmem:s3+$0xCCB0] =	vst v12  }
0x2d0: {  	s7 =	simm.s32 $0x1451;
	v10 =	vadd.s32 s4, v3;
	[tilespmem:s11+$0xFFFFFFD0] =	vst v11;
	v9 =	vld.idx.msk [tilespmem:v19+s17+$0x0], $0xffff  }
0x2d1: {  	s4 =	simm.s32 $0xC32;
	v12 =	vadd.s32 s7, v3;
	v11 =	vld.idx.msk [tilespmem:v21+s17+$0x0], $0xffff;
	[tilespmem:s12+$0xCC90] =	vst v14  }
0x2d2: {  	s9 =	simm.s32 $0xC33;
	v13 =	vadd.s32 s4, v6;
	v4 =	vld.idx.msk [tilespmem:v4+s17+$0x0], $0xffff  }
0x2d3: {  	s10 =	simm.s32 $0x414;
	v15 =	vadd.s32 s9, v6;
	v14 =	vld.idx.msk [tilespmem:v5+s17+$0x0], $0xffff  }
0x2d4: {  	s13 =	simm.s32 $0x415;
	v17 =	vadd.s32 s10, v2;
	v16 =	vld.idx.msk [tilespmem:v7+s17+$0x0], $0xffff;
	[tilespmem:s0+$0x0] =	vst v8  }
0x2d5: {  	p3 =	por $0x1, $0x1;
	v18 =	vadd.s32 s13, v2;
	v5 =	vld.idx.msk [tilespmem:v10+s17+$0x0], $0xffff;
	[tilespmem:s3+$0xCCC0] =	vst v9  }
.Ltmp8:
0x2d6: {  	s14 =	simm.s32 $0x280;
	s15 =	simm.s32 $0x200;
	[tilespmem:s11+$0xFFFFFFE0] =	vst v11;
	v7 =	vld.idx.msk [tilespmem:v12+s17+$0x0], $0xffff;
	(pc) =	sbr.rel @!p3 .LBB2_12-.Ltmp8, $4  }
0x2d7: {  	s1 =	sand.u32 $0x380, s14;
	s4 =	sand.u32 $0x1C00, s15;
	s13 =	simm.s32 $0xCEC0;
	v10 =	vld.idx.msk [tilespmem:v13+s17+$0x0], $0xffff;
	[tilespmem:s12+$0xCCA0] =	vst v4  }
0x2d8: {  	s23 =	simm.s32 $0x1042;
	s24 =	simm.s32 $0x1043;
	s25 =	sor.u32 s1, s4;
	v12 =	vld.idx.msk [tilespmem:v15+s17+$0x0], $0xffff;
	[tilespmem:s13+$0xFFFFFFC0] =	vst v14  }
0x2d9: {  	s20 =	simm.s32 $0x1861;
	s9 =	simm.s32 $0x1860;
	s7 =	simm.s32 $0x824;
	v20 =	vadd.s32 s23, v6;
	v19 =	vadd.s32 s24, v6;
	[tilespmem:s25+$0xCC80] =	vst v16;
	v11 =	vld.idx.msk [tilespmem:v17+s17+$0x0], $0xffff  }
0x2da: {  	s22 =	simm.s32 $0x825;
	p1 =	por $0x1, $0x1;
	v21 =	vadd.s32 s7, v2;
	v8 =	vadd.s32 s9, v3;
	s9 =	simm.s32 $0x6;
	v9 =	vadd.s32 s20, v3;
	v14 =	vld.idx.msk [tilespmem:v18+s17+$0x0], $0xffff  }
0x2db: {  	_ =	sdelay $0x2  }
0x2dc: {  	v4 =	vmul.u32 $0x41, v1;
	[tilespmem:s0+$0x10] =	vst v5  }
0x2dd: {  	v13 =	vadd.s32 s22, v2;
	[tilespmem:s3+$0xCCD0] =	vst v7;
	v15 =	vld.idx.msk [tilespmem:v8+s17+$0x0], $0xffff  }
0x2de: {  	s1 =	simm.s32 $0x7;
	[tilespmem:s11+$0xFFFFFFF0] =	vst v10;
	v10 =	vld.idx.msk [tilespmem:v9+s17+$0x0], $0xffff;
	v16 =	vadd.s32 s9, v4  }
0x2df: {  	s10 =	simm.s32 $0x1C70;
	v17 =	vadd.s32 s1, v4;
	v18 =	vld.idx.msk [tilespmem:v20+s17+$0x0], $0xffff;
	[tilespmem:s12+$0xCCB0] =	vst v12  }
0x2e0: {  	s4 =	simm.s32 $0x1452;
	v12 =	vadd.s32 s10, v3;
	[tilespmem:s13+$0xFFFFFFD0] =	vst v11;
	v11 =	vld.idx.msk [tilespmem:v19+s17+$0x0], $0xffff  }
0x2e1: {  	s14 =	simm.s32 $0x1453;
	v19 =	vld.idx.msk [tilespmem:v21+s17+$0x0], $0xffff;
	[tilespmem:s25+$0xCC90] =	vst v14;
	v14 =	vadd.s32 s4, v6  }
0x2e2: {  	s15 =	simm.s32 $0xC34;
	v21 =	vadd.s32 s14, v6;
	v20 =	vld.idx.msk [tilespmem:v13+s17+$0x0], $0xffff  }
0x2e3: {  	s20 =	simm.s32 $0xC35;
	v22 =	vadd.s32 s15, v2;
	[tilespmem:s0+$0x20] =	vst v15;
	v16 =	vld.idx.msk [tilespmem:v16+s17+$0x0], $0xffff  }
0x2e4: {  	s22 =	simm.s32 $0x416;
	v24 =	vadd.s32 s20, v2;
	[tilespmem:s3+$0xCCE0] =	vst v10;
	v23 =	vld.idx.msk [tilespmem:v17+s17+$0x0], $0xffff  }
0x2e5: {  	s23 =	simm.s32 $0x417;
	s7 =	simm.s32 $0x380;
	v25 =	vadd.s32 s22, v4;
	[tilespmem:s11+$0x0] =	vst v18;
	v26 =	vld.idx.msk [tilespmem:v12+s17+$0x0], $0xffff  }
0x2e6: {  	s24 =	simm.s32 $0x826;
	p3 =	por $0x1, $0x1;
	s15 =	sand.u32 $0x380, s7;
	v27 =	vadd.s32 s23, v4;
	[tilespmem:s12+$0xCCC0] =	vst v11;
	v13 =	vld.idx.msk [tilespmem:v14+s17+$0x0], $0xffff  }
.Ltmp9:
0x2e7: {  	s22 =	simm.s32 $0x1C71;
	s10 =	simm.s32 $0x300;
	[tilespmem:s13+$0xFFFFFFE0] =	vst v19;
	v15 =	vld.idx.msk [tilespmem:v21+s17+$0x0], $0xffff;
	(pc) =	sbr.rel @!p3 .LBB2_14-.Ltmp9, $4  }
0x2e8: {  	s20 =	simm.s32 $0xCFC0;
	s23 =	simm.s32 $0x1862;
	s10 =	sand.u32 $0x1C00, s10;
	v17 =	vadd.s32 s22, v3;
	v10 =	vld.idx.msk [tilespmem:v22+s17+$0x0], $0xffff;
	[tilespmem:s25+$0xCCA0] =	vst v20  }
0x2e9: {  	p2 =	por $0x1, $0x1;
	s4 =	simm.s32 $0x1863;
	v21 =	vadd.s32 s24, v4;
	s24 =	sor.u32 s15, s10;
	v12 =	vld.idx.msk [tilespmem:v24+s17+$0x0], $0xffff;
	[tilespmem:s20+$0xFFFFFFC0] =	vst v16;
	v16 =	vadd.s32 s23, v6  }
0x2ea: {  	s14 =	simm.s32 $0x827;
	s22 =	simm.s32 $0x1044;
	v18 =	vadd.s32 s4, v6;
	[tilespmem:s24+$0xCC80] =	vst v23;
	s23 =	simm.s32 $0x1045;
	v11 =	vld.idx.msk [tilespmem:v25+s17+$0x0], $0xffff  }
0x2eb: {  	s4 =	smov.u32 s3;
	s15 =	simm.s32 $0x8;
	s10 =	simm.s32 $0xCFC0;
	v20 =	vadd.s32 s22, v2;
	[tilespmem:s0+$0x30] =	vst v26;
	v14 =	vld.idx.msk [tilespmem:v27+s17+$0x0], $0xffff;
	v19 =	vadd.s32 s23, v2  }
.LBB2_15:
0x2ec: {  	s22 =	sadd.s32 $0x821, s15  }
0x2ed: {  	v22 =	vmul.u32 $0x41, v1;
	p3 =	slt.u32 s15, $0x3E;
	[tilespmem:s11+$0x10] =	vst v13;
	v13 =	vld.idx.msk [tilespmem:v17+s17+$0x0], $0xffff;
	s1 =	smov.u32 s15;
	s15 =	sadd.s32 $0x2, s15  }
0x2ee: {  	v17 =	vadd.s32 s14, v4;
	s23 =	sadd.s32 $0x820, s1;
	v16 =	vld.idx.msk [tilespmem:v16+s17+$0x0], $0xffff;
	[tilespmem:s12+$0xCCD0] =	vst v15;
	s14 =	smov.u32 s22  }
0x2ef: {  	s22 =	sadd.s32 $0x1, s1;
	v15 =	vadd.s32 s1, v22;
	v23 =	vadd.s32 s23, v22;
	[tilespmem:s13+$0xFFFFFFF0] =	vst v10;
	v10 =	vld.idx.msk [tilespmem:v18+s17+$0x0], $0xffff  }
0x2f0: {  	v18 =	vadd.s32 s22, v22;
	s22 =	sadd.s32 $0x1C70, s8;
	v20 =	vld.idx.msk [tilespmem:v20+s17+$0x0], $0xffff;
	[tilespmem:s25+$0xCCB0] =	vst v12  }
0x2f1: {  	s23 =	sadd.s32 $0x1450, s31;
	v12 =	vadd.s32 s22, v6;
	[tilespmem:s20+$0xFFFFFFD0] =	vst v11;
	v11 =	vld.idx.msk [tilespmem:v19+s17+$0x0], $0xffff  }
0x2f2: {  	s22 =	sadd.s32 $0x1451, s31;
	v19 =	vld.idx.msk [tilespmem:v21+s17+$0x0], $0xffff;
	[tilespmem:s24+$0xCC90] =	vst v14;
	v14 =	vadd.s32 s23, v2;
	v21 =	vmov v23  }
0x2f3: {  	v24 =	vadd.s32 s22, v2;
	s23 =	sadd.s32 $0xC30, s9;
	v23 =	vld.idx.msk [tilespmem:v17+s17+$0x0], $0xffff;
	[tilespmem:s4+$0xCCF0] =	vst v13;
	s4 =	smov.u32 s12;
	s12 =	smov.u32 s25  }
0x2f4: {  	s22 =	sadd.s32 $0xC31, s9;
	v26 =	vadd.s32 s23, v4;
	s25 =	smov.u32 s24;
	v25 =	vld.idx.msk [tilespmem:v15+s17+$0x0], $0xffff;
	[tilespmem:s11+$0x20] =	vst v16  }
0x2f5: {  	s23 =	sadd.s32 $0x410, s1;
	v27 =	vld.idx.msk [tilespmem:v18+s17+$0x0], $0xffff;
	v18 =	vadd.s32 s22, v4;
	[tilespmem:s4+$0xCCE0] =	vst v10  }
0x2f6: {  	v28 =	vadd.s32 s23, v22;
	s23 =	sadd.s32 $0x1C71, s8;
	s8 =	smov.u32 s31;
	s22 =	sadd.s32 $0x411, s1;
	[tilespmem:s13+$0x0] =	vst v20;
	v29 =	vld.idx.msk [tilespmem:v12+s17+$0x0], $0xffff  }
0x2f7: {  	s7 =	sadd.s32 $0x100, s7;
	s31 =	smov.u32 s9;
	v17 =	vadd.s32 s23, v6;
	v6 =	vmovc v2;
	v2 =	vmovc v4;
	v4 =	vmov v22;
	v30 =	vadd.s32 s22, v22;
	s22 =	sadd.s32 $0x1861, s8;
	v13 =	vld.idx.msk [tilespmem:v14+s17+$0x0], $0xffff;
	[tilespmem:s12+$0xCCC0] =	vst v11  }
.Ltmp10:
0x2f8: {  	s9 =	sadd.s32 $0xFFFFFF80, s7;
	s23 =	sadd.s32 $0x1860, s8;
	[tilespmem:s20+$0xFFFFFFE0] =	vst v19;
	v15 =	vld.idx.msk [tilespmem:v24+s17+$0x0], $0xffff;
	(pc) =	sbr.rel @p3 .LBB2_15-.Ltmp10, $4  }
0x2f9: {  	s24 =	sand.u32 $0x380, s7;
	s9 =	sand.u32 $0x1C00, s9;
	v16 =	vadd.s32 s23, v6;
	s20 =	sadd.s32 $0x100, s20;
	v10 =	vld.idx.msk [tilespmem:v26+s17+$0x0], $0xffff;
	[tilespmem:s25+$0xCCA0] =	vst v23  }
0x2fa: {  	s24 =	sor.u32 s24, s9;
	s23 =	sadd.s32 $0x1040, s31;
	s9 =	smov.u32 s1;
	[tilespmem:s20+$0xFFFFFFC0] =	vst v25;
	v12 =	vld.idx.msk [tilespmem:v18+s17+$0x0], $0xffff;
	v18 =	vadd.s32 s22, v6  }
0x2fb: {  	s1 =	sadd.s32 $0x1041, s31;
	v20 =	vadd.s32 s23, v2;
	v11 =	vld.idx.msk [tilespmem:v28+s17+$0x0], $0xffff;
	[tilespmem:s24+$0xCC80] =	vst v27  }
0x2fc: {  	v19 =	vadd.s32 s1, v2;
	v14 =	vld.idx.msk [tilespmem:v30+s17+$0x0], $0xffff;
	[tilespmem:s11+$0x30] =	vst v29;
	s11 =	smov.u32 s13;
	s13 =	smov.u32 s10;
	s10 =	smov.u32 s20  }
0x2fd: {  	s7 =	smov.u32 s11  }
0x2fe: {  	s15 =	smov.u32 s13;
	s23 =	smov.u32 s25;
	s1 =	smov.u32 s31  }
0x2ff: {  	s22 =	smov.u32 s14;
	s14 =	smov.u32 s12;
	s13 =	smov.u32 s20  }
0x300: {  	v24 =	vmov v2;
	v23 =	vmov v6;
	s25 =	smov.u32 s24;
	s31 =	smov.u32 s9;
	s11 =	smov.u32 s10;
	v2 =	vmov v22  }
.LBB2_17:
0x301: {  	v6 =	vadd.s32 s22, v4;
	_ =	sdelay $0x2  }
0x302: {  	[tilespmem:s13+$0xFFFFFFD0] =	vst v11  }
0x303: {  	[tilespmem:s25+$0xCC90] =	vst v14;
	s9 =	sadd.s32 $0xC30, s31;
	v11 =	vld.idx.msk [tilespmem:v21+s17+$0x0], $0xffff  }
0x304: {  	s10 =	sadd.s32 $0xC31, s31;
	v14 =	vadd.s32 s9, v4;
	v6 =	vld.idx.msk [tilespmem:v6+s17+$0x0], $0xffff  }
0x305: {  	v58 =	vadd.s32 s10, v4;
	_ =	sdelay $0x2  }
0x306: {  	[tilespmem:s13+$0xFFFFFFE0] =	vst v11  }
0x307: {  	s12 =	sadd.s32 $0x1040, s31;
	v11 =	vld.idx.msk [tilespmem:v14+s17+$0x0], $0xffff;
	[tilespmem:s25+$0xCCA0] =	vst v6  }
0x308: {  	s13 =	sadd.s32 $0x1041, s31;
	v14 =	vadd.s32 s12, v4;
	v6 =	vld.idx.msk [tilespmem:v58+s17+$0x0], $0xffff  }
0x309: {  	[tilespmem:s15+$0xFFFFFFF0] =	vst @p0 v10;
	v10 =	vadd.s32 s13, v4  }
0x30a: {  	[tilespmem:s23+$0xCCB0] =	vst @p0 v12;
	v20 =	vld.idx.msk @p0 [tilespmem:v20+s17+$0x0], $0xffff;
	s9 =	sadd.s32 @p0 $0x1450, s1  }
0x30b: {  	v12 =	vld.idx.msk @p0 [tilespmem:v19+s17+$0x0], $0xffff;
	v19 =	vadd.s32 @p0 s9, v24;
	s9 =	sadd.s32 @p0 $0x1451, s1  }
0x30c: {  	[tilespmem:s11+$0xFFFFFFF0] =	vst v11;
	v11 =	vadd.s32 @p0 s9, v24  }
0x30d: {  	s20 =	sadd.s32 $0x1450, s31;
	v14 =	vld.idx.msk [tilespmem:v14+s17+$0x0], $0xffff;
	[tilespmem:s25+$0xCCB0] =	vst v6  }
0x30e: {  	s22 =	sadd.s32 $0x1451, s31;
	v6 =	vld.idx.msk [tilespmem:v10+s17+$0x0], $0xffff;
	v10 =	vadd.s32 s20, v4  }
0x30f: {  	v17 =	vld.idx.msk @p2 [tilespmem:v17+s17+$0x0], $0xffff;
	s10 =	smov.u32 @p0 s23;
	v59 =	vadd.s32 s22, v4;
	[tilespmem:s15+$0x0] =	vst @p0 v20  }
0x310: {  	[tilespmem:s10+$0xCCC0] =	vst @p0 v12;
	v12 =	vmov @p0 v24;
	v19 =	vld.idx.msk @p0 [tilespmem:v19+s17+$0x0], $0xffff;
	s9 =	sadd.s32 @p0 $0x1860, s1  }
0x311: {  	[tilespmem:s7+$0x10] =	vst @p1 v13;
	s12 =	sadd.s32 @p0 $0x1861, s1;
	v13 =	vadd.s32 @p0 s9, v12;
	v11 =	vld.idx.msk @p0 [tilespmem:v11+s17+$0x0], $0xffff  }
0x312: {  	v21 =	vadd.s32 @p0 s12, v12;
	v8 =	vpsel p0, v13, v8;
	[tilespmem:s11+$0x0] =	vst v14  }
0x313: {  	s23 =	sadd.s32 $0x1860, s31;
	v9 =	vpsel p0, v21, v9;
	v10 =	vld.idx.msk [tilespmem:v10+s17+$0x0], $0xffff;
	[tilespmem:s25+$0xCCC0] =	vst v6  }
0x314: {  	[tilespmem:s14+$0xCCD0] =	vst @p1 v15;
	s24 =	sadd.s32 $0x1861, s31;
	s12 =	smov.u32 @p0 s15;
	v13 =	vadd.s32 s23, v4;
	v6 =	vld.idx.msk [tilespmem:v59+s17+$0x0], $0xffff  }
0x315: {  	v15 =	vadd.s32 s24, v4;
	[tilespmem:s4+$0xCCF0] =	vst @p2 v17;
	s4 =	sadd.s32 @p1 $0x1C71, s8;
	s0 =	smov.u32 @p0 s12;
	v5 =	vpsel p0, v19, v5;
	s9 =	sadd.s32 @p1 $0x1C70, s8;
	v14 =	vld.idx.msk @p1 [tilespmem:v16+s17+$0x0], $0xffff  }
0x316: {  	s5 =	smov.u32 @p0 s1;
	s3 =	smov.u32 @p0 s10;
	[tilespmem:s0+$0x10] =	vst @p0 v5;
	v17 =	vadd.s32 @p1 s9, v23;
	v16 =	vld.idx.msk @p1 [tilespmem:v18+s17+$0x0], $0xffff;
	v18 =	vadd.s32 @p1 s4, v23;
	v7 =	vpsel p0, v11, v7  }
0x317: {  	v3 =	vpsel p0, v12, v3;
	s1 =	sadd.s32 @p0 $0x1C70, s5;
	s4 =	sadd.s32 @p0 $0x1C71, s5;
	v5 =	vpsel p1, v18, v0;
	v8 =	vld.idx.msk @p0 [tilespmem:v8+s17+$0x0], $0xffff;
	[tilespmem:s3+$0xCCD0] =	vst @p0 v7  }
0x318: {  	v7 =	vld.idx.msk @p0 [tilespmem:v9+s17+$0x0], $0xffff;
	v9 =	vadd.s32 @p0 s1, v3;
	v3 =	vadd.s32 @p0 s4, v3;
	[tilespmem:s11+$0x10] =	vst v10  }
0x319: {  	s13 =	sadd.s32 $0x1C70, s31;
	v3 =	vpsel p0, v3, v0;
	v10 =	vld.idx.msk [tilespmem:v13+s17+$0x0], $0xffff;
	[tilespmem:s25+$0xCCD0] =	vst v6  }
0x31a: {  	v11 =	vadd.s32 s13, v4;
	[tilespmem:s7+$0x20] =	vst @p1 v14;
	s4 =	smov.u32 @p1 s14;
	s14 =	sadd.s32 $0x1C71, s31;
	v6 =	vld.idx.msk [tilespmem:v15+s17+$0x0], $0xffff  }
0x31b: {  	v12 =	vld.idx.msk @p1 [tilespmem:v17+s17+$0x0], $0xffff;
	[tilespmem:s4+$0xCCE0] =	vst @p1 v16;
	v4 =	vadd.s32 s14, v4  }
0x31c: {  	s1 =	smov.u32 @p0 s3;
	[tilespmem:s0+$0x20] =	vst @p0 v8;
	v5 =	vld.idx.msk @p1 [tilespmem:v5+s17+$0x0], $0xffff  }
0x31d: {  	[tilespmem:s1+$0xCCE0] =	vst @p0 v7;
	v7 =	vld.idx.msk @p0 [tilespmem:v9+s17+$0x0], $0xffff  }
0x31e: {  	v3 =	vld.idx.msk @p0 [tilespmem:v3+s17+$0x0], $0xffff;
	[tilespmem:s11+$0x20] =	vst v10  }
0x31f: {  	[tilespmem:s25+$0xCCE0] =	vst v6;
	v6 =	vld.idx.msk [tilespmem:v11+s17+$0x0], $0xffff  }
0x320: {  	s3 =	smov.u32 @p1 s4;
	[tilespmem:s7+$0x30] =	vst @p1 v12;
	v4 =	vld.idx.msk [tilespmem:v4+s17+$0x0], $0xffff  }
0x321: {  	[tilespmem:s3+$0xCCF0] =	vst @p1 v5  }
0x322: {  	[tilespmem:s0+$0x30] =	vst @p0 v7;
	s0 =	smov.u32 @p0 s1  }
0x323: {  	[tilespmem:s0+$0xCCF0] =	vst @p0 v3  }
0x324: {  	p0 =	seq.s32 s29, $0x0;
	[tilespmem:s11+$0x30] =	vst v6  }
0x325: {  	s15 =	sshll.u32 s29, $0x15;
	s0 =	simm.s32 @!p0 $0x3;
	[tilespmem:s25+$0xCCF0] =	vst v4  }
0x326: {  	s22 =	simm.s32 $0xCC80;
	s1 =	sadd.s32 s28, s15;
	_ =	swait.ge @!p0 [sflag:s0], $0x2000  }
0x327: {  	p1 =	seq.s32 s29, $0x31;
	s1 =	sshrl.u32 s1, $0x3;
	[sflag:s0] =	ssyncset.done @!p0 $0x0  }
0x328: {  	s20 =	sadd.s32 s18, s1;
	[sflag:s0] =	ssyncadd.s32 @!p0 $0xFFFFE000;
	s0 =	sshll.u32 @!p1 s29, $0x8  }
0x329: {  	[hbm4b:s20+s26] =	stream.strided.scatter [tilespmem:s22], [sflag:$0x3], $0x2000, s19, s26, $0x38;
	[tilespmem:$0x10C80] =	vst v63  }
0x32a: {  	s0 =	sand.u32 @!p1 $0x3FFFFF00, s0  }
0x32b: {  	s3 =	simm.s32 @!p1 $0x6C00;
	s1 =	simm.s32 @!p1 $0x80;
	s0 =	sadd.s32 @!p1 $0x3B00, s0  }
0x32c: {  	[tilespmem:s3], [sflag:$0x1] =	stream.indirect.gather @!p1 [hbm4b:s6+s1], $0x40, s0, s1, $0xb8;
	[tilespmem:$0x10C80] =	vst v63  }
0x32d: {  	_ =	swait.ge [sflag:s21], $0x2000  }
0x32e: {  	[sflag:s21] =	ssyncset.done $0x0  }
0x32f: {  	s24 =	simm.s32 $0x0;
	s23 =	simm.s32 $0x8CF0;
	[sflag:s21] =	ssyncadd.s32 $0xFFFFE000  }
0x330: {  	v4 =	vadd.s32 s24, v1;
	s25 =	simm.s32 $0xC3;
	v3 =	vld [tilespmem:s23+$0xFFFFFF10]  }
0x331: {  	v6 =	vadd.s32 s25, v1;
	s26 =	simm.s32 $0x82;
	v5 =	vld [tilespmem:s23+$0xFFFFFFD0]  }
0x332: {  	s31 =	simm.s32 $0x41;
	v8 =	vadd.s32 s26, v1;
	v7 =	vld [tilespmem:s23+$0xFFFFFF90]  }
0x333: {  	v10 =	vadd.s32 s31, v1;
	v9 =	vld [tilespmem:s23+$0xFFFFFF50];
	_ =	sdelay $0x1  }
0x334: {  	s3 =	simm.s32 $0x10;
	[tilespmem:v4+s17+$0x0] =	vst.idx.msk $0xffff, v3  }
0x335: {  	s4 =	simm.s32 $0xD3;
	v4 =	vadd.s32 s3, v1;
	[tilespmem:v6+s17+$0x0] =	vst.idx.msk $0xffff, v5;
	v3 =	vld [tilespmem:s23+$0xFFFFFF20]  }
0x336: {  	s5 =	simm.s32 $0x92;
	[tilespmem:v8+s17+$0x0] =	vst.idx.msk $0xffff, v7;
	v6 =	vadd.s32 s4, v1;
	v5 =	vld [tilespmem:s23+$0xFFFFFFE0]  }
0x337: {  	s7 =	simm.s32 $0x51;
	[tilespmem:v10+s17+$0x0] =	vst.idx.msk $0xffff, v9;
	v8 =	vadd.s32 s5, v1;
	v7 =	vld [tilespmem:s23+$0xFFFFFFA0]  }
0x338: {  	s0 =	simm.s32 $0x8DF0;
	v10 =	vadd.s32 s7, v1;
	v9 =	vld [tilespmem:s23+$0xFFFFFF60]  }
0x339: {  	s8 =	simm.s32 $0x186;
	v11 =	vld [tilespmem:s0+$0xFFFFFF50]  }
0x33a: {  	s9 =	simm.s32 $0x20;
	v13 =	vadd.s32 s8, v1;
	v12 =	vld [tilespmem:s0+$0xFFFFFF90];
	[tilespmem:v4+s17+$0x0] =	vst.idx.msk $0xffff, v3  }
0x33b: {  	s10 =	simm.s32 $0xE3;
	v4 =	vadd.s32 s9, v1;
	[tilespmem:v6+s17+$0x0] =	vst.idx.msk $0xffff, v5;
	v3 =	vld [tilespmem:s23+$0xFFFFFF30]  }
0x33c: {  	s11 =	simm.s32 $0xA2;
	[tilespmem:v8+s17+$0x0] =	vst.idx.msk $0xffff, v7;
	v6 =	vadd.s32 s10, v1;
	v5 =	vld [tilespmem:s23+$0xFFFFFFF0]  }
0x33d: {  	s12 =	simm.s32 $0x61;
	[tilespmem:v10+s17+$0x0] =	vst.idx.msk $0xffff, v9;
	v8 =	vadd.s32 s11, v1;
	v7 =	vld [tilespmem:s23+$0xFFFFFFB0]  }
0x33e: {  	s13 =	simm.s32 $0x104;
	v10 =	vadd.s32 s12, v1;
	v9 =	vld [tilespmem:s23+$0xFFFFFF70]  }
0x33f: {  	s14 =	simm.s32 $0x1C7;
	v15 =	vadd.s32 s13, v1;
	v14 =	vld [tilespmem:s0+$0xFFFFFF10];
	[tilespmem:v13+s17+$0x0] =	vst.idx.msk $0xffff, v12  }
0x340: {  	s15 =	simm.s32 $0x145;
	v12 =	vld [tilespmem:s0+$0xFFFFFFD0];
	v13 =	vadd.s32 s14, v1;
	[tilespmem:v4+s17+$0x0] =	vst.idx.msk $0xffff, v3  }
0x341: {  	v60 =	vadd.s32 s15, v1;
	s18 =	simm.s32 $0x30;
	[tilespmem:v6+s17+$0x0] =	vst.idx.msk $0xffff, v5;
	v61 =	vld [tilespmem:s23+$0xFFFFFF40]  }
0x342: {  	s20 =	simm.s32 $0xF3;
	v6 =	vadd.s32 s18, v1;
	[tilespmem:v8+s17+$0x0] =	vst.idx.msk $0xffff, v7;
	v62 =	vld [tilespmem:s23+$0x0]  }
0x343: {  	s22 =	simm.s32 $0x71;
	v63 =	vadd.s32 s20, v1;
	[tilespmem:v10+s17+$0x0] =	vst.idx.msk $0xffff, v9;
	v3 =	vld [tilespmem:s23+$0xFFFFFFC0]  }
0x344: {  	[tilespmem:v15+s17+$0x0] =	vst.idx.msk $0xffff, v14;
	v5 =	vadd.s32 s22, v1;
	v4 =	vld [tilespmem:s23+$0xFFFFFF80];
	s23 =	simm.s32 $0x114  }
0x345: {  	s24 =	simm.s32 $0x1D7;
	[tilespmem:v13+s17+$0x0] =	vst.idx.msk $0xffff, v12;
	v7 =	vld [tilespmem:s0+$0xFFFFFF20];
	v9 =	vadd.s32 s23, v1  }
0x346: {  	s25 =	simm.s32 $0x196;
	[tilespmem:v60+s17+$0x0] =	vst.idx.msk $0xffff, v11;
	v12 =	vadd.s32 s24, v1;
	v10 =	vld [tilespmem:s0+$0xFFFFFFE0]  }
0x347: {  	s31 =	simm.s32 $0xB2;
	s26 =	simm.s32 $0x155;
	s1 =	simm.s32 $0x4;
	v11 =	vadd.s32 s25, v1;
	v8 =	vld [tilespmem:s0+$0xFFFFFFA0];
	[tilespmem:v6+s17+$0x0] =	vst.idx.msk $0xffff, v61  }
0x348: {  	s3 =	simm.s32 $0x1F7;
	v14 =	vadd.s32 s26, v1;
	s4 =	simm.s32 $0x2FB;
	s5 =	simm.s32 $0x8EF0;
	v13 =	vld [tilespmem:s0+$0xFFFFFF60];
	v6 =	vadd.s32 s31, v1;
	[tilespmem:v63+s17+$0x0] =	vst.idx.msk $0xffff, v62  }
.LBB2_18:
0x349: {  	v15 =	vld [tilespmem:s5+$0xFFFFFF50];
	s7 =	sadd.s32 $0xFFFFFF4E, s4;
	s8 =	sadd.s32 $0xFFFFFF8F, s4;
	s1 =	sadd.s32 $0x4, s1;
	[tilespmem:v5+s17+$0x0] =	vst.idx.msk $0xffff, v4  }
0x34a: {  	v16 =	vadd.s32 s7, v1;
	v4 =	vld [tilespmem:s5+$0xFFFFFF90];
	v5 =	vadd.s32 s8, v1;
	p1 =	slt.u32 s1, $0x7C;
	[tilespmem:v9+s17+$0x0] =	vst.idx.msk $0xffff, v7;
	s8 =	sadd.s32 $0xFFFFFF2D, s3;
	s7 =	smov.u32 s3  }
0x34b: {  	s3 =	smov.u32 s4;
	v7 =	vld [tilespmem:s0+$0xFFFFFF30];
	v9 =	vadd.s32 s8, v1;
	[tilespmem:v12+s17+$0x0] =	vst.idx.msk $0xffff, v10;
	s8 =	sadd.s32 $0xFFFFFFF0, s7  }
0x34c: {  	s9 =	sadd.s32 $0xFFFFFFAF, s7;
	[tilespmem:v11+s17+$0x0] =	vst.idx.msk $0xffff, v8;
	v8 =	vld [tilespmem:s0+$0xFFFFFFF0];
	v10 =	vadd.s32 s8, v1  }
0x34d: {  	s8 =	sadd.s32 $0xFFFFFF6E, s7;
	v12 =	vadd.s32 s9, v1;
	[tilespmem:v14+s17+$0x0] =	vst.idx.msk $0xffff, v13;
	v11 =	vld [tilespmem:s0+$0xFFFFFFB0]  }
0x34e: {  	s9 =	sadd.s32 $0xFFFFFF0D, s4;
	v14 =	vadd.s32 s8, v1;
	v13 =	vld [tilespmem:s0+$0xFFFFFF70];
	[tilespmem:v6+s17+$0x0] =	vst.idx.msk $0xffff, v3  }
0x34f: {  	v17 =	vadd.s32 s9, v1;
	s8 =	sadd.s32 $0xFFFFFFD0, s4;
	v6 =	vld [tilespmem:s5+$0xFFFFFF10];
	[tilespmem:v5+s17+$0x0] =	vst.idx.msk $0xffff, v4  }
0x350: {  	v19 =	vadd.s32 s8, v1;
	v18 =	vld [tilespmem:s5+$0xFFFFFFD0];
	[tilespmem:v9+s17+$0x0] =	vst.idx.msk $0xffff, v7  }
0x351: {  	s8 =	sadd.s32 $0xFFFFFF3D, s7;
	v20 =	vld [tilespmem:s0+$0xFFFFFF40];
	[tilespmem:v10+s17+$0x0] =	vst.idx.msk $0xffff, v8  }
0x352: {  	v21 =	vadd.s32 s8, v1;
	[tilespmem:v12+s17+$0x0] =	vst.idx.msk $0xffff, v11;
	v22 =	vld [tilespmem:s0+$0x0]  }
0x353: {  	v23 =	vadd.s32 s7, v1;
	s8 =	sadd.s32 $0xFFFFFF7E, s7;
	[tilespmem:v14+s17+$0x0] =	vst.idx.msk $0xffff, v13;
	v3 =	vld [tilespmem:s0+$0xFFFFFFC0]  }
.Ltmp11:
0x354: {  	s9 =	sadd.s32 $0xFFFFFF1D, s4;
	v5 =	vadd.s32 s8, v1;
	[tilespmem:v17+s17+$0x0] =	vst.idx.msk $0xffff, v6;
	v4 =	vld [tilespmem:s0+$0xFFFFFF80];
	s0 =	smov.u32 s5;
	(pc) =	sbr.rel @p1 .LBB2_18-.Ltmp11, $4  }
0x355: {  	v9 =	vadd.s32 s9, v1;
	s8 =	sadd.s32 $0xFFFFFFE0, s4;
	v7 =	vld [tilespmem:s5+$0xFFFFFF20];
	[tilespmem:v19+s17+$0x0] =	vst.idx.msk $0xffff, v18  }
0x356: {  	s9 =	sadd.s32 $0xFFFFFF9F, s4;
	v12 =	vadd.s32 s8, v1;
	[tilespmem:v16+s17+$0x0] =	vst.idx.msk $0xffff, v15;
	v10 =	vld [tilespmem:s5+$0xFFFFFFE0]  }
0x357: {  	s7 =	sadd.s32 $0xFFFFFFBF, s7;
	s8 =	sadd.s32 $0xFFFFFF5E, s4;
	v11 =	vadd.s32 s9, v1;
	v8 =	vld [tilespmem:s5+$0xFFFFFFA0];
	[tilespmem:v21+s17+$0x0] =	vst.idx.msk $0xffff, v20  }
0x358: {  	s4 =	sadd.s32 $0x104, s4;
	v14 =	vadd.s32 s8, v1;
	v6 =	vadd.s32 s7, v1;
	s5 =	sadd.s32 $0x100, s5;
	v13 =	vld [tilespmem:s0+$0xFFFFFF60];
	[tilespmem:v23+s17+$0x0] =	vst.idx.msk $0xffff, v22  }
0x359: {  	_ =	sdelay $0x3  }
0x35a: {  	s1 =	sadd.s32 $0xFFFFFF2D, s3;
	[tilespmem:v9+s17+$0x0] =	vst.idx.msk $0xffff, v7  }
0x35b: {  	s22 =	sadd.s32 $0xFFFFFFF0, s3;
	v57 =	vadd.s32 s1, v1;
	v7 =	vld [tilespmem:s0+$0xFFFFFF30];
	[tilespmem:v12+s17+$0x0] =	vst.idx.msk $0xffff, v10  }
0x35c: {  	s4 =	sadd.s32 $0xFFFFFFAF, s3;
	v58 =	vadd.s32 s22, v1;
	v10 =	vld [tilespmem:s0+$0xFFFFFFF0];
	[tilespmem:v11+s17+$0x0] =	vst.idx.msk $0xffff, v8  }
0x35d: {  	s23 =	sadd.s32 $0xFFFFFF6E, s3;
	v61 =	vadd.s32 s4, v1;
	[tilespmem:v14+s17+$0x0] =	vst.idx.msk $0xffff, v13;
	v60 =	vld [tilespmem:s0+$0xFFFFFFB0]  }
0x35e: {  	v59 =	vadd.s32 s23, v1;
	v8 =	vld [tilespmem:s0+$0xFFFFFF70];
	_ =	sdelay $0x1  }
0x35f: {  	[tilespmem:v57+s17+$0x0] =	vst.idx.msk $0xffff, v7  }
0x360: {  	s24 =	sadd.s32 $0xFFFFFF3D, s3;
	[tilespmem:v58+s17+$0x0] =	vst.idx.msk $0xffff, v10  }
0x361: {  	v62 =	vadd.s32 s24, v1;
	v7 =	vld [tilespmem:s0+$0xFFFFFF40];
	[tilespmem:v61+s17+$0x0] =	vst.idx.msk $0xffff, v60  }
0x362: {  	s26 =	sadd.s32 $0xFFFFFFBF, s3;
	v10 =	vld [tilespmem:s0+$0x0];
	[tilespmem:v59+s17+$0x0] =	vst.idx.msk $0xffff, v8;
	v8 =	vadd.s32 s3, v1  }
0x363: {  	s25 =	sadd.s32 $0xFFFFFF7E, s3;
	[tilespmem:v5+s17+$0x0] =	vst.idx.msk $0xffff, v4;
	v5 =	vadd.s32 s26, v1;
	v4 =	vld [tilespmem:s0+$0xFFFFFFC0]  }
0x364: {  	s11 =	simm.s32 $0x0;
	v63 =	vadd.s32 s25, v1;
	v11 =	vld [tilespmem:s0+$0xFFFFFF80]  }
0x365: {  	[tilespmem:v6+s17+$0x0] =	vst.idx.msk $0xffff, v3;
	v3 =	vadd.s32 s11, v2  }
0x366: {  	[tilespmem:v62+s17+$0x0] =	vst.idx.msk $0xffff, v7  }
0x367: {  	[tilespmem:v8+s17+$0x0] =	vst.idx.msk $0xffff, v10  }
0x368: {  	[tilespmem:v5+s17+$0x0] =	vst.idx.msk $0xffff, v4  }
0x369: {  	[tilespmem:v63+s17+$0x0] =	vst.idx.msk $0xffff, v11  }
0x36a: {  	s31 =	simm.s32 $0x410;
	v3 =	vld.idx.msk [tilespmem:v3+s17+$0x0], $0xffff  }
0x36b: {  	p4 =	por $0x1, $0x1;
	v4 =	vadd.s32 s31, v2  }
.Ltmp12:
0x36c: {  	_ = 	snop;
	(pc) =	sbr.rel @!p4 .LBB2_20-.Ltmp12, $4  }
0x36d: {  	_ = 	snop  }
0x36e: {  	s3 =	simm.s32 $0xECF0  }
0x36f: {  	s15 =	simm.s32 $0x2;
	p1 =	por $0x0, $0x0;
	p2 =	por $0x0, $0x0;
	[tilespmem:s3+$0xFFFFFF90] =	vst v3  }
0x370: {  	p3 =	por $0x0, $0x0;
	s25 =	simm.s32 $0x80;
	s22 =	simm.s32 $0x1;
	v7 =	vld.idx.msk [tilespmem:v4+s17+$0x0], $0xffff  }
0x371: {  	v3 =	vadd.s32 s22, v2  }
0x372: {  	v4 =	vadd.s32 s15, v2;
	s0 =	simm.s32 $0x820  }
0x373: {  	v5 =	vadd.s32 s0, v2;
	_ =	sdelay $0x2  }
0x374: {  	s20 =	simm.s32 $0x411;
	v3 =	vld.idx.msk [tilespmem:v3+s17+$0x0], $0xffff  }
0x375: {  	s22 =	simm.s32 $0x412;
	v6 =	vadd.s32 s20, v2;
	[tilespmem:s3+$0xFFFFFFA0] =	vst v7;
	v4 =	vld.idx.msk [tilespmem:v4+s17+$0x0], $0xffff  }
0x376: {  	s1 =	simm.s32 $0x0;
	p4 =	por $0x1, $0x1;
	v7 =	vadd.s32 s22, v2;
	v5 =	vld.idx.msk [tilespmem:v5+s17+$0x0], $0xffff  }
.Ltmp13:
0x377: {  	s24 =	sand.u32 $0x380, s25;
	s23 =	sand.u32 $0x1C00, s1;
	(pc) =	sbr.rel @!p4 .LBB2_22-.Ltmp13, $4  }
0x378: {  	s14 =	sor.u32 s24, s23  }
0x379: {  	s1 =	simm.s32 $0xEDF0;
	[tilespmem:s14+$0xEC80] =	vst v3  }
0x37a: {  	s26 =	simm.s32 $0xC30;
	s4 =	simm.s32 $0x821;
	[tilespmem:s1+$0xFFFFFF90] =	vst v4;
	v9 =	vld.idx.msk [tilespmem:v6+s17+$0x0], $0xffff  }
0x37b: {  	s31 =	simm.s32 $0x4;
	p1 =	por $0x1, $0x1;
	v8 =	vadd.s32 s26, v2;
	v12 =	vadd.s32 s4, v2;
	s22 =	simm.s32 $0x3;
	v7 =	vld.idx.msk [tilespmem:v7+s17+$0x0], $0xffff;
	[tilespmem:s3+$0xFFFFFFB0] =	vst v5  }
0x37c: {  	_ = 	snop  }
0x37d: {  	v3 =	vadd.s32 s22, v2  }
0x37e: {  	v4 =	vadd.s32 s31, v2;
	s0 =	simm.s32 $0x822  }
0x37f: {  	v5 =	vadd.s32 s0, v2;
	[tilespmem:s14+$0xEC90] =	vst v9  }
0x380: {  	s8 =	simm.s32 $0xC31;
	v6 =	vld.idx.msk [tilespmem:v12+s17+$0x0], $0xffff  }
0x381: {  	v8 =	vld.idx.msk [tilespmem:v8+s17+$0x0], $0xffff;
	s4 =	simm.s32 $0x1040;
	v9 =	vadd.s32 s8, v2  }
0x382: {  	s9 =	simm.s32 $0x413;
	v10 =	vadd.s32 s4, v2;
	v3 =	vld.idx.msk [tilespmem:v3+s17+$0x0], $0xffff  }
0x383: {  	s10 =	simm.s32 $0x414;
	v11 =	vadd.s32 s9, v2;
	[tilespmem:s1+$0xFFFFFFA0] =	vst v7;
	v7 =	vld.idx.msk [tilespmem:v4+s17+$0x0], $0xffff  }
0x384: {  	s7 =	simm.s32 $0x180;
	s12 =	simm.s32 $0x100;
	p4 =	por $0x1, $0x1;
	v12 =	vadd.s32 s10, v2;
	v13 =	vld.idx.msk [tilespmem:v5+s17+$0x0], $0xffff  }
.Ltmp14:
0x385: {  	s13 =	sand.u32 $0x1C00, s12;
	s18 =	sand.u32 $0x380, s7;
	[tilespmem:s14+$0xECA0] =	vst v6;
	(pc) =	sbr.rel @!p4 .LBB2_24-.Ltmp14, $4  }
0x386: {  	s26 =	sor.u32 s18, s13;
	[tilespmem:s3+$0xFFFFFFC0] =	vst v8;
	v4 =	vld.idx.msk [tilespmem:v9+s17+$0x0], $0xffff  }
0x387: {  	s20 =	simm.s32 $0xC32;
	s23 =	simm.s32 $0x1450;
	s13 =	simm.s32 $0xEEF0;
	[tilespmem:s26+$0xEC80] =	vst v3;
	v3 =	vld.idx.msk [tilespmem:v10+s17+$0x0], $0xffff  }
0x388: {  	s22 =	simm.s32 $0x1041;
	s24 =	simm.s32 $0x823;
	v8 =	vadd.s32 s20, v2;
	v5 =	vadd.s32 s23, v2;
	[tilespmem:s13+$0xFFFFFF90] =	vst v7;
	v9 =	vld.idx.msk [tilespmem:v11+s17+$0x0], $0xffff  }
0x389: {  	p2 =	por $0x1, $0x1;
	s0 =	simm.s32 $0x6;
	v6 =	vadd.s32 s22, v2;
	s22 =	simm.s32 $0x5;
	v7 =	vld.idx.msk [tilespmem:v12+s17+$0x0], $0xffff;
	v12 =	vadd.s32 s24, v2;
	[tilespmem:s1+$0xFFFFFFB0] =	vst v13  }
0x38a: {  	_ =	sdelay $0x2  }
0x38b: {  	v10 =	vadd.s32 s22, v2  }
0x38c: {  	v13 =	vadd.s32 s0, v2;
	v8 =	vld.idx.msk [tilespmem:v8+s17+$0x0], $0xffff;
	s5 =	simm.s32 $0x824;
	[tilespmem:s14+$0xECB0] =	vst v4  }
0x38d: {  	s4 =	simm.s32 $0x1451;
	v14 =	vadd.s32 s5, v2;
	v11 =	vld.idx.msk [tilespmem:v6+s17+$0x0], $0xffff;
	[tilespmem:s3+$0xFFFFFFD0] =	vst v3  }
0x38e: {  	s7 =	simm.s32 $0x1042;
	[tilespmem:s26+$0xEC90] =	vst v9;
	v9 =	vadd.s32 s4, v2;
	v15 =	vld.idx.msk [tilespmem:v5+s17+$0x0], $0xffff  }
0x38f: {  	s5 =	simm.s32 $0xC33;
	v18 =	vadd.s32 s7, v2;
	v12 =	vld.idx.msk [tilespmem:v12+s17+$0x0], $0xffff  }
0x390: {  	s9 =	simm.s32 $0x1860;
	v16 =	vadd.s32 s5, v2;
	[tilespmem:s13+$0xFFFFFFA0] =	vst v7;
	v17 =	vld.idx.msk [tilespmem:v10+s17+$0x0], $0xffff  }
0x391: {  	s8 =	simm.s32 $0x415;
	v7 =	vadd.s32 s9, v2;
	v13 =	vld.idx.msk [tilespmem:v13+s17+$0x0], $0xffff;
	[tilespmem:s1+$0xFFFFFFC0] =	vst v8  }
0x392: {  	s10 =	simm.s32 $0x416;
	v19 =	vadd.s32 s8, v2;
	s7 =	simm.s32 $0x280;
	s8 =	simm.s32 $0x200;
	v22 =	vld.idx.msk [tilespmem:v14+s17+$0x0], $0xffff;
	[tilespmem:s14+$0xECC0] =	vst v11  }
0x393: {  	v21 =	vadd.s32 s10, v2;
	s12 =	sand.u32 $0x1C00, s8;
	s18 =	sand.u32 $0x380, s7;
	s9 =	simm.s32 $0x1861;
	v20 =	vld.idx.msk [tilespmem:v9+s17+$0x0], $0xffff;
	[tilespmem:s3+$0xFFFFFFE0] =	vst v15  }
0x394: {  	p4 =	por $0x1, $0x1;
	s20 =	simm.s32 $0xC34;
	s8 =	sor.u32 s18, s12;
	v23 =	vadd.s32 s9, v2;
	v11 =	vld.idx.msk [tilespmem:v18+s17+$0x0], $0xffff;
	[tilespmem:s26+$0xECA0] =	vst v12  }
.Ltmp15:
0x395: {  	s22 =	simm.s32 $0x1043;
	s24 =	simm.s32 $0xEFF0;
	v8 =	vadd.s32 s20, v2;
	v10 =	vld.idx.msk [tilespmem:v16+s17+$0x0], $0xffff;
	[tilespmem:s8+$0xEC80] =	vst v17;
	(pc) =	sbr.rel @!p4 .LBB2_26-.Ltmp15, $4  }
0x396: {  	s23 =	simm.s32 $0x1452;
	v14 =	vld.idx.msk [tilespmem:v7+s17+$0x0], $0xffff;
	[tilespmem:s24+$0xFFFFFF90] =	vst v13;
	v13 =	vadd.s32 s22, v2  }
0x397: {  	p3 =	por $0x1, $0x1;
	s10 =	simm.s32 $0x825;
	s5 =	simm.s32 $0xEFF0;
	v15 =	vadd.s32 s23, v2;
	v9 =	vld.idx.msk [tilespmem:v19+s17+$0x0], $0xffff  }
0x398: {  	s12 =	simm.s32 $0x1C70;
	s4 =	simm.s32 $0xECF0;
	s9 =	simm.s32 $0x8;
	v12 =	vadd.s32 s10, v2;
	v7 =	vld.idx.msk [tilespmem:v21+s17+$0x0], $0xffff;
	[tilespmem:s14+$0xECD0] =	vst v20  }
0x399: {  	s23 =	simm.s32 $0x0;
	s22 =	simm.s32 $0x7;
	v16 =	vadd.s32 s12, v2;
	s12 =	smov.u32 s14;
	[tilespmem:s13+$0xFFFFFFB0] =	vst v22;
	v17 =	vld.idx.msk [tilespmem:v23+s17+$0x0], $0xffff  }
.LBB2_27:
0x39a: {  	p4 =	slt.u32 s9, $0x3E;
	v18 =	vadd.s32 s22, v2;
	v8 =	vld.idx.msk [tilespmem:v8+s17+$0x0], $0xffff;
	[tilespmem:s26+$0xECB0] =	vst v10;
	s10 =	sadd.s32 $0x1C71, s23;
	s23 =	smov.u32 s15  }
0x39b: {  	s15 =	smov.u32 s31;
	s31 =	smov.u32 s0;
	s0 =	smov.u32 s9;
	[tilespmem:s1+$0xFFFFFFD0] =	vst v11;
	v10 =	vld.idx.msk [tilespmem:v13+s17+$0x0], $0xffff;
	v11 =	vadd.s32 s10, v2  }
0x39c: {  	v13 =	vadd.s32 s9, v2;
	s10 =	sadd.s32 $0x1451, s23;
	[tilespmem:s8+$0xEC90] =	vst v9;
	v9 =	vld.idx.msk [tilespmem:v15+s17+$0x0], $0xffff  }
0x39d: {  	s20 =	sadd.s32 $0x820, s31;
	v15 =	vadd.s32 s10, v2;
	v12 =	vld.idx.msk [tilespmem:v12+s17+$0x0], $0xffff;
	[tilespmem:s4+$0xFFFFFFF0] =	vst v14  }
0x39e: {  	s10 =	sadd.s32 $0xC31, s15;
	[tilespmem:s24+$0xFFFFFFA0] =	vst v7;
	v7 =	vadd.s32 s20, v2;
	v14 =	vld.idx.msk [tilespmem:v16+s17+$0x0], $0xffff  }
0x39f: {  	s20 =	sadd.s32 $0x1040, s15;
	v16 =	vld.idx.msk [tilespmem:v18+s17+$0x0], $0xffff;
	v18 =	vadd.s32 s10, v2;
	[tilespmem:s12+$0xECE0] =	vst v17  }
0x3a0: {  	s10 =	sadd.s32 $0x411, s31;
	v17 =	vadd.s32 s20, v2;
	[tilespmem:s13+$0xFFFFFFC0] =	vst v8;
	v19 =	vld.idx.msk [tilespmem:v11+s17+$0x0], $0xffff  }
0x3a1: {  	s7 =	sadd.s32 $0x100, s7;
	v20 =	vld.idx.msk [tilespmem:v13+s17+$0x0], $0xffff;
	v13 =	vadd.s32 s10, v2;
	s10 =	sadd.s32 $0x1860, s23;
	[tilespmem:s26+$0xECC0] =	vst v10  }
0x3a2: {  	s22 =	sadd.s32 $0xFFFFFF80, s7;
	s20 =	sadd.s32 $0x410, s9;
	[tilespmem:s1+$0xFFFFFFE0] =	vst v9;
	v21 =	vadd.s32 s10, v2;
	v22 =	vld.idx.msk [tilespmem:v15+s17+$0x0], $0xffff  }
0x3a3: {  	v23 =	vadd.s32 s20, v2;
	s20 =	sand.u32 $0x380, s7;
	s10 =	sand.u32 $0x1C00, s22;
	s22 =	sadd.s32 $0x1861, s23;
	v24 =	vld.idx.msk [tilespmem:v7+s17+$0x0], $0xffff;
	[tilespmem:s8+$0xECA0] =	vst v12  }
0x3a4: {  	s18 =	sadd.s32 $0xC30, s31;
	s10 =	sor.u32 s20, s10;
	v10 =	vld.idx.msk [tilespmem:v18+s17+$0x0], $0xffff;
	v18 =	vadd.s32 s22, v2;
	[tilespmem:s4+$0x0] =	vst v14;
	s4 =	smov.u32 s1  }
.Ltmp16:
0x3a5: {  	v8 =	vadd.s32 s18, v2;
	s18 =	sadd.s32 $0x1041, s15;
	s1 =	smov.u32 s13;
	[tilespmem:s10+$0xEC80] =	vst v16;
	v11 =	vld.idx.msk [tilespmem:v17+s17+$0x0], $0xffff;
	(pc) =	sbr.rel @p4 .LBB2_27-.Ltmp16, $4  }
0x3a6: {  	s24 =	sadd.s32 $0x100, s24;
	s13 =	sadd.s32 $0x1450, s15;
	v9 =	vld.idx.msk [tilespmem:v13+s17+$0x0], $0xffff;
	v13 =	vadd.s32 s18, v2;
	[tilespmem:s12+$0xECF0] =	vst v19;
	s12 =	smov.u32 s26  }
0x3a7: {  	v15 =	vadd.s32 s13, v2;
	s18 =	sadd.s32 $0x821, s31;
	s26 =	smov.u32 s8;
	s8 =	smov.u32 s10;
	[tilespmem:s24+$0xFFFFFF90] =	vst v20;
	v14 =	vld.idx.msk [tilespmem:v21+s17+$0x0], $0xffff  }
0x3a8: {  	s13 =	smov.u32 s5;
	s5 =	smov.u32 s24;
	s10 =	sadd.s32 $0x1C70, s23;
	v12 =	vadd.s32 s18, v2;
	v7 =	vld.idx.msk [tilespmem:v23+s17+$0x0], $0xffff;
	[tilespmem:s12+$0xECD0] =	vst v22  }
0x3a9: {  	s9 =	sadd.s32 $0x2, s9;
	s22 =	sadd.s32 $0x1, s0;
	v16 =	vadd.s32 s10, v2;
	[tilespmem:s13+$0xFFFFFFB0] =	vst v24;
	v17 =	vld.idx.msk [tilespmem:v18+s17+$0x0], $0xffff  }
0x3aa: {  	s20 =	smov.u32 s26;
	s10 =	smov.u32 s15;
	s9 =	smov.u32 s1  }
0x3ab: {  	s15 =	smov.u32 s0;
	s26 =	smov.u32 s8;
	s1 =	smov.u32 s5  }
.LBB2_29:
0x3ac: {  	v18 =	vadd.s32 s22, v2;
	_ =	sdelay $0x4  }
0x3ad: {  	s0 =	sadd.s32 $0x411, s15;
	s5 =	sadd.s32 @p1 $0x100, s7;
	v18 =	vld.idx.msk [tilespmem:v18+s17+$0x0], $0xffff  }
0x3ae: {  	v19 =	vadd.s32 s0, v2;
	s25 =	smov.u32 @p1 s5  }
0x3af: {  	s8 =	sadd.s32 $0x820, s15;
	s7 =	sadd.s32 $0xFFFFFF80, s25  }
0x3b0: {  	v52 =	vadd.s32 s8, v2;
	s5 =	sand.u32 $0x380, s25;
	s0 =	sand.u32 $0x1C00, s7  }
0x3b1: {  	s0 =	sor.u32 s5, s0  }
0x3b2: {  	[tilespmem:s0+$0xEC80] =	vst v18  }
0x3b3: {  	s18 =	sadd.s32 $0x821, s15;
	[tilespmem:s26+$0xEC90] =	vst @p1 v9;
	s7 =	smov.u32 @p1 s31;
	v19 =	vld.idx.msk [tilespmem:v19+s17+$0x0], $0xffff  }
0x3b4: {  	v53 =	vadd.s32 s18, v2;
	v12 =	vld.idx.msk @p1 [tilespmem:v12+s17+$0x0], $0xffff;
	[tilespmem:s24+$0xFFFFFFA0] =	vst v7;
	s5 =	sadd.s32 @p1 $0xC31, s7  }
0x3b5: {  	s22 =	sadd.s32 $0xC30, s15;
	v20 =	vadd.s32 @p1 s5, v2;
	v7 =	vld.idx.msk [tilespmem:v52+s17+$0x0], $0xffff  }
0x3b6: {  	v54 =	vadd.s32 s22, v2  }
0x3b7: {  	[tilespmem:s9+$0xFFFFFFD0] =	vst @p2 v11  }
0x3b8: {  	v8 =	vld.idx.msk @p1 [tilespmem:v8+s17+$0x0], $0xffff;
	s8 =	sadd.s32 @p1 $0x1040, s7;
	[tilespmem:s0+$0xEC90] =	vst v19  }
0x3b9: {  	s24 =	sadd.s32 $0xC31, s15;
	v11 =	vadd.s32 @p1 s8, v2;
	[tilespmem:s26+$0xECA0] =	vst @p1 v12;
	v9 =	vld.idx.msk [tilespmem:v53+s17+$0x0], $0xffff  }
0x3ba: {  	v55 =	vadd.s32 s24, v2;
	v18 =	vld.idx.msk @p1 [tilespmem:v20+s17+$0x0], $0xffff;
	[tilespmem:s1+$0xFFFFFFB0] =	vst v7  }
0x3bb: {  	[tilespmem:s20+$0xECB0] =	vst @p2 v10;
	s25 =	sadd.s32 $0x1040, s15;
	s5 =	sadd.s32 @p1 $0x1041, s7;
	v10 =	vld.idx.msk [tilespmem:v54+s17+$0x0], $0xffff  }
0x3bc: {  	[tilespmem:s4+$0xFFFFFFF0] =	vst @p3 v14;
	v56 =	vadd.s32 s25, v2;
	v14 =	vadd.s32 @p1 s5, v2  }
0x3bd: {  	v13 =	vld.idx.msk @p2 [tilespmem:v13+s17+$0x0], $0xffff;
	s8 =	sadd.s32 @p3 $0x1C71, s23;
	[tilespmem:s13+$0xFFFFFFC0] =	vst @p1 v8;
	v6 =	vpsel p1, v14, v6  }
0x3be: {  	s18 =	smov.u32 @p1 s26;
	v11 =	vld.idx.msk @p1 [tilespmem:v11+s17+$0x0], $0xffff;
	v7 =	vadd.s32 @p3 s8, v2;
	[tilespmem:s0+$0xECA0] =	vst v9  }
0x3bf: {  	[tilespmem:s12+$0xECE0] =	vst @p3 v17;
	s14 =	smov.u32 @p1 s18;
	s31 =	sadd.s32 $0x1041, s15;
	s5 =	smov.u32 @p2 s10;
	v9 =	vld.idx.msk [tilespmem:v55+s17+$0x0], $0xffff  }
0x3c0: {  	v15 =	vld.idx.msk @p2 [tilespmem:v15+s17+$0x0], $0xffff;
	s22 =	sadd.s32 @p1 $0x1450, s7;
	s11 =	smov.u32 @p1 s7;
	v57 =	vadd.s32 s31, v2;
	s10 =	sadd.s32 @p2 $0x1451, s5;
	v4 =	vpsel p1, v18, v4;
	[tilespmem:s1+$0xFFFFFFC0] =	vst v10  }
0x3c1: {  	s18 =	sadd.s32 $0x1450, s15;
	v17 =	vadd.s32 @p1 s22, v2;
	s7 =	smov.u32 @p1 s11;
	v14 =	vadd.s32 @p2 s10, v2;
	[tilespmem:s14+$0xECB0] =	vst @p1 v4;
	v8 =	vld.idx.msk [tilespmem:v56+s17+$0x0], $0xffff  }
0x3c2: {  	v58 =	vadd.s32 s18, v2;
	s8 =	sadd.s32 @p1 $0x1451, s7;
	v4 =	vpsel p1, v17, v5;
	v5 =	vld.idx.msk @p1 [tilespmem:v6+s17+$0x0], $0xffff  }
0x3c3: {  	[tilespmem:s20+$0xECC0] =	vst @p2 v13;
	v6 =	vld.idx.msk @p3 [tilespmem:v7+s17+$0x0], $0xffff;
	v7 =	vadd.s32 @p1 s8, v2;
	s8 =	smov.u32 @p1 s13  }
0x3c4: {  	v16 =	vld.idx.msk @p3 [tilespmem:v16+s17+$0x0], $0xffff;
	s10 =	sadd.s32 @p2 $0x1860, s5;
	v3 =	vpsel p1, v11, v3;
	s3 =	smov.u32 @p1 s8;
	[tilespmem:s0+$0xECB0] =	vst v9  }
0x3c5: {  	s22 =	sadd.s32 $0x1451, s15;
	v10 =	vadd.s32 @p2 s10, v2;
	[tilespmem:s3+$0xFFFFFFD0] =	vst @p1 v3;
	v59 =	vld.idx.msk [tilespmem:v57+s17+$0x0], $0xffff  }
0x3c6: {  	v12 =	vld.idx.msk @p2 [tilespmem:v14+s17+$0x0], $0xffff;
	s10 =	sadd.s32 @p2 $0x1861, s5;
	v3 =	vadd.s32 s22, v2;
	[tilespmem:s1+$0xFFFFFFD0] =	vst v8  }
0x3c7: {  	s23 =	sadd.s32 $0x1860, s15;
	[tilespmem:s9+$0xFFFFFFE0] =	vst @p2 v15;
	v13 =	vadd.s32 @p2 s10, v2;
	v8 =	vld.idx.msk [tilespmem:v58+s17+$0x0], $0xffff  }
0x3c8: {  	v60 =	vadd.s32 s23, v2;
	s8 =	sadd.s32 @p1 $0x1860, s7;
	v4 =	vld.idx.msk @p1 [tilespmem:v4+s17+$0x0], $0xffff;
	[tilespmem:s14+$0xECC0] =	vst @p1 v5  }
0x3c9: {  	[tilespmem:s4+$0x0] =	vst @p3 v16;
	s4 =	sadd.s32 @p1 $0x1861, s7;
	v5 =	vadd.s32 @p1 s8, v2;
	v7 =	vld.idx.msk @p1 [tilespmem:v7+s17+$0x0], $0xffff  }
0x3ca: {  	v14 =	vadd.s32 @p1 s4, v2;
	s4 =	smov.u32 @p2 s20;
	v10 =	vld.idx.msk @p2 [tilespmem:v10+s17+$0x0], $0xffff;
	[tilespmem:s0+$0xECC0] =	vst v59  }
0x3cb: {  	s24 =	sadd.s32 $0x1861, s15;
	s10 =	sadd.s32 @p2 $0x1C70, s5;
	[tilespmem:s4+$0xECD0] =	vst @p2 v12;
	v3 =	vld.idx.msk [tilespmem:v3+s17+$0x0], $0xffff  }
0x3cc: {  	v61 =	vadd.s32 s24, v2;
	v11 =	vadd.s32 @p2 s10, v2;
	v12 =	vld.idx.msk @p2 [tilespmem:v13+s17+$0x0], $0xffff;
	[tilespmem:s1+$0xFFFFFFE0] =	vst v8  }
0x3cd: {  	s25 =	sadd.s32 $0x1C70, s15;
	s5 =	smov.u32 @p2 s5;
	s10 =	smov.u32 @p1 s14;
	v11 =	vpsel p2, v11, v0;
	[tilespmem:s3+$0xFFFFFFE0] =	vst @p1 v4;
	v9 =	vld.idx.msk [tilespmem:v60+s17+$0x0], $0xffff  }
0x3ce: {  	v62 =	vadd.s32 s25, v2;
	s5 =	sadd.s32 @p2 $0x1C71, s5;
	s8 =	sadd.s32 @p1 $0x1C70, s7;
	v5 =	vld.idx.msk @p1 [tilespmem:v5+s17+$0x0], $0xffff;
	[tilespmem:s10+$0xECD0] =	vst @p1 v7  }
0x3cf: {  	[tilespmem:s12+$0xECF0] =	vst @p3 v6;
	v6 =	vadd.s32 @p2 s5, v2;
	s5 =	smov.u32 @p1 s7;
	s7 =	smov.u32 @p2 s9;
	v7 =	vadd.s32 @p1 s8, v2;
	v13 =	vld.idx.msk @p1 [tilespmem:v14+s17+$0x0], $0xffff  }
0x3d0: {  	s5 =	sadd.s32 @p1 $0x1C71, s5;
	s7 =	smov.u32 @p2 s7;
	v7 =	vpsel p1, v7, v0;
	v8 =	vpsel p2, v10, v0;
	[tilespmem:s0+$0xECD0] =	vst v3  }
0x3d1: {  	v10 =	vadd.s32 @p1 s5, v2;
	s5 =	sadd.s32 $0x1C71, s15;
	[tilespmem:s7+$0xFFFFFFF0] =	vst @p2 v8;
	v4 =	vld.idx.msk [tilespmem:v61+s17+$0x0], $0xffff  }
0x3d2: {  	s4 =	smov.u32 @p2 s4;
	v2 =	vadd.s32 s5, v2;
	v11 =	vld.idx.msk @p2 [tilespmem:v11+s17+$0x0], $0xffff;
	[tilespmem:s1+$0xFFFFFFF0] =	vst v9;
	v3 =	vpsel p2, v12, v0  }
0x3d3: {  	s3 =	smov.u32 @p1 s3;
	v63 =	vld.idx.msk [tilespmem:v62+s17+$0x0], $0xffff;
	[tilespmem:s4+$0xECE0] =	vst @p2 v3;
	v3 =	vpsel p1, v5, v0  }
0x3d4: {  	s5 =	smov.u32 @p1 s10;
	v5 =	vld.idx.msk @p2 [tilespmem:v6+s17+$0x0], $0xffff;
	v6 =	vpsel p1, v13, v0;
	[tilespmem:s3+$0xFFFFFFF0] =	vst @p1 v3  }
0x3d5: {  	v3 =	vld.idx.msk @p1 [tilespmem:v7+s17+$0x0], $0xffff;
	[tilespmem:s5+$0xECE0] =	vst @p1 v6  }
0x3d6: {  	v6 =	vld.idx.msk @p1 [tilespmem:v10+s17+$0x0], $0xffff;
	[tilespmem:s0+$0xECE0] =	vst v4  }
0x3d7: {  	[tilespmem:s7+$0x0] =	vst @p2 v11;
	v2 =	vld.idx.msk [tilespmem:v2+s17+$0x0], $0xffff  }
0x3d8: {  	[tilespmem:s1+$0x0] =	vst v63  }
0x3d9: {  	[tilespmem:s4+$0xECF0] =	vst @p2 v5  }
0x3da: {  	[tilespmem:s3+$0x0] =	vst @p1 v3  }
0x3db: {  	[tilespmem:s5+$0xECF0] =	vst @p1 v6  }
0x3dc: {  	[tilespmem:s0+$0xECF0] =	vst v2;
	s0 =	simm.s32 @!p0 $0x4  }
0x3dd: {  	_ =	swait.ge @!p0 [sflag:s0], $0x2000  }
0x3de: {  	s29 =	sadd.s32 $0x1, s29;
	[sflag:s0] =	ssyncset.done @!p0 $0x0  }
0x3df: {  	[sflag:s0] =	ssyncadd.s32 @!p0 $0xFFFFE000;
	p0 =	sne.s32 s29, $0x32  }
.Ltmp17:
0x3e0: {  	s26 =	sshll.u32 s30, $0x14;
	(pc) =	sbr.rel @p0 .LBB2_5-.Ltmp17, $4  }
.Ltmp18:
0x3e1: {  	s1 =	sadd.s32 s28, s26;
	(pc) =	sbr.rel @!p0 .LBB2_30-.Ltmp18, $4  }
0x3e2: {  	s1 =	sshrl.u32 s1, $0x3;
	s18 =	rddreg [dreg:$0x1]  }
0x3e3: {  	s31 =	simm.s32 $0xEC80;
	s26 =	simm.s32 $0x400;
	s30 =	sadd.s32 s18, s1  }
0x3e4: {  	[hbm4b:s30+s26] =	stream.strided.scatter [tilespmem:s31], [sflag:$0x4], $0x2000, s19, s26, $0x38;
	[tilespmem:$0x10C80] =	vst v63  }
0x3e5: {  	_ = 	snop  }
.LBB2_8:
.Ltmp19:
0x3e6: {  	(pc) =	sbr.rel .LBB2_17-.Ltmp19, $3  }
0x3e7: {  	_ =	sdelay $0x1  }
0x3e8: {  	s25 =	smov.u32 s3  }
0x3e9: {  	v4 =	vmov v3;
	v2 =	vmov v3;
	s13 =	simm.s32 $0xCCC0;
	s31 =	simm.s32 $0x0;
	s11 =	simm.s32 $0xCCC0  }
.LBB2_20:
.Ltmp20:
0x3ea: {  	(pc) =	sbr.rel .LBB2_29-.Ltmp20, $3  }
0x3eb: {  	_ =	sdelay $0x1  }
0x3ec: {  	s15 =	simm.s32 $0x0  }
0x3ed: {  	s24 =	simm.s32 $0xECF0;
	s7 =	simm.s32 $0x80;
	s1 =	simm.s32 $0xECF0  }
.LBB2_10:
.Ltmp21:
0x3ee: {  	(pc) =	sbr.rel .LBB2_17-.Ltmp21, $4  }
0x3ef: {  	_ = 	snop  }
0x3f0: {  	s22 =	simm.s32 $0x823  }
0x3f1: {  	s15 =	simm.s32 $0xCCC0;
	s23 =	smov.u32 s3;
	s13 =	simm.s32 $0xCDC0  }
0x3f2: {  	v24 =	vmov v3;
	v4 =	vmov v6;
	s1 =	simm.s32 $0x0;
	s25 =	smov.u32 s12;
	s31 =	simm.s32 $0x2;
	v2 =	vmov v6  }
.LBB2_22:
.Ltmp22:
0x3f3: {  	(pc) =	sbr.rel .LBB2_29-.Ltmp22, $3  }
0x3f4: {  	_ =	sdelay $0x1  }
0x3f5: {  	s31 =	simm.s32 $0x0;
	s26 =	smov.u32 s14  }
0x3f6: {  	s24 =	simm.s32 $0xEDF0;
	s13 =	simm.s32 $0xECF0;
	s7 =	simm.s32 $0x80  }
.LBB2_12:
.Ltmp23:
0x3f7: {  	(pc) =	sbr.rel .LBB2_17-.Ltmp23, $4  }
0x3f8: {  	_ = 	snop  }
0x3f9: {  	s7 =	simm.s32 $0xCCC0  }
0x3fa: {  	s15 =	simm.s32 $0xCDC0;
	v13 =	vmov v5;
	v4 =	vmov v2;
	s14 =	smov.u32 s3;
	s23 =	smov.u32 s12  }
0x3fb: {  	v16 =	vmovc v8;
	v15 =	vmovc v7;
	v18 =	vmov v9;
	s8 =	simm.s32 $0x0;
	s1 =	simm.s32 $0x2;
	v23 =	vmov v3;
	v24 =	vmov v6;
	s11 =	simm.s32 $0xCEC0  }
.LBB2_24:
.Ltmp24:
0x3fc: {  	(pc) =	sbr.rel .LBB2_29-.Ltmp24, $4  }
0x3fd: {  	_ = 	snop  }
0x3fe: {  	s10 =	simm.s32 $0x0;
	s9 =	simm.s32 $0xECF0  }
0x3ff: {  	s31 =	simm.s32 $0x2;
	s15 =	simm.s32 $0x4;
	s20 =	smov.u32 s14  }
0x400: {  	v13 =	vmovc v6;
	v15 =	vmov v5;
	s24 =	simm.s32 $0xEEF0;
	s13 =	simm.s32 $0xEDF0;
	s1 =	simm.s32 $0xEEF0;
	v10 =	vmov v4;
	v11 =	vmov v3  }
.LBB2_14:
.Ltmp25:
0x401: {  	(pc) =	sbr.rel .LBB2_17-.Ltmp25, $4  }
0x402: {  	s7 =	simm.s32 $0xCDC0;
	s22 =	simm.s32 $0x827  }
0x403: {  	s15 =	simm.s32 $0xCEC0;
	s23 =	smov.u32 s25;
	s13 =	simm.s32 $0xCFC0  }
0x404: {  	s14 =	smov.u32 s12;
	s1 =	simm.s32 $0x4;
	s25 =	smov.u32 s24  }
0x405: {  	v24 =	vmov v2;
	v23 =	vmov v6;
	s31 =	simm.s32 $0x6;
	s4 =	smov.u32 s3;
	s11 =	simm.s32 $0xCFC0;
	v2 =	vmov v4  }
.LBB2_26:
.Ltmp26:
0x406: {  	(pc) =	sbr.rel .LBB2_29-.Ltmp26, $4  }
0x407: {  	_ = 	snop  }
0x408: {  	s20 =	smov.u32 s26;
	s23 =	simm.s32 $0x0;
	s10 =	simm.s32 $0x2  }
0x409: {  	s9 =	simm.s32 $0xEDF0;
	s15 =	simm.s32 $0x6;
	s26 =	smov.u32 s8  }
0x40a: {  	s4 =	simm.s32 $0xECF0;
	s12 =	smov.u32 s14;
	s1 =	simm.s32 $0xEFF0  }
.LBB2_32:
0x40b: {  	_ =	sfence.sel $0x180000  }
0x40c: {  	[bflag:$0x0] =	sbarrier.arrive $0xFFFF  }
0x40d: {  	_ =	strace $0x90000047  }
0x40e: {  	s0 =	stileid.u32;
	[bflag:$0x2] =	sbarrier.arrive $0xFFFF  }
0x40f: {  	p0 =	sne.s32 s0, $0x0;
	s0 =	rddreg [dreg:$0x2]  }
0x410: {  	s0 =	sadd.s32 @!p0 $0x100000, s0  }
0x411: {  	[sflag:s0] =	ssyncadd.tile.s32 @!p0 $0x1;
	_ =	shalt  }
.Lfunc_end2:
_tile_overlayer_lowered:
.L_overlay_start_2:
0x412: {  	(tag) =	ssettag $0x2  }
0x413: {  	s0 =	rddreg [dreg:$0x0];
	s2 =	stileid.u32  }
0x414: {  	s1 =	rddreg [dreg:$0x1];
	p0 =	sne.s32 s2, $0x0  }
0x415: {  	s3 =	rddreg [dreg:$0x2];
	[bflag:$0x3] =	sbarrier.arrive $0xFFFF;
	s2 =	simm.s32 @!p0 $0x1C05  }
0x416: {  	[timem:s3], [sflag:s2] =	dma.local @!p0 [hbm:s0], s1  }
0x417: {  	s0 =	simm.s32 @!p0 $0x5  }
0x418: {  	_ =	swait.ge @!p0 [sflag:s0], s1  }
0x419: {  	s1 =	ssub.s32 @!p0 $0x0, s1;
	[sflag:s0] =	ssyncset.done @!p0 $0x0  }
0x41a: {  	[sflag:s0] =	ssyncadd.s32 @!p0 s1  }
0x41b: {  	[bflag:$0x3] =	sbarrier.arrive $0xFFFF  }
0x41c: {  	_ =	shalt  }

</sc_bundles>
